<compile_context>
chip_gen: v7x
topology: tpu7x:2x2x1
jax: 0.10.2.dev20260603
libtpu: 0.0.44.dev20260713+nightly
codegen_flags: <defaults>
</compile_context>

<pallas_src>
import functools

import jax
import jax.numpy as jnp
from jax import lax
from jax.experimental import pallas as pl
from jax.experimental.pallas import tpu as pltpu
from jax.experimental.pallas import tpu_sc as plsc

N_NODES = 10000
F = 128
NC = 2
NS = 16
NW = NC * NS
CHUNK = 128
BK = 8
DUMMY_ROWS = 16
DEG_W = 8


def _sc_mesh():
    return plsc.VectorSubcoreMesh(
        core_axis_name="c", subcore_axis_name="s", num_cores=NC, num_subcores=NS
    )


def _make_deg_kernel(n_nodes, nblk):
    mesh = _sc_mesh()

    @functools.partial(
        pl.kernel,
        out_type=jax.ShapeDtypeStruct((NC, n_nodes, F), jnp.float32),
        mesh=mesh,
        scratch_types=[
            pltpu.VMEM((nblk, BK, CHUNK), jnp.int32),
            pltpu.VMEM((CHUNK, F), jnp.float32),
            pltpu.VMEM_SHARED((n_nodes + DUMMY_ROWS, F), jnp.float32),
            pltpu.SemaphoreType.DMA,
        ],
    )
    def deg_kernel(dst_hbm, ones_hbm, zeros_hbm, out_hbm, dst_v, ones_v, table,
                   sem):
        cid = lax.axis_index("c")
        sid = lax.axis_index("s")
        wid = cid * NS + sid

        rpt = (n_nodes // NS) // 8 * 8
        rem = n_nodes - rpt * NS
        sl = pl.ds(sid * rpt, rpt)
        pltpu.sync_copy(zeros_hbm.at[sl], table.at[sl])
        if rem:
            @pl.when(sid == NS - 1)
            def _():
                rsl = pl.ds(NS * rpt, rem)
                pltpu.sync_copy(zeros_hbm.at[rsl], table.at[rsl])
        pltpu.sync_copy(ones_hbm, ones_v)
        pltpu.sync_copy(dst_hbm.at[wid], dst_v)
        plsc.subcore_barrier()

        def body(k, carry):
            for j in range(BK):
                pltpu.async_copy(ones_v, table.at[dst_v.at[k, j]], sem,
                                 add=True)

            @pl.when(k >= 1)
            def _():
                for j in range(BK):
                    pltpu.make_async_copy(ones_v, table.at[dst_v.at[0, 0]],
                                          sem).wait()
            return carry

        lax.fori_loop(0, nblk, body, 0)
        for _ in range(BK):
            pltpu.make_async_copy(ones_v, table.at[dst_v.at[0, 0]], sem).wait()
        plsc.subcore_barrier()

        @pl.when(sid == 0)
        def _():
            pltpu.sync_copy(table.at[pl.ds(0, n_nodes)], out_hbm.at[cid])

    return deg_kernel


def _make_agg_kernel(n_nodes, nblk):
    mesh = _sc_mesh()

    @functools.partial(
        pl.kernel,
        out_type=jax.ShapeDtypeStruct((NC, n_nodes, F), jnp.float32),
        mesh=mesh,
        scratch_types=[
            pltpu.VMEM((2, BK, CHUNK), jnp.int32),
            pltpu.VMEM((2, BK, CHUNK), jnp.int32),
            pltpu.VMEM((CHUNK, F), jnp.float32),
            pltpu.VMEM((CHUNK, F), jnp.float32),
            pltpu.VMEM_SHARED((n_nodes + DUMMY_ROWS, F), jnp.float32),
            pltpu.SemaphoreType.DMA,
            pltpu.SemaphoreType.DMA,
            pltpu.SemaphoreType.DMA,
            pltpu.SemaphoreType.DMA,
            pltpu.SemaphoreType.DMA,
        ],
    )
    def agg_kernel(hp_hbm, src_hbm, dst_hbm, zeros_hbm, out_hbm,
                   srg, dsg, rows0, rows1, acc, si, sg0, sg1, ss0, ss1):
        cid = lax.axis_index("c")
        sid = lax.axis_index("s")
        wid = cid * NS + sid

        rpt = (n_nodes // NS) // 8 * 8
        rem = n_nodes - rpt * NS
        sl = pl.ds(sid * rpt, rpt)
        rsl = pl.ds(NS * rpt, rem)

        @pl.when(cid == 0)
        def _():
            pltpu.sync_copy(hp_hbm.at[sl], acc.at[sl])

        @pl.when(cid != 0)
        def _():
            pltpu.sync_copy(zeros_hbm.at[sl], acc.at[sl])

        if rem:
            @pl.when(sid == NS - 1)
            def _():
                @pl.when(cid == 0)
                def _():
                    pltpu.sync_copy(hp_hbm.at[rsl], acc.at[rsl])

                @pl.when(cid != 0)
                def _():
                    pltpu.sync_copy(zeros_hbm.at[rsl], acc.at[rsl])

        pltpu.async_copy(src_hbm.at[wid, 0], srg.at[0], si)
        pltpu.async_copy(dst_hbm.at[wid, 0], dsg.at[0], si)
        plsc.subcore_barrier()
        pltpu.make_async_copy(src_hbm.at[wid, 0], srg.at[0], si).wait()
        pltpu.make_async_copy(dst_hbm.at[wid, 0], dsg.at[0], si).wait()

        assert BK >= 4 and BK % 2 == 0

        def blk(k, carry):
            slot = lax.rem(k, 2)
            nslot = lax.rem(k + 1, 2)
            for j in range(BK):
                if j == 0:
                    @pl.when(k + 1 < nblk)
                    def _():
                        kn = jnp.minimum(k + 1, nblk - 1)
                        pltpu.async_copy(src_hbm.at[wid, kn], srg.at[nslot],
                                         si)
                        pltpu.async_copy(dst_hbm.at[wid, kn], dsg.at[nslot],
                                         si)
                if j == BK - 1:
                    @pl.when(k + 1 < nblk)
                    def _():
                        pltpu.make_async_copy(src_hbm.at[wid, 0], srg.at[0],
                                              si).wait()
                        pltpu.make_async_copy(dst_hbm.at[wid, 0], dsg.at[0],
                                              si).wait()
                pltpu.sync_copy(hp_hbm.at[srg.at[slot, j]], rows0)
                pltpu.sync_copy(rows0, acc.at[dsg.at[slot, j]], add=True)
            return carry

        lax.fori_loop(0, nblk, blk, 0)
        plsc.subcore_barrier()

        pltpu.sync_copy(acc.at[sl], out_hbm.at[cid, sl])
        if rem:
            @pl.when(sid == NS - 1)
            def _():
                pltpu.sync_copy(acc.at[rsl], out_hbm.at[cid, rsl])

    return agg_kernel


BLK = 1000


def _dinv(d0_ref, d1_ref):
    deg = d0_ref[:, 0:1] + d1_ref[:, 0:1] + 1.0
    return lax.rsqrt(deg)


def _stage_a_body(d0_ref, d1_ref, x_ref, w_ref, hp_ref):
    dinv = _dinv(d0_ref, d1_ref)
    hp_ref[...] = jnp.dot(
        x_ref[...] * dinv, w_ref[...], preferred_element_type=jnp.float32
    )


def _stage_b_body(d0_ref, d1_ref, a0_ref, a1_ref, b_ref, w_ref, hp_ref):
    dinv = _dinv(d0_ref, d1_ref)
    s = a0_ref[...] + a1_ref[...]
    t = jnp.maximum(dinv * s + b_ref[...], 0.0)
    hp_ref[...] = jnp.dot(
        t * dinv, w_ref[...], preferred_element_type=jnp.float32
    )


def _stage_c_body(d0_ref, d1_ref, a0_ref, a1_ref, b_ref, w_ref, bc_ref, o_ref):
    dinv = _dinv(d0_ref, d1_ref)
    s = a0_ref[...] + a1_ref[...]
    t = jnp.maximum(dinv * s + b_ref[...], 0.0)
    o_ref[...] = jnp.dot(
        t, w_ref[...], preferred_element_type=jnp.float32
    ) + bc_ref[...]


def _row_spec(width):
    return pl.BlockSpec((BLK, width), lambda i: (i, 0))


def _full_spec(shape):
    return pl.BlockSpec(shape, lambda i: tuple(0 for _ in shape))


def _stage_a(d0, d1, x, w):
    n = x.shape[0]
    return pl.pallas_call(
        _stage_a_body,
        grid=(n // BLK,),
        in_specs=[_row_spec(DEG_W), _row_spec(DEG_W), _row_spec(F),
                  _full_spec((F, F))],
        out_specs=_row_spec(F),
        out_shape=jax.ShapeDtypeStruct((n, F), jnp.float32),
    )(d0, d1, x, w)


def _stage_b(d0, d1, a0, a1, b, w):
    n = a0.shape[0]
    return pl.pallas_call(
        _stage_b_body,
        grid=(n // BLK,),
        in_specs=[_row_spec(DEG_W), _row_spec(DEG_W), _row_spec(F),
                  _row_spec(F), _full_spec((1, F)), _full_spec((F, F))],
        out_specs=_row_spec(F),
        out_shape=jax.ShapeDtypeStruct((n, F), jnp.float32),
    )(d0, d1, a0, a1, b, w)


def _stage_c(d0, d1, a0, a1, b, w, bc):
    n = a0.shape[0]
    k = w.shape[1]
    return pl.pallas_call(
        _stage_c_body,
        grid=(n // BLK,),
        in_specs=[_row_spec(DEG_W), _row_spec(DEG_W), _row_spec(F),
                  _row_spec(F), _full_spec((1, F)), _full_spec((F, k)),
                  _full_spec((1, k))],
        out_specs=pl.BlockSpec((BLK, k), lambda i: (i, 0)),
        out_shape=jax.ShapeDtypeStruct((n, k), jnp.float32),
    )(d0, d1, a0, a1, b, w, bc)


def kernel(x, edge_index, W1, b1, W2, b2, Wc, bc):
    n = x.shape[0]
    src = edge_index[0].astype(jnp.int32)
    dst = edge_index[1].astype(jnp.int32)
    e = src.shape[0]

    per = NW * BK * CHUNK
    nblk = -(-e // per)
    e_pad = nblk * per
    if e_pad != e:
        src = jnp.concatenate(
            [src, jnp.zeros((e_pad - e,), jnp.int32)])
        dst = jnp.concatenate(
            [dst, jnp.full((e_pad - e,), n, jnp.int32)])
    src_r = src.reshape(NW, nblk, BK, CHUNK)
    dst_r = dst.reshape(NW, nblk, BK, CHUNK)

    zeros2 = jnp.zeros((n, F), jnp.float32)
    ones_deg = jnp.ones((CHUNK, F), jnp.float32)

    deg_kernel = _make_deg_kernel(n, nblk)
    agg_kernel = _make_agg_kernel(n, nblk)

    degp = deg_kernel(dst_r, ones_deg, zeros2)
    d0, d1 = degp[0, :, :DEG_W], degp[1, :, :DEG_W]

    hp1 = _stage_a(d0, d1, x, W1)
    acc1 = agg_kernel(hp1, src_r, dst_r, zeros2)
    hp2 = _stage_b(d0, d1, acc1[0], acc1[1], b1.reshape(1, F), W2)
    acc2 = agg_kernel(hp2, src_r, dst_r, zeros2)
    out = _stage_c(d0, d1, acc2[0], acc2[1], b2.reshape(1, F), Wc,
                   bc.reshape(1, -1))
    return out

# --- scband reference (transcript-rebuilt; emitter-appended) ---
"""Pipeline reference for scband-gcn-7773890806107 (READ-ONLY COPY).

The authoritative reference and input builder live on the scoring server;
editing this copy changes nothing except your own understanding.
"""

import jax, jax.numpy as jnp
import numpy as np

N_NODES = 10000


def gcn_conv(x, src, dst, W, b):
    num_nodes = x.shape[0]
    # add self loops (PyG GCNConv default add_self_loops=True)
    loop = jnp.arange(num_nodes, dtype=src.dtype)
    src_sl = jnp.concatenate([src, loop])
    dst_sl = jnp.concatenate([dst, loop])
    # symmetric normalization D^{-1/2} (A+I) D^{-1/2}
    deg = jax.ops.segment_sum(jnp.ones_like(dst_sl, dtype=x.dtype), dst_sl, num_segments=num_nodes)
    dinv = jnp.where(deg > 0, deg ** -0.5, 0.0)
    norm = dinv[src_sl] * dinv[dst_sl]
    h = x @ W
    msg = h[src_sl] * norm[:, None]
    out = jax.ops.segment_sum(msg, dst_sl, num_segments=num_nodes)
    return out + b


def setup_inputs(seed: int = 0) -> dict:
    key = jax.random.key(seed)
    ks = jax.random.split(key, 8)
    x = jax.random.normal(ks[0], (N_NODES, 128), dtype=jnp.float32)
    edge_index = jax.random.randint(ks[1], (2, 320000), 0, N_NODES, dtype=jnp.int64)
    W1 = jax.random.normal(ks[2], (128, 128), dtype=jnp.float32) * (1.0 / np.sqrt(128))
    b1 = jnp.zeros((128,), dtype=jnp.float32)
    W2 = jax.random.normal(ks[3], (128, 128), dtype=jnp.float32) * (1.0 / np.sqrt(128))
    b2 = jnp.zeros((128,), dtype=jnp.float32)
    Wc = jax.random.normal(ks[4], (128, 64), dtype=jnp.float32) * (1.0 / np.sqrt(128))
    bc = jnp.zeros((64,), dtype=jnp.float32)
    return {"x": x, "edge_index": edge_index, "W1": W1, "b1": b1, "W2": W2, "b2": b2, "Wc": Wc, "bc": bc}


def reference(x, edge_index, W1, b1, W2, b2, Wc, bc):
    src, dst = edge_index[0], edge_index[1]
    h = gcn_conv(x, src, dst, W1, b1)
    h = jax.nn.relu(h)
    h = gcn_conv(h, src, dst, W2, b2)
    h = jax.nn.relu(h)
    out = h @ Wc + bc
    return out

if __name__ == "__main__":
    import jax
    _d = setup_inputs()
    print(jax.jit(kernel)(*tuple(_d.values())))

</pallas_src>

<mosaic_0001>
#map = affine_map<(d0, d1) -> (0, 0)>
#map1 = affine_map<(d0, d1) -> (0, 0, 0, 0)>
#map2 = affine_map<(d0, d1) -> (0, 0, 0)>
module attributes {stable_mosaic.version = 14 : i64} {
  func.func @agg_kernel(%arg0: i32, %arg1: i32, %arg2: memref<10000x128xf32, #tpu.memory_space<hbm>>, %arg3: memref<32x10x8x128xi32, #tpu.memory_space<hbm>>, %arg4: memref<32x10x8x128xi32, #tpu.memory_space<hbm>>, %arg5: memref<10000x128xf32, #tpu.memory_space<hbm>>, %arg6: memref<2x10000x128xf32, #tpu.memory_space<hbm>>, %arg7: memref<2x8x128xi32, #tpu.memory_space<vmem>>, %arg8: memref<2x8x128xi32, #tpu.memory_space<vmem>>, %arg9: memref<128x128xf32, #tpu.memory_space<vmem>>, %arg10: memref<128x128xf32, #tpu.memory_space<vmem>>, %arg11: memref<10016x128xf32, #tpu.memory_space<vmem_shared>>, %arg12: memref<!tpu.dma_semaphore, #tpu.memory_space<semaphore_mem>>, %arg13: memref<!tpu.dma_semaphore, #tpu.memory_space<semaphore_mem>>, %arg14: memref<!tpu.dma_semaphore, #tpu.memory_space<semaphore_mem>>, %arg15: memref<!tpu.dma_semaphore, #tpu.memory_space<semaphore_mem>>, %arg16: memref<!tpu.dma_semaphore, #tpu.memory_space<semaphore_mem>>) attributes {dimension_semantics = [#tpu.dimension_semantics<core_parallel>, #tpu.dimension_semantics<subcore_parallel>], iteration_bounds = array<i64: 2, 16>, scalar_prefetch = 0 : i64, scratch_operands = 10 : i64, tpu.core_type = #tpu.core_type<sc_vector_subcore>, window_params = [{transform_indices = #map}, {transform_indices = #map1}, {transform_indices = #map1}, {transform_indices = #map}, {transform_indices = #map2}]} {
    %mul3A = arith.constant 16 : i32
    %mul3A_0 = arith.muli %arg0, %mul3A : i32
    %add3A = arith.addi %mul3A_0, %arg1 : i32
    %mul3A_1 = arith.constant 624 : i32
    %mul3A_2 = arith.muli %arg1, %mul3A_1 : i32
    %eq3A = arith.constant 0 : i32
    %eq3A_3 = arith.cmpi eq, %arg0, %eq3A : i32
    %convert_element_type3A = arith.extui %eq3A_3 : i1 to i32
    %cond3A = arith.constant 0 : i32
    %cond3A_4 = arith.cmpi ne, %convert_element_type3A, %cond3A : i32
    scf.if %cond3A_4 {
      "tpu.region"() ({
        %run_scoped3A = tpu.sem_alloc : memref<!tpu.dma_semaphore, #tpu.memory_space<semaphore_mem>>
        %dma_start3A_95 = arith.constant 0 : i32
        %dma_start3A_96 = tpu.memref_slice %arg11[%mul3A_2, %dma_start3A_95] : memref<10016x128xf32, #tpu.memory_space<vmem_shared>> -> memref<624x128xf32, #tpu.memory_space<vmem_shared>>
        %dma_start3A_97 = arith.constant 0 : i32
        %dma_start3A_98 = tpu.memref_slice %arg2[%mul3A_2, %dma_start3A_97] : memref<10000x128xf32, #tpu.memory_space<hbm>> -> memref<624x128xf32, #tpu.memory_space<hbm>>
        tpu.enqueue_dma source(%dma_start3A_98 : memref<624x128xf32, #tpu.memory_space<hbm>>) target(%dma_start3A_96 : memref<624x128xf32, #tpu.memory_space<vmem_shared>>) target_semaphore(%run_scoped3A : memref<!tpu.dma_semaphore, #tpu.memory_space<semaphore_mem>>)
        %dma_wait3A_99 = arith.constant 0 : i32
        %dma_wait3A_100 = tpu.memref_slice %arg11[%mul3A_2, %dma_wait3A_99] : memref<10016x128xf32, #tpu.memory_space<vmem_shared>> -> memref<624x128xf32, #tpu.memory_space<vmem_shared>>
        %dma_wait3A_101 = arith.constant 0 : i32
        %dma_wait3A_102 = tpu.memref_slice %arg2[%mul3A_2, %dma_wait3A_101] : memref<10000x128xf32, #tpu.memory_space<hbm>> -> memref<624x128xf32, #tpu.memory_space<hbm>>
        tpu.wait_dma2 semaphore(%run_scoped3A : memref<!tpu.dma_semaphore, #tpu.memory_space<semaphore_mem>>) src(%dma_wait3A_102 : memref<624x128xf32, #tpu.memory_space<hbm>>) dst(%dma_wait3A_100 : memref<624x128xf32, #tpu.memory_space<vmem_shared>>)
        tpu.yield
      }) : () -> ()
    } else {
    }
    %ne3A = arith.constant 0 : i32
    %ne3A_5 = arith.cmpi ne, %arg0, %ne3A : i32
    %convert_element_type3A_6 = arith.extui %ne3A_5 : i1 to i32
    %cond3A_7 = arith.constant 0 : i32
    %cond3A_8 = arith.cmpi ne, %convert_element_type3A_6, %cond3A_7 : i32
    scf.if %cond3A_8 {
      "tpu.region"() ({
        %run_scoped3A = tpu.sem_alloc : memref<!tpu.dma_semaphore, #tpu.memory_space<semaphore_mem>>
        %dma_start3A_95 = arith.constant 0 : i32
        %dma_start3A_96 = tpu.memref_slice %arg11[%mul3A_2, %dma_start3A_95] : memref<10016x128xf32, #tpu.memory_space<vmem_shared>> -> memref<624x128xf32, #tpu.memory_space<vmem_shared>>
        %dma_start3A_97 = arith.constant 0 : i32
        %dma_start3A_98 = tpu.memref_slice %arg5[%mul3A_2, %dma_start3A_97] : memref<10000x128xf32, #tpu.memory_space<hbm>> -> memref<624x128xf32, #tpu.memory_space<hbm>>
        tpu.enqueue_dma source(%dma_start3A_98 : memref<624x128xf32, #tpu.memory_space<hbm>>) target(%dma_start3A_96 : memref<624x128xf32, #tpu.memory_space<vmem_shared>>) target_semaphore(%run_scoped3A : memref<!tpu.dma_semaphore, #tpu.memory_space<semaphore_mem>>)
        %dma_wait3A_99 = arith.constant 0 : i32
        %dma_wait3A_100 = tpu.memref_slice %arg11[%mul3A_2, %dma_wait3A_99] : memref<10016x128xf32, #tpu.memory_space<vmem_shared>> -> memref<624x128xf32, #tpu.memory_space<vmem_shared>>
        %dma_wait3A_101 = arith.constant 0 : i32
        %dma_wait3A_102 = tpu.memref_slice %arg5[%mul3A_2, %dma_wait3A_101] : memref<10000x128xf32, #tpu.memory_space<hbm>> -> memref<624x128xf32, #tpu.memory_space<hbm>>
        tpu.wait_dma2 semaphore(%run_scoped3A : memref<!tpu.dma_semaphore, #tpu.memory_space<semaphore_mem>>) src(%dma_wait3A_102 : memref<624x128xf32, #tpu.memory_space<hbm>>) dst(%dma_wait3A_100 : memref<624x128xf32, #tpu.memory_space<vmem_shared>>)
        tpu.yield
      }) : () -> ()
    } else {
    }
    %eq3A_9 = arith.constant 15 : i32
    %eq3A_10 = arith.cmpi eq, %arg1, %eq3A_9 : i32
    %convert_element_type3A_11 = arith.extui %eq3A_10 : i1 to i32
    %cond3A_12 = arith.constant 0 : i32
    %cond3A_13 = arith.cmpi ne, %convert_element_type3A_11, %cond3A_12 : i32
    scf.if %cond3A_13 {
      %eq3A_95 = arith.constant 0 : i32
      %eq3A_96 = arith.cmpi eq, %arg0, %eq3A_95 : i32
      %convert_element_type3A_97 = arith.extui %eq3A_96 : i1 to i32
      %cond3A_98 = arith.constant 0 : i32
      %cond3A_99 = arith.cmpi ne, %convert_element_type3A_97, %cond3A_98 : i32
      scf.if %cond3A_99 {
        "tpu.region"() ({
          %run_scoped3A = tpu.sem_alloc : memref<!tpu.dma_semaphore, #tpu.memory_space<semaphore_mem>>
          %dma_start3A_105 = arith.constant 9984 : i32
          %dma_start3A_106 = arith.constant 0 : i32
          %dma_start3A_107 = tpu.memref_slice %arg11[%dma_start3A_105, %dma_start3A_106] : memref<10016x128xf32, #tpu.memory_space<vmem_shared>> -> memref<16x128xf32, #tpu.memory_space<vmem_shared>>
          %dma_start3A_108 = arith.constant 9984 : i32
          %dma_start3A_109 = arith.constant 0 : i32
          %dma_start3A_110 = tpu.memref_slice %arg2[%dma_start3A_108, %dma_start3A_109] : memref<10000x128xf32, #tpu.memory_space<hbm>> -> memref<16x128xf32, #tpu.memory_space<hbm>>
          tpu.enqueue_dma source(%dma_start3A_110 : memref<16x128xf32, #tpu.memory_space<hbm>>) target(%dma_start3A_107 : memref<16x128xf32, #tpu.memory_space<vmem_shared>>) target_semaphore(%run_scoped3A : memref<!tpu.dma_semaphore, #tpu.memory_space<semaphore_mem>>)
          %dma_wait3A_111 = arith.constant 9984 : i32
          %dma_wait3A_112 = arith.constant 0 : i32
          %dma_wait3A_113 = tpu.memref_slice %arg11[%dma_wait3A_111, %dma_wait3A_112] : memref<10016x128xf32, #tpu.memory_space<vmem_shared>> -> memref<16x128xf32, #tpu.memory_space<vmem_shared>>
          %dma_wait3A_114 = arith.constant 9984 : i32
          %dma_wait3A_115 = arith.constant 0 : i32
          %dma_wait3A_116 = tpu.memref_slice %arg2[%dma_wait3A_114, %dma_wait3A_115] : memref<10000x128xf32, #tpu.memory_space<hbm>> -> memref<16x128xf32, #tpu.memory_space<hbm>>
          tpu.wait_dma2 semaphore(%run_scoped3A : memref<!tpu.dma_semaphore, #tpu.memory_space<semaphore_mem>>) src(%dma_wait3A_116 : memref<16x128xf32, #tpu.memory_space<hbm>>) dst(%dma_wait3A_113 : memref<16x128xf32, #tpu.memory_space<vmem_shared>>)
          tpu.yield
        }) : () -> ()
      } else {
      }
      %ne3A_100 = arith.constant 0 : i32
      %ne3A_101 = arith.cmpi ne, %arg0, %ne3A_100 : i32
      %convert_element_type3A_102 = arith.extui %ne3A_101 : i1 to i32
      %cond3A_103 = arith.constant 0 : i32
      %cond3A_104 = arith.cmpi ne, %convert_element_type3A_102, %cond3A_103 : i32
      scf.if %cond3A_104 {
        "tpu.region"() ({
          %run_scoped3A = tpu.sem_alloc : memref<!tpu.dma_semaphore, #tpu.memory_space<semaphore_mem>>
          %dma_start3A_105 = arith.constant 9984 : i32
          %dma_start3A_106 = arith.constant 0 : i32
          %dma_start3A_107 = tpu.memref_slice %arg11[%dma_start3A_105, %dma_start3A_106] : memref<10016x128xf32, #tpu.memory_space<vmem_shared>> -> memref<16x128xf32, #tpu.memory_space<vmem_shared>>
          %dma_start3A_108 = arith.constant 9984 : i32
          %dma_start3A_109 = arith.constant 0 : i32
          %dma_start3A_110 = tpu.memref_slice %arg5[%dma_start3A_108, %dma_start3A_109] : memref<10000x128xf32, #tpu.memory_space<hbm>> -> memref<16x128xf32, #tpu.memory_space<hbm>>
          tpu.enqueue_dma source(%dma_start3A_110 : memref<16x128xf32, #tpu.memory_space<hbm>>) target(%dma_start3A_107 : memref<16x128xf32, #tpu.memory_space<vmem_shared>>) target_semaphore(%run_scoped3A : memref<!tpu.dma_semaphore, #tpu.memory_space<semaphore_mem>>)
          %dma_wait3A_111 = arith.constant 9984 : i32
          %dma_wait3A_112 = arith.constant 0 : i32
          %dma_wait3A_113 = tpu.memref_slice %arg11[%dma_wait3A_111, %dma_wait3A_112] : memref<10016x128xf32, #tpu.memory_space<vmem_shared>> -> memref<16x128xf32, #tpu.memory_space<vmem_shared>>
          %dma_wait3A_114 = arith.constant 9984 : i32
          %dma_wait3A_115 = arith.constant 0 : i32
          %dma_wait3A_116 = tpu.memref_slice %arg5[%dma_wait3A_114, %dma_wait3A_115] : memref<10000x128xf32, #tpu.memory_space<hbm>> -> memref<16x128xf32, #tpu.memory_space<hbm>>
          tpu.wait_dma2 semaphore(%run_scoped3A : memref<!tpu.dma_semaphore, #tpu.memory_space<semaphore_mem>>) src(%dma_wait3A_116 : memref<16x128xf32, #tpu.memory_space<hbm>>) dst(%dma_wait3A_113 : memref<16x128xf32, #tpu.memory_space<vmem_shared>>)
          tpu.yield
        }) : () -> ()
      } else {
      }
    } else {
    }
    %dma_start3A = arith.constant 0 : i32
    %dma_start3A_14 = arith.constant 0 : i32
    %dma_start3A_15 = arith.constant 0 : i32
    %dma_start3A_16 = arith.constant 0 : i32
    %dma_start3A_17 = tpu.memref_slice %arg7[%dma_start3A_14, %dma_start3A_15, %dma_start3A_16] : memref<2x8x128xi32, #tpu.memory_space<vmem>> -> memref<1x8x128xi32, #tpu.memory_space<vmem>>
    %dma_start3A_18 = tpu.memref_squeeze %dma_start3A_17 : memref<1x8x128xi32, #tpu.memory_space<vmem>> -> memref<8x128xi32, #tpu.memory_space<vmem>>
    %dma_start3A_19 = arith.constant 0 : i32
    %dma_start3A_20 = arith.constant 0 : i32
    %dma_start3A_21 = tpu.memref_slice %arg3[%add3A, %dma_start3A, %dma_start3A_19, %dma_start3A_20] : memref<32x10x8x128xi32, #tpu.memory_space<hbm>> -> memref<1x1x8x128xi32, #tpu.memory_space<hbm>>
    %dma_start3A_22 = tpu.memref_squeeze %dma_start3A_21 : memref<1x1x8x128xi32, #tpu.memory_space<hbm>> -> memref<8x128xi32, #tpu.memory_space<hbm>>
    %dma_start3A_23 = arith.constant 0 : i32
    %dma_start3A_24 = arith.constant 0 : i32
    %dma_start3A_25 = tpu.memref_slice %arg7[%dma_start3A_14, %dma_start3A_23, %dma_start3A_24] : memref<2x8x128xi32, #tpu.memory_space<vmem>> -> memref<1x8x128xi32, #tpu.memory_space<vmem>>
    %dma_start3A_26 = tpu.memref_squeeze %dma_start3A_25 : memref<1x8x128xi32, #tpu.memory_space<vmem>> -> memref<8x128xi32, #tpu.memory_space<vmem>>
    %dma_start3A_27 = arith.constant 0 : i32
    %dma_start3A_28 = arith.constant 0 : i32
    %dma_start3A_29 = tpu.memref_slice %arg3[%add3A, %dma_start3A, %dma_start3A_27, %dma_start3A_28] : memref<32x10x8x128xi32, #tpu.memory_space<hbm>> -> memref<1x1x8x128xi32, #tpu.memory_space<hbm>>
    %dma_start3A_30 = tpu.memref_squeeze %dma_start3A_29 : memref<1x1x8x128xi32, #tpu.memory_space<hbm>> -> memref<8x128xi32, #tpu.memory_space<hbm>>
    tpu.enqueue_dma source(%dma_start3A_30 : memref<8x128xi32, #tpu.memory_space<hbm>>) target(%dma_start3A_26 : memref<8x128xi32, #tpu.memory_space<vmem>>) target_semaphore(%arg12 : memref<!tpu.dma_semaphore, #tpu.memory_space<semaphore_mem>>)
    %dma_start3A_31 = arith.constant 0 : i32
    %dma_start3A_32 = arith.constant 0 : i32
    %dma_start3A_33 = arith.constant 0 : i32
    %dma_start3A_34 = arith.constant 0 : i32
    %dma_start3A_35 = tpu.memref_slice %arg8[%dma_start3A_32, %dma_start3A_33, %dma_start3A_34] : memref<2x8x128xi32, #tpu.memory_space<vmem>> -> memref<1x8x128xi32, #tpu.memory_space<vmem>>
    %dma_start3A_36 = tpu.memref_squeeze %dma_start3A_35 : memref<1x8x128xi32, #tpu.memory_space<vmem>> -> memref<8x128xi32, #tpu.memory_space<vmem>>
    %dma_start3A_37 = arith.constant 0 : i32
    %dma_start3A_38 = arith.constant 0 : i32
    %dma_start3A_39 = tpu.memref_slice %arg4[%add3A, %dma_start3A_31, %dma_start3A_37, %dma_start3A_38] : memref<32x10x8x128xi32, #tpu.memory_space<hbm>> -> memref<1x1x8x128xi32, #tpu.memory_space<hbm>>
    %dma_start3A_40 = tpu.memref_squeeze %dma_start3A_39 : memref<1x1x8x128xi32, #tpu.memory_space<hbm>> -> memref<8x128xi32, #tpu.memory_space<hbm>>
    %dma_start3A_41 = arith.constant 0 : i32
    %dma_start3A_42 = arith.constant 0 : i32
    %dma_start3A_43 = tpu.memref_slice %arg8[%dma_start3A_32, %dma_start3A_41, %dma_start3A_42] : memref<2x8x128xi32, #tpu.memory_space<vmem>> -> memref<1x8x128xi32, #tpu.memory_space<vmem>>
    %dma_start3A_44 = tpu.memref_squeeze %dma_start3A_43 : memref<1x8x128xi32, #tpu.memory_space<vmem>> -> memref<8x128xi32, #tpu.memory_space<vmem>>
    %dma_start3A_45 = arith.constant 0 : i32
    %dma_start3A_46 = arith.constant 0 : i32
    %dma_start3A_47 = tpu.memref_slice %arg4[%add3A, %dma_start3A_31, %dma_start3A_45, %dma_start3A_46] : memref<32x10x8x128xi32, #tpu.memory_space<hbm>> -> memref<1x1x8x128xi32, #tpu.memory_space<hbm>>
    %dma_start3A_48 = tpu.memref_squeeze %dma_start3A_47 : memref<1x1x8x128xi32, #tpu.memory_space<hbm>> -> memref<8x128xi32, #tpu.memory_space<hbm>>
    tpu.enqueue_dma source(%dma_start3A_48 : memref<8x128xi32, #tpu.memory_space<hbm>>) target(%dma_start3A_44 : memref<8x128xi32, #tpu.memory_space<vmem>>) target_semaphore(%arg12 : memref<!tpu.dma_semaphore, #tpu.memory_space<semaphore_mem>>)
    %barrier3A = arith.constant 0 : index
    tpu.barrier barrier_id(%barrier3A)
    %dma_wait3A = arith.constant 0 : i32
    %dma_wait3A_49 = arith.constant 0 : i32
    %dma_wait3A_50 = arith.constant 0 : i32
    %dma_wait3A_51 = arith.constant 0 : i32
    %dma_wait3A_52 = tpu.memref_slice %arg7[%dma_wait3A_49, %dma_wait3A_50, %dma_wait3A_51] : memref<2x8x128xi32, #tpu.memory_space<vmem>> -> memref<1x8x128xi32, #tpu.memory_space<vmem>>
    %dma_wait3A_53 = tpu.memref_squeeze %dma_wait3A_52 : memref<1x8x128xi32, #tpu.memory_space<vmem>> -> memref<8x128xi32, #tpu.memory_space<vmem>>
    %dma_wait3A_54 = arith.constant 0 : i32
    %dma_wait3A_55 = arith.constant 0 : i32
    %dma_wait3A_56 = tpu.memref_slice %arg3[%add3A, %dma_wait3A, %dma_wait3A_54, %dma_wait3A_55] : memref<32x10x8x128xi32, #tpu.memory_space<hbm>> -> memref<1x1x8x128xi32, #tpu.memory_space<hbm>>
    %dma_wait3A_57 = tpu.memref_squeeze %dma_wait3A_56 : memref<1x1x8x128xi32, #tpu.memory_space<hbm>> -> memref<8x128xi32, #tpu.memory_space<hbm>>
    %dma_wait3A_58 = arith.constant 0 : i32
    %dma_wait3A_59 = arith.constant 0 : i32
    %dma_wait3A_60 = tpu.memref_slice %arg7[%dma_wait3A_49, %dma_wait3A_58, %dma_wait3A_59] : memref<2x8x128xi32, #tpu.memory_space<vmem>> -> memref<1x8x128xi32, #tpu.memory_space<vmem>>
    %dma_wait3A_61 = tpu.memref_squeeze %dma_wait3A_60 : memref<1x8x128xi32, #tpu.memory_space<vmem>> -> memref<8x128xi32, #tpu.memory_space<vmem>>
    %dma_wait3A_62 = arith.constant 0 : i32
    %dma_wait3A_63 = arith.constant 0 : i32
    %dma_wait3A_64 = tpu.memref_slice %arg3[%add3A, %dma_wait3A, %dma_wait3A_62, %dma_wait3A_63] : memref<32x10x8x128xi32, #tpu.memory_space<hbm>> -> memref<1x1x8x128xi32, #tpu.memory_space<hbm>>
    %dma_wait3A_65 = tpu.memref_squeeze %dma_wait3A_64 : memref<1x1x8x128xi32, #tpu.memory_space<hbm>> -> memref<8x128xi32, #tpu.memory_space<hbm>>
    tpu.wait_dma2 semaphore(%arg12 : memref<!tpu.dma_semaphore, #tpu.memory_space<semaphore_mem>>) src(%dma_wait3A_65 : memref<8x128xi32, #tpu.memory_space<hbm>>) dst(%dma_wait3A_61 : memref<8x128xi32, #tpu.memory_space<vmem>>)
    %dma_wait3A_66 = arith.constant 0 : i32
    %dma_wait3A_67 = arith.constant 0 : i32
    %dma_wait3A_68 = arith.constant 0 : i32
    %dma_wait3A_69 = arith.constant 0 : i32
    %dma_wait3A_70 = tpu.memref_slice %arg8[%dma_wait3A_67, %dma_wait3A_68, %dma_wait3A_69] : memref<2x8x128xi32, #tpu.memory_space<vmem>> -> memref<1x8x128xi32, #tpu.memory_space<vmem>>
    %dma_wait3A_71 = tpu.memref_squeeze %dma_wait3A_70 : memref<1x8x128xi32, #tpu.memory_space<vmem>> -> memref<8x128xi32, #tpu.memory_space<vmem>>
    %dma_wait3A_72 = arith.constant 0 : i32
    %dma_wait3A_73 = arith.constant 0 : i32
    %dma_wait3A_74 = tpu.memref_slice %arg4[%add3A, %dma_wait3A_66, %dma_wait3A_72, %dma_wait3A_73] : memref<32x10x8x128xi32, #tpu.memory_space<hbm>> -> memref<1x1x8x128xi32, #tpu.memory_space<hbm>>
    %dma_wait3A_75 = tpu.memref_squeeze %dma_wait3A_74 : memref<1x1x8x128xi32, #tpu.memory_space<hbm>> -> memref<8x128xi32, #tpu.memory_space<hbm>>
    %dma_wait3A_76 = arith.constant 0 : i32
    %dma_wait3A_77 = arith.constant 0 : i32
    %dma_wait3A_78 = tpu.memref_slice %arg8[%dma_wait3A_67, %dma_wait3A_76, %dma_wait3A_77] : memref<2x8x128xi32, #tpu.memory_space<vmem>> -> memref<1x8x128xi32, #tpu.memory_space<vmem>>
    %dma_wait3A_79 = tpu.memref_squeeze %dma_wait3A_78 : memref<1x8x128xi32, #tpu.memory_space<vmem>> -> memref<8x128xi32, #tpu.memory_space<vmem>>
    %dma_wait3A_80 = arith.constant 0 : i32
    %dma_wait3A_81 = arith.constant 0 : i32
    %dma_wait3A_82 = tpu.memref_slice %arg4[%add3A, %dma_wait3A_66, %dma_wait3A_80, %dma_wait3A_81] : memref<32x10x8x128xi32, #tpu.memory_space<hbm>> -> memref<1x1x8x128xi32, #tpu.memory_space<hbm>>
    %dma_wait3A_83 = tpu.memref_squeeze %dma_wait3A_82 : memref<1x1x8x128xi32, #tpu.memory_space<hbm>> -> memref<8x128xi32, #tpu.memory_space<hbm>>
    tpu.wait_dma2 semaphore(%arg12 : memref<!tpu.dma_semaphore, #tpu.memory_space<semaphore_mem>>) src(%dma_wait3A_83 : memref<8x128xi32, #tpu.memory_space<hbm>>) dst(%dma_wait3A_79 : memref<8x128xi32, #tpu.memory_space<vmem>>)
    %scan3A = arith.constant 0 : i32
    %scan3A_84 = arith.constant 0 : i32
    %scan3A_85 = arith.constant 10 : i32
    %scan3A_86 = arith.addi %scan3A_84, %scan3A_85 : i32
    %scan3A_87 = arith.constant 1 : i32
    scf.for %scan3A_95 = %scan3A_84 to %scan3A_86 step %scan3A_87  : i32 {
      %rem3A = arith.constant 2 : i32
      %rem3A_96 = arith.remsi %scan3A_95, %rem3A : i32
      %add3A_97 = arith.constant 1 : i32
      %add3A_98 = arith.addi %scan3A_95, %add3A_97 : i32
      %rem3A_99 = arith.constant 2 : i32
      %rem3A_100 = arith.remsi %add3A_98, %rem3A_99 : i32
      %add3A_101 = arith.constant 1 : i32
      %add3A_102 = arith.addi %scan3A_95, %add3A_101 : i32
      %lt3A = arith.constant 10 : i32
      %lt3A_103 = arith.cmpi slt, %add3A_102, %lt3A : i32
      %convert_element_type3A_104 = arith.extui %lt3A_103 : i1 to i32
      %cond3A_105 = arith.constant 0 : i32
      %cond3A_106 = arith.cmpi ne, %convert_element_type3A_104, %cond3A_105 : i32
      scf.if %cond3A_106 {
        %add3A_129 = arith.constant 1 : i32
        %add3A_130 = arith.addi %scan3A_95, %add3A_129 : i32
        %min3A = arith.constant 9 : i32
        %min3A_131 = arith.minsi %add3A_130, %min3A : i32
        %dma_start3A_132 = arith.constant 0 : i32
        %dma_start3A_133 = arith.constant 0 : i32
        %dma_start3A_134 = tpu.memref_slice %arg7[%rem3A_100, %dma_start3A_132, %dma_start3A_133] : memref<2x8x128xi32, #tpu.memory_space<vmem>> -> memref<1x8x128xi32, #tpu.memory_space<vmem>>
        %dma_start3A_135 = tpu.memref_squeeze %dma_start3A_134 : memref<1x8x128xi32, #tpu.memory_space<vmem>> -> memref<8x128xi32, #tpu.memory_space<vmem>>
        %dma_start3A_136 = arith.constant 0 : i32
        %dma_start3A_137 = arith.constant 0 : i32
        %dma_start3A_138 = tpu.memref_slice %arg3[%add3A, %min3A_131, %dma_start3A_136, %dma_start3A_137] : memref<32x10x8x128xi32, #tpu.memory_space<hbm>> -> memref<1x1x8x128xi32, #tpu.memory_space<hbm>>
        %dma_start3A_139 = tpu.memref_squeeze %dma_start3A_138 : memref<1x1x8x128xi32, #tpu.memory_space<hbm>> -> memref<8x128xi32, #tpu.memory_space<hbm>>
        %dma_start3A_140 = arith.constant 0 : i32
        %dma_start3A_141 = arith.constant 0 : i32
        %dma_start3A_142 = tpu.memref_slice %arg7[%rem3A_100, %dma_start3A_140, %dma_start3A_141] : memref<2x8x128xi32, #tpu.memory_space<vmem>> -> memref<1x8x128xi32, #tpu.memory_space<vmem>>
        %dma_start3A_143 = tpu.memref_squeeze %dma_start3A_142 : memref<1x8x128xi32, #tpu.memory_space<vmem>> -> memref<8x128xi32, #tpu.memory_space<vmem>>
        %dma_start3A_144 = arith.constant 0 : i32
        %dma_start3A_145 = arith.constant 0 : i32
        %dma_start3A_146 = tpu.memref_slice %arg3[%add3A, %min3A_131, %dma_start3A_144, %dma_start3A_145] : memref<32x10x8x128xi32, #tpu.memory_space<hbm>> -> memref<1x1x8x128xi32, #tpu.memory_space<hbm>>
        %dma_start3A_147 = tpu.memref_squeeze %dma_start3A_146 : memref<1x1x8x128xi32, #tpu.memory_space<hbm>> -> memref<8x128xi32, #tpu.memory_space<hbm>>
        tpu.enqueue_dma source(%dma_start3A_147 : memref<8x128xi32, #tpu.memory_space<hbm>>) target(%dma_start3A_143 : memref<8x128xi32, #tpu.memory_space<vmem>>) target_semaphore(%arg12 : memref<!tpu.dma_semaphore, #tpu.memory_space<semaphore_mem>>)
        %dma_start3A_148 = arith.constant 0 : i32
        %dma_start3A_149 = arith.constant 0 : i32
        %dma_start3A_150 = tpu.memref_slice %arg8[%rem3A_100, %dma_start3A_148, %dma_start3A_149] : memref<2x8x128xi32, #tpu.memory_space<vmem>> -> memref<1x8x128xi32, #tpu.memory_space<vmem>>
        %dma_start3A_151 = tpu.memref_squeeze %dma_start3A_150 : memref<1x8x128xi32, #tpu.memory_space<vmem>> -> memref<8x128xi32, #tpu.memory_space<vmem>>
        %dma_start3A_152 = arith.constant 0 : i32
        %dma_start3A_153 = arith.constant 0 : i32
        %dma_start3A_154 = tpu.memref_slice %arg4[%add3A, %min3A_131, %dma_start3A_152, %dma_start3A_153] : memref<32x10x8x128xi32, #tpu.memory_space<hbm>> -> memref<1x1x8x128xi32, #tpu.memory_space<hbm>>
        %dma_start3A_155 = tpu.memref_squeeze %dma_start3A_154 : memref<1x1x8x128xi32, #tpu.memory_space<hbm>> -> memref<8x128xi32, #tpu.memory_space<hbm>>
        %dma_start3A_156 = arith.constant 0 : i32
        %dma_start3A_157 = arith.constant 0 : i32
        %dma_start3A_158 = tpu.memref_slice %arg8[%rem3A_100, %dma_start3A_156, %dma_start3A_157] : memref<2x8x128xi32, #tpu.memory_space<vmem>> -> memref<1x8x128xi32, #tpu.memory_space<vmem>>
        %dma_start3A_159 = tpu.memref_squeeze %dma_start3A_158 : memref<1x8x128xi32, #tpu.memory_space<vmem>> -> memref<8x128xi32, #tpu.memory_space<vmem>>
        %dma_start3A_160 = arith.constant 0 : i32
        %dma_start3A_161 = arith.constant 0 : i32
        %dma_start3A_162 = tpu.memref_slice %arg4[%add3A, %min3A_131, %dma_start3A_160, %dma_start3A_161] : memref<32x10x8x128xi32, #tpu.memory_space<hbm>> -> memref<1x1x8x128xi32, #tpu.memory_space<hbm>>
        %dma_start3A_163 = tpu.memref_squeeze %dma_start3A_162 : memref<1x1x8x128xi32, #tpu.memory_space<hbm>> -> memref<8x128xi32, #tpu.memory_space<hbm>>
        tpu.enqueue_dma source(%dma_start3A_163 : memref<8x128xi32, #tpu.memory_space<hbm>>) target(%dma_start3A_159 : memref<8x128xi32, #tpu.memory_space<vmem>>) target_semaphore(%arg12 : memref<!tpu.dma_semaphore, #tpu.memory_space<semaphore_mem>>)
      } else {
      }
      %run_scoped3A = arith.constant 0 : i32
      "tpu.region"() ({
        %run_scoped3A_129 = tpu.sem_alloc : memref<!tpu.dma_semaphore, #tpu.memory_space<semaphore_mem>>
        %dma_start3A_130 = arith.constant 0 : i32
        %dma_start3A_131 = tpu.memref_slice %arg7[%rem3A_96, %run_scoped3A, %dma_start3A_130] : memref<2x8x128xi32, #tpu.memory_space<vmem>> -> memref<1x1x128xi32, #tpu.memory_space<vmem>>
        %dma_start3A_132 = tpu.memref_squeeze %dma_start3A_131 : memref<1x1x128xi32, #tpu.memory_space<vmem>> -> memref<128xi32, #tpu.memory_space<vmem>>
        %dma_start3A_133 = arith.constant 0 : i32
        %dma_start3A_134 = arith.constant 0 : i32
        %dma_start3A_135 = tpu.memref_slice %arg2[%dma_start3A_133, %dma_start3A_134] : memref<10000x128xf32, #tpu.memory_space<hbm>> -> memref<10000x128xf32, #tpu.memory_space<hbm>>
        tpu.enqueue_indirect_dma source(%dma_start3A_135 : memref<10000x128xf32, #tpu.memory_space<hbm>>) target(%arg9 : memref<128x128xf32, #tpu.memory_space<vmem>>) offsets(%dma_start3A_132 : memref<128xi32, #tpu.memory_space<vmem>>) semaphore(%run_scoped3A_129 : memref<!tpu.dma_semaphore, #tpu.memory_space<semaphore_mem>>)
        %dma_wait3A_136 = arith.constant 0 : i32
        %dma_wait3A_137 = tpu.memref_slice %arg7[%rem3A_96, %run_scoped3A, %dma_wait3A_136] : memref<2x8x128xi32, #tpu.memory_space<vmem>> -> memref<1x1x128xi32, #tpu.memory_space<vmem>>
        %dma_wait3A_138 = tpu.memref_squeeze %dma_wait3A_137 : memref<1x1x128xi32, #tpu.memory_space<vmem>> -> memref<128xi32, #tpu.memory_space<vmem>>
        %dma_wait3A_139 = arith.constant 0 : i32
        %dma_wait3A_140 = arith.constant 0 : i32
        %dma_wait3A_141 = tpu.memref_slice %arg2[%dma_wait3A_139, %dma_wait3A_140] : memref<10000x128xf32, #tpu.memory_space<hbm>> -> memref<10000x128xf32, #tpu.memory_space<hbm>>
        tpu.wait_indirect_dma semaphore(%run_scoped3A_129 : memref<!tpu.dma_semaphore, #tpu.memory_space<semaphore_mem>>) src(%dma_wait3A_141 : memref<10000x128xf32, #tpu.memory_space<hbm>>) dst(%arg9 : memref<128x128xf32, #tpu.memory_space<vmem>>)
        tpu.yield
      }) : () -> ()
      %run_scoped3A_107 = arith.constant 0 : i32
      "tpu.region"() ({
        %run_scoped3A_129 = tpu.sem_alloc : memref<!tpu.dma_semaphore, #tpu.memory_space<semaphore_mem>>
        %dma_start3A_130 = arith.constant 0 : i32
        %dma_start3A_131 = tpu.memref_slice %arg8[%rem3A_96, %run_scoped3A_107, %dma_start3A_130] : memref<2x8x128xi32, #tpu.memory_space<vmem>> -> memref<1x1x128xi32, #tpu.memory_space<vmem>>
        %dma_start3A_132 = tpu.memref_squeeze %dma_start3A_131 : memref<1x1x128xi32, #tpu.memory_space<vmem>> -> memref<128xi32, #tpu.memory_space<vmem>>
        %dma_start3A_133 = arith.constant 0 : i32
        %dma_start3A_134 = arith.constant 0 : i32
        %dma_start3A_135 = tpu.memref_slice %arg11[%dma_start3A_133, %dma_start3A_134] : memref<10016x128xf32, #tpu.memory_space<vmem_shared>> -> memref<10016x128xf32, #tpu.memory_space<vmem_shared>>
        tpu.enqueue_indirect_dma source(%arg9 : memref<128x128xf32, #tpu.memory_space<vmem>>) target(%dma_start3A_135 : memref<10016x128xf32, #tpu.memory_space<vmem_shared>>) offsets(%dma_start3A_132 : memref<128xi32, #tpu.memory_space<vmem>>) semaphore(%run_scoped3A_129 : memref<!tpu.dma_semaphore, #tpu.memory_space<semaphore_mem>>) {add = true}
        %dma_wait3A_136 = arith.constant 0 : i32
        %dma_wait3A_137 = tpu.memref_slice %arg8[%rem3A_96, %run_scoped3A_107, %dma_wait3A_136] : memref<2x8x128xi32, #tpu.memory_space<vmem>> -> memref<1x1x128xi32, #tpu.memory_space<vmem>>
        %dma_wait3A_138 = tpu.memref_squeeze %dma_wait3A_137 : memref<1x1x128xi32, #tpu.memory_space<vmem>> -> memref<128xi32, #tpu.memory_space<vmem>>
        %dma_wait3A_139 = arith.constant 0 : i32
        %dma_wait3A_140 = arith.constant 0 : i32
        %dma_wait3A_141 = tpu.memref_slice %arg11[%dma_wait3A_139, %dma_wait3A_140] : memref<10016x128xf32, #tpu.memory_space<vmem_shared>> -> memref<10016x128xf32, #tpu.memory_space<vmem_shared>>
        tpu.wait_indirect_dma semaphore(%run_scoped3A_129 : memref<!tpu.dma_semaphore, #tpu.memory_space<semaphore_mem>>) src(%arg9 : memref<128x128xf32, #tpu.memory_space<vmem>>) dst(%dma_wait3A_141 : memref<10016x128xf32, #tpu.memory_space<vmem_shared>>)
        tpu.yield
      }) : () -> ()
      %run_scoped3A_108 = arith.constant 1 : i32
      "tpu.region"() ({
        %run_scoped3A_129 = tpu.sem_alloc : memref<!tpu.dma_semaphore, #tpu.memory_space<semaphore_mem>>
        %dma_start3A_130 = arith.constant 0 : i32
        %dma_start3A_131 = tpu.memref_slice %arg7[%rem3A_96, %run_scoped3A_108, %dma_start3A_130] : memref<2x8x128xi32, #tpu.memory_space<vmem>> -> memref<1x1x128xi32, #tpu.memory_space<vmem>>
        %dma_start3A_132 = tpu.memref_squeeze %dma_start3A_131 : memref<1x1x128xi32, #tpu.memory_space<vmem>> -> memref<128xi32, #tpu.memory_space<vmem>>
        %dma_start3A_133 = arith.constant 0 : i32
        %dma_start3A_134 = arith.constant 0 : i32
        %dma_start3A_135 = tpu.memref_slice %arg2[%dma_start3A_133, %dma_start3A_134] : memref<10000x128xf32, #tpu.memory_space<hbm>> -> memref<10000x128xf32, #tpu.memory_space<hbm>>
        tpu.enqueue_indirect_dma source(%dma_start3A_135 : memref<10000x128xf32, #tpu.memory_space<hbm>>) target(%arg9 : memref<128x128xf32, #tpu.memory_space<vmem>>) offsets(%dma_start3A_132 : memref<128xi32, #tpu.memory_space<vmem>>) semaphore(%run_scoped3A_129 : memref<!tpu.dma_semaphore, #tpu.memory_space<semaphore_mem>>)
        %dma_wait3A_136 = arith.constant 0 : i32
        %dma_wait3A_137 = tpu.memref_slice %arg7[%rem3A_96, %run_scoped3A_108, %dma_wait3A_136] : memref<2x8x128xi32, #tpu.memory_space<vmem>> -> memref<1x1x128xi32, #tpu.memory_space<vmem>>
        %dma_wait3A_138 = tpu.memref_squeeze %dma_wait3A_137 : memref<1x1x128xi32, #tpu.memory_space<vmem>> -> memref<128xi32, #tpu.memory_space<vmem>>
        %dma_wait3A_139 = arith.constant 0 : i32
        %dma_wait3A_140 = arith.constant 0 : i32
        %dma_wait3A_141 = tpu.memref_slice %arg2[%dma_wait3A_139, %dma_wait3A_140] : memref<10000x128xf32, #tpu.memory_space<hbm>> -> memref<10000x128xf32, #tpu.memory_space<hbm>>
        tpu.wait_indirect_dma semaphore(%run_scoped3A_129 : memref<!tpu.dma_semaphore, #tpu.memory_space<semaphore_mem>>) src(%dma_wait3A_141 : memref<10000x128xf32, #tpu.memory_space<hbm>>) dst(%arg9 : memref<128x128xf32, #tpu.memory_space<vmem>>)
        tpu.yield
      }) : () -> ()
      %run_scoped3A_109 = arith.constant 1 : i32
      "tpu.region"() ({
        %run_scoped3A_129 = tpu.sem_alloc : memref<!tpu.dma_semaphore, #tpu.memory_space<semaphore_mem>>
        %dma_start3A_130 = arith.constant 0 : i32
        %dma_start3A_131 = tpu.memref_slice %arg8[%rem3A_96, %run_scoped3A_109, %dma_start3A_130] : memref<2x8x128xi32, #tpu.memory_space<vmem>> -> memref<1x1x128xi32, #tpu.memory_space<vmem>>
        %dma_start3A_132 = tpu.memref_squeeze %dma_start3A_131 : memref<1x1x128xi32, #tpu.memory_space<vmem>> -> memref<128xi32, #tpu.memory_space<vmem>>
        %dma_start3A_133 = arith.constant 0 : i32
        %dma_start3A_134 = arith.constant 0 : i32
        %dma_start3A_135 = tpu.memref_slice %arg11[%dma_start3A_133, %dma_start3A_134] : memref<10016x128xf32, #tpu.memory_space<vmem_shared>> -> memref<10016x128xf32, #tpu.memory_space<vmem_shared>>
        tpu.enqueue_indirect_dma source(%arg9 : memref<128x128xf32, #tpu.memory_space<vmem>>) target(%dma_start3A_135 : memref<10016x128xf32, #tpu.memory_space<vmem_shared>>) offsets(%dma_start3A_132 : memref<128xi32, #tpu.memory_space<vmem>>) semaphore(%run_scoped3A_129 : memref<!tpu.dma_semaphore, #tpu.memory_space<semaphore_mem>>) {add = true}
        %dma_wait3A_136 = arith.constant 0 : i32
        %dma_wait3A_137 = tpu.memref_slice %arg8[%rem3A_96, %run_scoped3A_109, %dma_wait3A_136] : memref<2x8x128xi32, #tpu.memory_space<vmem>> -> memref<1x1x128xi32, #tpu.memory_space<vmem>>
        %dma_wait3A_138 = tpu.memref_squeeze %dma_wait3A_137 : memref<1x1x128xi32, #tpu.memory_space<vmem>> -> memref<128xi32, #tpu.memory_space<vmem>>
        %dma_wait3A_139 = arith.constant 0 : i32
        %dma_wait3A_140 = arith.constant 0 : i32
        %dma_wait3A_141 = tpu.memref_slice %arg11[%dma_wait3A_139, %dma_wait3A_140] : memref<10016x128xf32, #tpu.memory_space<vmem_shared>> -> memref<10016x128xf32, #tpu.memory_space<vmem_shared>>
        tpu.wait_indirect_dma semaphore(%run_scoped3A_129 : memref<!tpu.dma_semaphore, #tpu.memory_space<semaphore_mem>>) src(%arg9 : memref<128x128xf32, #tpu.memory_space<vmem>>) dst(%dma_wait3A_141 : memref<10016x128xf32, #tpu.memory_space<vmem_shared>>)
        tpu.yield
      }) : () -> ()
      %run_scoped3A_110 = arith.constant 2 : i32
      "tpu.region"() ({
        %run_scoped3A_129 = tpu.sem_alloc : memref<!tpu.dma_semaphore, #tpu.memory_space<semaphore_mem>>
        %dma_start3A_130 = arith.constant 0 : i32
        %dma_start3A_131 = tpu.memref_slice %arg7[%rem3A_96, %run_scoped3A_110, %dma_start3A_130] : memref<2x8x128xi32, #tpu.memory_space<vmem>> -> memref<1x1x128xi32, #tpu.memory_space<vmem>>
        %dma_start3A_132 = tpu.memref_squeeze %dma_start3A_131 : memref<1x1x128xi32, #tpu.memory_space<vmem>> -> memref<128xi32, #tpu.memory_space<vmem>>
        %dma_start3A_133 = arith.constant 0 : i32
        %dma_start3A_134 = arith.constant 0 : i32
        %dma_start3A_135 = tpu.memref_slice %arg2[%dma_start3A_133, %dma_start3A_134] : memref<10000x128xf32, #tpu.memory_space<hbm>> -> memref<10000x128xf32, #tpu.memory_space<hbm>>
        tpu.enqueue_indirect_dma source(%dma_start3A_135 : memref<10000x128xf32, #tpu.memory_space<hbm>>) target(%arg9 : memref<128x128xf32, #tpu.memory_space<vmem>>) offsets(%dma_start3A_132 : memref<128xi32, #tpu.memory_space<vmem>>) semaphore(%run_scoped3A_129 : memref<!tpu.dma_semaphore, #tpu.memory_space<semaphore_mem>>)
        %dma_wait3A_136 = arith.constant 0 : i32
        %dma_wait3A_137 = tpu.memref_slice %arg7[%rem3A_96, %run_scoped3A_110, %dma_wait3A_136] : memref<2x8x128xi32, #tpu.memory_space<vmem>> -> memref<1x1x128xi32, #tpu.memory_space<vmem>>
        %dma_wait3A_138 = tpu.memref_squeeze %dma_wait3A_137 : memref<1x1x128xi32, #tpu.memory_space<vmem>> -> memref<128xi32, #tpu.memory_space<vmem>>
        %dma_wait3A_139 = arith.constant 0 : i32
        %dma_wait3A_140 = arith.constant 0 : i32
        %dma_wait3A_141 = tpu.memref_slice %arg2[%dma_wait3A_139, %dma_wait3A_140] : memref<10000x128xf32, #tpu.memory_space<hbm>> -> memref<10000x128xf32, #tpu.memory_space<hbm>>
        tpu.wait_indirect_dma semaphore(%run_scoped3A_129 : memref<!tpu.dma_semaphore, #tpu.memory_space<semaphore_mem>>) src(%dma_wait3A_141 : memref<10000x128xf32, #tpu.memory_space<hbm>>) dst(%arg9 : memref<128x128xf32, #tpu.memory_space<vmem>>)
        tpu.yield
      }) : () -> ()
      %run_scoped3A_111 = arith.constant 2 : i32
      "tpu.region"() ({
        %run_scoped3A_129 = tpu.sem_alloc : memref<!tpu.dma_semaphore, #tpu.memory_space<semaphore_mem>>
        %dma_start3A_130 = arith.constant 0 : i32
        %dma_start3A_131 = tpu.memref_slice %arg8[%rem3A_96, %run_scoped3A_111, %dma_start3A_130] : memref<2x8x128xi32, #tpu.memory_space<vmem>> -> memref<1x1x128xi32, #tpu.memory_space<vmem>>
        %dma_start3A_132 = tpu.memref_squeeze %dma_start3A_131 : memref<1x1x128xi32, #tpu.memory_space<vmem>> -> memref<128xi32, #tpu.memory_space<vmem>>
        %dma_start3A_133 = arith.constant 0 : i32
        %dma_start3A_134 = arith.constant 0 : i32
        %dma_start3A_135 = tpu.memref_slice %arg11[%dma_start3A_133, %dma_start3A_134] : memref<10016x128xf32, #tpu.memory_space<vmem_shared>> -> memref<10016x128xf32, #tpu.memory_space<vmem_shared>>
        tpu.enqueue_indirect_dma source(%arg9 : memref<128x128xf32, #tpu.memory_space<vmem>>) target(%dma_start3A_135 : memref<10016x128xf32, #tpu.memory_space<vmem_shared>>) offsets(%dma_start3A_132 : memref<128xi32, #tpu.memory_space<vmem>>) semaphore(%run_scoped3A_129 : memref<!tpu.dma_semaphore, #tpu.memory_space<semaphore_mem>>) {add = true}
        %dma_wait3A_136 = arith.constant 0 : i32
        %dma_wait3A_137 = tpu.memref_slice %arg8[%rem3A_96, %run_scoped3A_111, %dma_wait3A_136] : memref<2x8x128xi32, #tpu.memory_space<vmem>> -> memref<1x1x128xi32, #tpu.memory_space<vmem>>
        %dma_wait3A_138 = tpu.memref_squeeze %dma_wait3A_137 : memref<1x1x128xi32, #tpu.memory_space<vmem>> -> memref<128xi32, #tpu.memory_space<vmem>>
        %dma_wait3A_139 = arith.constant 0 : i32
        %dma_wait3A_140 = arith.constant 0 : i32
        %dma_wait3A_141 = tpu.memref_slice %arg11[%dma_wait3A_139, %dma_wait3A_140] : memref<10016x128xf32, #tpu.memory_space<vmem_shared>> -> memref<10016x128xf32, #tpu.memory_space<vmem_shared>>
        tpu.wait_indirect_dma semaphore(%run_scoped3A_129 : memref<!tpu.dma_semaphore, #tpu.memory_space<semaphore_mem>>) src(%arg9 : memref<128x128xf32, #tpu.memory_space<vmem>>) dst(%dma_wait3A_141 : memref<10016x128xf32, #tpu.memory_space<vmem_shared>>)
        tpu.yield
      }) : () -> ()
      %run_scoped3A_112 = arith.constant 3 : i32
      "tpu.region"() ({
        %run_scoped3A_129 = tpu.sem_alloc : memref<!tpu.dma_semaphore, #tpu.memory_space<semaphore_mem>>
        %dma_start3A_130 = arith.constant 0 : i32
        %dma_start3A_131 = tpu.memref_slice %arg7[%rem3A_96, %run_scoped3A_112, %dma_start3A_130] : memref<2x8x128xi32, #tpu.memory_space<vmem>> -> memref<1x1x128xi32, #tpu.memory_space<vmem>>
        %dma_start3A_132 = tpu.memref_squeeze %dma_start3A_131 : memref<1x1x128xi32, #tpu.memory_space<vmem>> -> memref<128xi32, #tpu.memory_space<vmem>>
        %dma_start3A_133 = arith.constant 0 : i32
        %dma_start3A_134 = arith.constant 0 : i32
        %dma_start3A_135 = tpu.memref_slice %arg2[%dma_start3A_133, %dma_start3A_134] : memref<10000x128xf32, #tpu.memory_space<hbm>> -> memref<10000x128xf32, #tpu.memory_space<hbm>>
        tpu.enqueue_indirect_dma source(%dma_start3A_135 : memref<10000x128xf32, #tpu.memory_space<hbm>>) target(%arg9 : memref<128x128xf32, #tpu.memory_space<vmem>>) offsets(%dma_start3A_132 : memref<128xi32, #tpu.memory_space<vmem>>) semaphore(%run_scoped3A_129 : memref<!tpu.dma_semaphore, #tpu.memory_space<semaphore_mem>>)
        %dma_wait3A_136 = arith.constant 0 : i32
        %dma_wait3A_137 = tpu.memref_slice %arg7[%rem3A_96, %run_scoped3A_112, %dma_wait3A_136] : memref<2x8x128xi32, #tpu.memory_space<vmem>> -> memref<1x1x128xi32, #tpu.memory_space<vmem>>
        %dma_wait3A_138 = tpu.memref_squeeze %dma_wait3A_137 : memref<1x1x128xi32, #tpu.memory_space<vmem>> -> memref<128xi32, #tpu.memory_space<vmem>>
        %dma_wait3A_139 = arith.constant 0 : i32
        %dma_wait3A_140 = arith.constant 0 : i32
        %dma_wait3A_141 = tpu.memref_slice %arg2[%dma_wait3A_139, %dma_wait3A_140] : memref<10000x128xf32, #tpu.memory_space<hbm>> -> memref<10000x128xf32, #tpu.memory_space<hbm>>
        tpu.wait_indirect_dma semaphore(%run_scoped3A_129 : memref<!tpu.dma_semaphore, #tpu.memory_space<semaphore_mem>>) src(%dma_wait3A_141 : memref<10000x128xf32, #tpu.memory_space<hbm>>) dst(%arg9 : memref<128x128xf32, #tpu.memory_space<vmem>>)
        tpu.yield
      }) : () -> ()
      %run_scoped3A_113 = arith.constant 3 : i32
      "tpu.region"() ({
        %run_scoped3A_129 = tpu.sem_alloc : memref<!tpu.dma_semaphore, #tpu.memory_space<semaphore_mem>>
        %dma_start3A_130 = arith.constant 0 : i32
        %dma_start3A_131 = tpu.memref_slice %arg8[%rem3A_96, %run_scoped3A_113, %dma_start3A_130] : memref<2x8x128xi32, #tpu.memory_space<vmem>> -> memref<1x1x128xi32, #tpu.memory_space<vmem>>
        %dma_start3A_132 = tpu.memref_squeeze %dma_start3A_131 : memref<1x1x128xi32, #tpu.memory_space<vmem>> -> memref<128xi32, #tpu.memory_space<vmem>>
        %dma_start3A_133 = arith.constant 0 : i32
        %dma_start3A_134 = arith.constant 0 : i32
        %dma_start3A_135 = tpu.memref_slice %arg11[%dma_start3A_133, %dma_start3A_134] : memref<10016x128xf32, #tpu.memory_space<vmem_shared>> -> memref<10016x128xf32, #tpu.memory_space<vmem_shared>>
        tpu.enqueue_indirect_dma source(%arg9 : memref<128x128xf32, #tpu.memory_space<vmem>>) target(%dma_start3A_135 : memref<10016x128xf32, #tpu.memory_space<vmem_shared>>) offsets(%dma_start3A_132 : memref<128xi32, #tpu.memory_space<vmem>>) semaphore(%run_scoped3A_129 : memref<!tpu.dma_semaphore, #tpu.memory_space<semaphore_mem>>) {add = true}
        %dma_wait3A_136 = arith.constant 0 : i32
        %dma_wait3A_137 = tpu.memref_slice %arg8[%rem3A_96, %run_scoped3A_113, %dma_wait3A_136] : memref<2x8x128xi32, #tpu.memory_space<vmem>> -> memref<1x1x128xi32, #tpu.memory_space<vmem>>
        %dma_wait3A_138 = tpu.memref_squeeze %dma_wait3A_137 : memref<1x1x128xi32, #tpu.memory_space<vmem>> -> memref<128xi32, #tpu.memory_space<vmem>>
        %dma_wait3A_139 = arith.constant 0 : i32
        %dma_wait3A_140 = arith.constant 0 : i32
        %dma_wait3A_141 = tpu.memref_slice %arg11[%dma_wait3A_139, %dma_wait3A_140] : memref<10016x128xf32, #tpu.memory_space<vmem_shared>> -> memref<10016x128xf32, #tpu.memory_space<vmem_shared>>
        tpu.wait_indirect_dma semaphore(%run_scoped3A_129 : memref<!tpu.dma_semaphore, #tpu.memory_space<semaphore_mem>>) src(%arg9 : memref<128x128xf32, #tpu.memory_space<vmem>>) dst(%dma_wait3A_141 : memref<10016x128xf32, #tpu.memory_space<vmem_shared>>)
        tpu.yield
      }) : () -> ()
      %run_scoped3A_114 = arith.constant 4 : i32
      "tpu.region"() ({
        %run_scoped3A_129 = tpu.sem_alloc : memref<!tpu.dma_semaphore, #tpu.memory_space<semaphore_mem>>
        %dma_start3A_130 = arith.constant 0 : i32
        %dma_start3A_131 = tpu.memref_slice %arg7[%rem3A_96, %run_scoped3A_114, %dma_start3A_130] : memref<2x8x128xi32, #tpu.memory_space<vmem>> -> memref<1x1x128xi32, #tpu.memory_space<vmem>>
        %dma_start3A_132 = tpu.memref_squeeze %dma_start3A_131 : memref<1x1x128xi32, #tpu.memory_space<vmem>> -> memref<128xi32, #tpu.memory_space<vmem>>
        %dma_start3A_133 = arith.constant 0 : i32
        %dma_start3A_134 = arith.constant 0 : i32
        %dma_start3A_135 = tpu.memref_slice %arg2[%dma_start3A_133, %dma_start3A_134] : memref<10000x128xf32, #tpu.memory_space<hbm>> -> memref<10000x128xf32, #tpu.memory_space<hbm>>
        tpu.enqueue_indirect_dma source(%dma_start3A_135 : memref<10000x128xf32, #tpu.memory_space<hbm>>) target(%arg9 : memref<128x128xf32, #tpu.memory_space<vmem>>) offsets(%dma_start3A_132 : memref<128xi32, #tpu.memory_space<vmem>>) semaphore(%run_scoped3A_129 : memref<!tpu.dma_semaphore, #tpu.memory_space<semaphore_mem>>)
        %dma_wait3A_136 = arith.constant 0 : i32
        %dma_wait3A_137 = tpu.memref_slice %arg7[%rem3A_96, %run_scoped3A_114, %dma_wait3A_136] : memref<2x8x128xi32, #tpu.memory_space<vmem>> -> memref<1x1x128xi32, #tpu.memory_space<vmem>>
        %dma_wait3A_138 = tpu.memref_squeeze %dma_wait3A_137 : memref<1x1x128xi32, #tpu.memory_space<vmem>> -> memref<128xi32, #tpu.memory_space<vmem>>
        %dma_wait3A_139 = arith.constant 0 : i32
        %dma_wait3A_140 = arith.constant 0 : i32
        %dma_wait3A_141 = tpu.memref_slice %arg2[%dma_wait3A_139, %dma_wait3A_140] : memref<10000x128xf32, #tpu.memory_space<hbm>> -> memref<10000x128xf32, #tpu.memory_space<hbm>>
        tpu.wait_indirect_dma semaphore(%run_scoped3A_129 : memref<!tpu.dma_semaphore, #tpu.memory_space<semaphore_mem>>) src(%dma_wait3A_141 : memref<10000x128xf32, #tpu.memory_space<hbm>>) dst(%arg9 : memref<128x128xf32, #tpu.memory_space<vmem>>)
        tpu.yield
      }) : () -> ()
      %run_scoped3A_115 = arith.constant 4 : i32
      "tpu.region"() ({
        %run_scoped3A_129 = tpu.sem_alloc : memref<!tpu.dma_semaphore, #tpu.memory_space<semaphore_mem>>
        %dma_start3A_130 = arith.constant 0 : i32
        %dma_start3A_131 = tpu.memref_slice %arg8[%rem3A_96, %run_scoped3A_115, %dma_start3A_130] : memref<2x8x128xi32, #tpu.memory_space<vmem>> -> memref<1x1x128xi32, #tpu.memory_space<vmem>>
        %dma_start3A_132 = tpu.memref_squeeze %dma_start3A_131 : memref<1x1x128xi32, #tpu.memory_space<vmem>> -> memref<128xi32, #tpu.memory_space<vmem>>
        %dma_start3A_133 = arith.constant 0 : i32
        %dma_start3A_134 = arith.constant 0 : i32
        %dma_start3A_135 = tpu.memref_slice %arg11[%dma_start3A_133, %dma_start3A_134] : memref<10016x128xf32, #tpu.memory_space<vmem_shared>> -> memref<10016x128xf32, #tpu.memory_space<vmem_shared>>
        tpu.enqueue_indirect_dma source(%arg9 : memref<128x128xf32, #tpu.memory_space<vmem>>) target(%dma_start3A_135 : memref<10016x128xf32, #tpu.memory_space<vmem_shared>>) offsets(%dma_start3A_132 : memref<128xi32, #tpu.memory_space<vmem>>) semaphore(%run_scoped3A_129 : memref<!tpu.dma_semaphore, #tpu.memory_space<semaphore_mem>>) {add = true}
        %dma_wait3A_136 = arith.constant 0 : i32
        %dma_wait3A_137 = tpu.memref_slice %arg8[%rem3A_96, %run_scoped3A_115, %dma_wait3A_136] : memref<2x8x128xi32, #tpu.memory_space<vmem>> -> memref<1x1x128xi32, #tpu.memory_space<vmem>>
        %dma_wait3A_138 = tpu.memref_squeeze %dma_wait3A_137 : memref<1x1x128xi32, #tpu.memory_space<vmem>> -> memref<128xi32, #tpu.memory_space<vmem>>
        %dma_wait3A_139 = arith.constant 0 : i32
        %dma_wait3A_140 = arith.constant 0 : i32
        %dma_wait3A_141 = tpu.memref_slice %arg11[%dma_wait3A_139, %dma_wait3A_140] : memref<10016x128xf32, #tpu.memory_space<vmem_shared>> -> memref<10016x128xf32, #tpu.memory_space<vmem_shared>>
        tpu.wait_indirect_dma semaphore(%run_scoped3A_129 : memref<!tpu.dma_semaphore, #tpu.memory_space<semaphore_mem>>) src(%arg9 : memref<128x128xf32, #tpu.memory_space<vmem>>) dst(%dma_wait3A_141 : memref<10016x128xf32, #tpu.memory_space<vmem_shared>>)
        tpu.yield
      }) : () -> ()
      %run_scoped3A_116 = arith.constant 5 : i32
      "tpu.region"() ({
        %run_scoped3A_129 = tpu.sem_alloc : memref<!tpu.dma_semaphore, #tpu.memory_space<semaphore_mem>>
        %dma_start3A_130 = arith.constant 0 : i32
        %dma_start3A_131 = tpu.memref_slice %arg7[%rem3A_96, %run_scoped3A_116, %dma_start3A_130] : memref<2x8x128xi32, #tpu.memory_space<vmem>> -> memref<1x1x128xi32, #tpu.memory_space<vmem>>
        %dma_start3A_132 = tpu.memref_squeeze %dma_start3A_131 : memref<1x1x128xi32, #tpu.memory_space<vmem>> -> memref<128xi32, #tpu.memory_space<vmem>>
        %dma_start3A_133 = arith.constant 0 : i32
        %dma_start3A_134 = arith.constant 0 : i32
        %dma_start3A_135 = tpu.memref_slice %arg2[%dma_start3A_133, %dma_start3A_134] : memref<10000x128xf32, #tpu.memory_space<hbm>> -> memref<10000x128xf32, #tpu.memory_space<hbm>>
        tpu.enqueue_indirect_dma source(%dma_start3A_135 : memref<10000x128xf32, #tpu.memory_space<hbm>>) target(%arg9 : memref<128x128xf32, #tpu.memory_space<vmem>>) offsets(%dma_start3A_132 : memref<128xi32, #tpu.memory_space<vmem>>) semaphore(%run_scoped3A_129 : memref<!tpu.dma_semaphore, #tpu.memory_space<semaphore_mem>>)
        %dma_wait3A_136 = arith.constant 0 : i32
        %dma_wait3A_137 = tpu.memref_slice %arg7[%rem3A_96, %run_scoped3A_116, %dma_wait3A_136] : memref<2x8x128xi32, #tpu.memory_space<vmem>> -> memref<1x1x128xi32, #tpu.memory_space<vmem>>
        %dma_wait3A_138 = tpu.memref_squeeze %dma_wait3A_137 : memref<1x1x128xi32, #tpu.memory_space<vmem>> -> memref<128xi32, #tpu.memory_space<vmem>>
        %dma_wait3A_139 = arith.constant 0 : i32
        %dma_wait3A_140 = arith.constant 0 : i32
        %dma_wait3A_141 = tpu.memref_slice %arg2[%dma_wait3A_139, %dma_wait3A_140] : memref<10000x128xf32, #tpu.memory_space<hbm>> -> memref<10000x128xf32, #tpu.memory_space<hbm>>
        tpu.wait_indirect_dma semaphore(%run_scoped3A_129 : memref<!tpu.dma_semaphore, #tpu.memory_space<semaphore_mem>>) src(%dma_wait3A_141 : memref<10000x128xf32, #tpu.memory_space<hbm>>) dst(%arg9 : memref<128x128xf32, #tpu.memory_space<vmem>>)
        tpu.yield
      }) : () -> ()
      %run_scoped3A_117 = arith.constant 5 : i32
      "tpu.region"() ({
        %run_scoped3A_129 = tpu.sem_alloc : memref<!tpu.dma_semaphore, #tpu.memory_space<semaphore_mem>>
        %dma_start3A_130 = arith.constant 0 : i32
        %dma_start3A_131 = tpu.memref_slice %arg8[%rem3A_96, %run_scoped3A_117, %dma_start3A_130] : memref<2x8x128xi32, #tpu.memory_space<vmem>> -> memref<1x1x128xi32, #tpu.memory_space<vmem>>
        %dma_start3A_132 = tpu.memref_squeeze %dma_start3A_131 : memref<1x1x128xi32, #tpu.memory_space<vmem>> -> memref<128xi32, #tpu.memory_space<vmem>>
        %dma_start3A_133 = arith.constant 0 : i32
        %dma_start3A_134 = arith.constant 0 : i32
        %dma_start3A_135 = tpu.memref_slice %arg11[%dma_start3A_133, %dma_start3A_134] : memref<10016x128xf32, #tpu.memory_space<vmem_shared>> -> memref<10016x128xf32, #tpu.memory_space<vmem_shared>>
        tpu.enqueue_indirect_dma source(%arg9 : memref<128x128xf32, #tpu.memory_space<vmem>>) target(%dma_start3A_135 : memref<10016x128xf32, #tpu.memory_space<vmem_shared>>) offsets(%dma_start3A_132 : memref<128xi32, #tpu.memory_space<vmem>>) semaphore(%run_scoped3A_129 : memref<!tpu.dma_semaphore, #tpu.memory_space<semaphore_mem>>) {add = true}
        %dma_wait3A_136 = arith.constant 0 : i32
        %dma_wait3A_137 = tpu.memref_slice %arg8[%rem3A_96, %run_scoped3A_117, %dma_wait3A_136] : memref<2x8x128xi32, #tpu.memory_space<vmem>> -> memref<1x1x128xi32, #tpu.memory_space<vmem>>
        %dma_wait3A_138 = tpu.memref_squeeze %dma_wait3A_137 : memref<1x1x128xi32, #tpu.memory_space<vmem>> -> memref<128xi32, #tpu.memory_space<vmem>>
        %dma_wait3A_139 = arith.constant 0 : i32
        %dma_wait3A_140 = arith.constant 0 : i32
        %dma_wait3A_141 = tpu.memref_slice %arg11[%dma_wait3A_139, %dma_wait3A_140] : memref<10016x128xf32, #tpu.memory_space<vmem_shared>> -> memref<10016x128xf32, #tpu.memory_space<vmem_shared>>
        tpu.wait_indirect_dma semaphore(%run_scoped3A_129 : memref<!tpu.dma_semaphore, #tpu.memory_space<semaphore_mem>>) src(%arg9 : memref<128x128xf32, #tpu.memory_space<vmem>>) dst(%dma_wait3A_141 : memref<10016x128xf32, #tpu.memory_space<vmem_shared>>)
        tpu.yield
      }) : () -> ()
      %run_scoped3A_118 = arith.constant 6 : i32
      "tpu.region"() ({
        %run_scoped3A_129 = tpu.sem_alloc : memref<!tpu.dma_semaphore, #tpu.memory_space<semaphore_mem>>
        %dma_start3A_130 = arith.constant 0 : i32
        %dma_start3A_131 = tpu.memref_slice %arg7[%rem3A_96, %run_scoped3A_118, %dma_start3A_130] : memref<2x8x128xi32, #tpu.memory_space<vmem>> -> memref<1x1x128xi32, #tpu.memory_space<vmem>>
        %dma_start3A_132 = tpu.memref_squeeze %dma_start3A_131 : memref<1x1x128xi32, #tpu.memory_space<vmem>> -> memref<128xi32, #tpu.memory_space<vmem>>
        %dma_start3A_133 = arith.constant 0 : i32
        %dma_start3A_134 = arith.constant 0 : i32
        %dma_start3A_135 = tpu.memref_slice %arg2[%dma_start3A_133, %dma_start3A_134] : memref<10000x128xf32, #tpu.memory_space<hbm>> -> memref<10000x128xf32, #tpu.memory_space<hbm>>
        tpu.enqueue_indirect_dma source(%dma_start3A_135 : memref<10000x128xf32, #tpu.memory_space<hbm>>) target(%arg9 : memref<128x128xf32, #tpu.memory_space<vmem>>) offsets(%dma_start3A_132 : memref<128xi32, #tpu.memory_space<vmem>>) semaphore(%run_scoped3A_129 : memref<!tpu.dma_semaphore, #tpu.memory_space<semaphore_mem>>)
        %dma_wait3A_136 = arith.constant 0 : i32
        %dma_wait3A_137 = tpu.memref_slice %arg7[%rem3A_96, %run_scoped3A_118, %dma_wait3A_136] : memref<2x8x128xi32, #tpu.memory_space<vmem>> -> memref<1x1x128xi32, #tpu.memory_space<vmem>>
        %dma_wait3A_138 = tpu.memref_squeeze %dma_wait3A_137 : memref<1x1x128xi32, #tpu.memory_space<vmem>> -> memref<128xi32, #tpu.memory_space<vmem>>
        %dma_wait3A_139 = arith.constant 0 : i32
        %dma_wait3A_140 = arith.constant 0 : i32
        %dma_wait3A_141 = tpu.memref_slice %arg2[%dma_wait3A_139, %dma_wait3A_140] : memref<10000x128xf32, #tpu.memory_space<hbm>> -> memref<10000x128xf32, #tpu.memory_space<hbm>>
        tpu.wait_indirect_dma semaphore(%run_scoped3A_129 : memref<!tpu.dma_semaphore, #tpu.memory_space<semaphore_mem>>) src(%dma_wait3A_141 : memref<10000x128xf32, #tpu.memory_space<hbm>>) dst(%arg9 : memref<128x128xf32, #tpu.memory_space<vmem>>)
        tpu.yield
      }) : () -> ()
      %run_scoped3A_119 = arith.constant 6 : i32
      "tpu.region"() ({
        %run_scoped3A_129 = tpu.sem_alloc : memref<!tpu.dma_semaphore, #tpu.memory_space<semaphore_mem>>
        %dma_start3A_130 = arith.constant 0 : i32
        %dma_start3A_131 = tpu.memref_slice %arg8[%rem3A_96, %run_scoped3A_119, %dma_start3A_130] : memref<2x8x128xi32, #tpu.memory_space<vmem>> -> memref<1x1x128xi32, #tpu.memory_space<vmem>>
        %dma_start3A_132 = tpu.memref_squeeze %dma_start3A_131 : memref<1x1x128xi32, #tpu.memory_space<vmem>> -> memref<128xi32, #tpu.memory_space<vmem>>
        %dma_start3A_133 = arith.constant 0 : i32
        %dma_start3A_134 = arith.constant 0 : i32
        %dma_start3A_135 = tpu.memref_slice %arg11[%dma_start3A_133, %dma_start3A_134] : memref<10016x128xf32, #tpu.memory_space<vmem_shared>> -> memref<10016x128xf32, #tpu.memory_space<vmem_shared>>
        tpu.enqueue_indirect_dma source(%arg9 : memref<128x128xf32, #tpu.memory_space<vmem>>) target(%dma_start3A_135 : memref<10016x128xf32, #tpu.memory_space<vmem_shared>>) offsets(%dma_start3A_132 : memref<128xi32, #tpu.memory_space<vmem>>) semaphore(%run_scoped3A_129 : memref<!tpu.dma_semaphore, #tpu.memory_space<semaphore_mem>>) {add = true}
        %dma_wait3A_136 = arith.constant 0 : i32
        %dma_wait3A_137 = tpu.memref_slice %arg8[%rem3A_96, %run_scoped3A_119, %dma_wait3A_136] : memref<2x8x128xi32, #tpu.memory_space<vmem>> -> memref<1x1x128xi32, #tpu.memory_space<vmem>>
        %dma_wait3A_138 = tpu.memref_squeeze %dma_wait3A_137 : memref<1x1x128xi32, #tpu.memory_space<vmem>> -> memref<128xi32, #tpu.memory_space<vmem>>
        %dma_wait3A_139 = arith.constant 0 : i32
        %dma_wait3A_140 = arith.constant 0 : i32
        %dma_wait3A_141 = tpu.memref_slice %arg11[%dma_wait3A_139, %dma_wait3A_140] : memref<10016x128xf32, #tpu.memory_space<vmem_shared>> -> memref<10016x128xf32, #tpu.memory_space<vmem_shared>>
        tpu.wait_indirect_dma semaphore(%run_scoped3A_129 : memref<!tpu.dma_semaphore, #tpu.memory_space<semaphore_mem>>) src(%arg9 : memref<128x128xf32, #tpu.memory_space<vmem>>) dst(%dma_wait3A_141 : memref<10016x128xf32, #tpu.memory_space<vmem_shared>>)
        tpu.yield
      }) : () -> ()
      %add3A_120 = arith.constant 1 : i32
      %add3A_121 = arith.addi %scan3A_95, %add3A_120 : i32
      %lt3A_122 = arith.constant 10 : i32
      %lt3A_123 = arith.cmpi slt, %add3A_121, %lt3A_122 : i32
      %convert_element_type3A_124 = arith.extui %lt3A_123 : i1 to i32
      %cond3A_125 = arith.constant 0 : i32
      %cond3A_126 = arith.cmpi ne, %convert_element_type3A_124, %cond3A_125 : i32
      scf.if %cond3A_126 {
        %dma_wait3A_129 = arith.constant 0 : i32
        %dma_wait3A_130 = arith.constant 0 : i32
        %dma_wait3A_131 = arith.constant 0 : i32
        %dma_wait3A_132 = arith.constant 0 : i32
        %dma_wait3A_133 = tpu.memref_slice %arg7[%dma_wait3A_130, %dma_wait3A_131, %dma_wait3A_132] : memref<2x8x128xi32, #tpu.memory_space<vmem>> -> memref<1x8x128xi32, #tpu.memory_space<vmem>>
        %dma_wait3A_134 = tpu.memref_squeeze %dma_wait3A_133 : memref<1x8x128xi32, #tpu.memory_space<vmem>> -> memref<8x128xi32, #tpu.memory_space<vmem>>
        %dma_wait3A_135 = arith.constant 0 : i32
        %dma_wait3A_136 = arith.constant 0 : i32
        %dma_wait3A_137 = tpu.memref_slice %arg3[%add3A, %dma_wait3A_129, %dma_wait3A_135, %dma_wait3A_136] : memref<32x10x8x128xi32, #tpu.memory_space<hbm>> -> memref<1x1x8x128xi32, #tpu.memory_space<hbm>>
        %dma_wait3A_138 = tpu.memref_squeeze %dma_wait3A_137 : memref<1x1x8x128xi32, #tpu.memory_space<hbm>> -> memref<8x128xi32, #tpu.memory_space<hbm>>
        %dma_wait3A_139 = arith.constant 0 : i32
        %dma_wait3A_140 = arith.constant 0 : i32
        %dma_wait3A_141 = tpu.memref_slice %arg7[%dma_wait3A_130, %dma_wait3A_139, %dma_wait3A_140] : memref<2x8x128xi32, #tpu.memory_space<vmem>> -> memref<1x8x128xi32, #tpu.memory_space<vmem>>
        %dma_wait3A_142 = tpu.memref_squeeze %dma_wait3A_141 : memref<1x8x128xi32, #tpu.memory_space<vmem>> -> memref<8x128xi32, #tpu.memory_space<vmem>>
        %dma_wait3A_143 = arith.constant 0 : i32
        %dma_wait3A_144 = arith.constant 0 : i32
        %dma_wait3A_145 = tpu.memref_slice %arg3[%add3A, %dma_wait3A_129, %dma_wait3A_143, %dma_wait3A_144] : memref<32x10x8x128xi32, #tpu.memory_space<hbm>> -> memref<1x1x8x128xi32, #tpu.memory_space<hbm>>
        %dma_wait3A_146 = tpu.memref_squeeze %dma_wait3A_145 : memref<1x1x8x128xi32, #tpu.memory_space<hbm>> -> memref<8x128xi32, #tpu.memory_space<hbm>>
        tpu.wait_dma2 semaphore(%arg12 : memref<!tpu.dma_semaphore, #tpu.memory_space<semaphore_mem>>) src(%dma_wait3A_146 : memref<8x128xi32, #tpu.memory_space<hbm>>) dst(%dma_wait3A_142 : memref<8x128xi32, #tpu.memory_space<vmem>>)
        %dma_wait3A_147 = arith.constant 0 : i32
        %dma_wait3A_148 = arith.constant 0 : i32
        %dma_wait3A_149 = arith.constant 0 : i32
        %dma_wait3A_150 = arith.constant 0 : i32
        %dma_wait3A_151 = tpu.memref_slice %arg8[%dma_wait3A_148, %dma_wait3A_149, %dma_wait3A_150] : memref<2x8x128xi32, #tpu.memory_space<vmem>> -> memref<1x8x128xi32, #tpu.memory_space<vmem>>
        %dma_wait3A_152 = tpu.memref_squeeze %dma_wait3A_151 : memref<1x8x128xi32, #tpu.memory_space<vmem>> -> memref<8x128xi32, #tpu.memory_space<vmem>>
        %dma_wait3A_153 = arith.constant 0 : i32
        %dma_wait3A_154 = arith.constant 0 : i32
        %dma_wait3A_155 = tpu.memref_slice %arg4[%add3A, %dma_wait3A_147, %dma_wait3A_153, %dma_wait3A_154] : memref<32x10x8x128xi32, #tpu.memory_space<hbm>> -> memref<1x1x8x128xi32, #tpu.memory_space<hbm>>
        %dma_wait3A_156 = tpu.memref_squeeze %dma_wait3A_155 : memref<1x1x8x128xi32, #tpu.memory_space<hbm>> -> memref<8x128xi32, #tpu.memory_space<hbm>>
        %dma_wait3A_157 = arith.constant 0 : i32
        %dma_wait3A_158 = arith.constant 0 : i32
        %dma_wait3A_159 = tpu.memref_slice %arg8[%dma_wait3A_148, %dma_wait3A_157, %dma_wait3A_158] : memref<2x8x128xi32, #tpu.memory_space<vmem>> -> memref<1x8x128xi32, #tpu.memory_space<vmem>>
        %dma_wait3A_160 = tpu.memref_squeeze %dma_wait3A_159 : memref<1x8x128xi32, #tpu.memory_space<vmem>> -> memref<8x128xi32, #tpu.memory_space<vmem>>
        %dma_wait3A_161 = arith.constant 0 : i32
        %dma_wait3A_162 = arith.constant 0 : i32
        %dma_wait3A_163 = tpu.memref_slice %arg4[%add3A, %dma_wait3A_147, %dma_wait3A_161, %dma_wait3A_162] : memref<32x10x8x128xi32, #tpu.memory_space<hbm>> -> memref<1x1x8x128xi32, #tpu.memory_space<hbm>>
        %dma_wait3A_164 = tpu.memref_squeeze %dma_wait3A_163 : memref<1x1x8x128xi32, #tpu.memory_space<hbm>> -> memref<8x128xi32, #tpu.memory_space<hbm>>
        tpu.wait_dma2 semaphore(%arg12 : memref<!tpu.dma_semaphore, #tpu.memory_space<semaphore_mem>>) src(%dma_wait3A_164 : memref<8x128xi32, #tpu.memory_space<hbm>>) dst(%dma_wait3A_160 : memref<8x128xi32, #tpu.memory_space<vmem>>)
      } else {
      }
      %run_scoped3A_127 = arith.constant 7 : i32
      "tpu.region"() ({
        %run_scoped3A_129 = tpu.sem_alloc : memref<!tpu.dma_semaphore, #tpu.memory_space<semaphore_mem>>
        %dma_start3A_130 = arith.constant 0 : i32
        %dma_start3A_131 = tpu.memref_slice %arg7[%rem3A_96, %run_scoped3A_127, %dma_start3A_130] : memref<2x8x128xi32, #tpu.memory_space<vmem>> -> memref<1x1x128xi32, #tpu.memory_space<vmem>>
        %dma_start3A_132 = tpu.memref_squeeze %dma_start3A_131 : memref<1x1x128xi32, #tpu.memory_space<vmem>> -> memref<128xi32, #tpu.memory_space<vmem>>
        %dma_start3A_133 = arith.constant 0 : i32
        %dma_start3A_134 = arith.constant 0 : i32
        %dma_start3A_135 = tpu.memref_slice %arg2[%dma_start3A_133, %dma_start3A_134] : memref<10000x128xf32, #tpu.memory_space<hbm>> -> memref<10000x128xf32, #tpu.memory_space<hbm>>
        tpu.enqueue_indirect_dma source(%dma_start3A_135 : memref<10000x128xf32, #tpu.memory_space<hbm>>) target(%arg9 : memref<128x128xf32, #tpu.memory_space<vmem>>) offsets(%dma_start3A_132 : memref<128xi32, #tpu.memory_space<vmem>>) semaphore(%run_scoped3A_129 : memref<!tpu.dma_semaphore, #tpu.memory_space<semaphore_mem>>)
        %dma_wait3A_136 = arith.constant 0 : i32
        %dma_wait3A_137 = tpu.memref_slice %arg7[%rem3A_96, %run_scoped3A_127, %dma_wait3A_136] : memref<2x8x128xi32, #tpu.memory_space<vmem>> -> memref<1x1x128xi32, #tpu.memory_space<vmem>>
        %dma_wait3A_138 = tpu.memref_squeeze %dma_wait3A_137 : memref<1x1x128xi32, #tpu.memory_space<vmem>> -> memref<128xi32, #tpu.memory_space<vmem>>
        %dma_wait3A_139 = arith.constant 0 : i32
        %dma_wait3A_140 = arith.constant 0 : i32
        %dma_wait3A_141 = tpu.memref_slice %arg2[%dma_wait3A_139, %dma_wait3A_140] : memref<10000x128xf32, #tpu.memory_space<hbm>> -> memref<10000x128xf32, #tpu.memory_space<hbm>>
        tpu.wait_indirect_dma semaphore(%run_scoped3A_129 : memref<!tpu.dma_semaphore, #tpu.memory_space<semaphore_mem>>) src(%dma_wait3A_141 : memref<10000x128xf32, #tpu.memory_space<hbm>>) dst(%arg9 : memref<128x128xf32, #tpu.memory_space<vmem>>)
        tpu.yield
      }) : () -> ()
      %run_scoped3A_128 = arith.constant 7 : i32
      "tpu.region"() ({
        %run_scoped3A_129 = tpu.sem_alloc : memref<!tpu.dma_semaphore, #tpu.memory_space<semaphore_mem>>
        %dma_start3A_130 = arith.constant 0 : i32
        %dma_start3A_131 = tpu.memref_slice %arg8[%rem3A_96, %run_scoped3A_128, %dma_start3A_130] : memref<2x8x128xi32, #tpu.memory_space<vmem>> -> memref<1x1x128xi32, #tpu.memory_space<vmem>>
        %dma_start3A_132 = tpu.memref_squeeze %dma_start3A_131 : memref<1x1x128xi32, #tpu.memory_space<vmem>> -> memref<128xi32, #tpu.memory_space<vmem>>
        %dma_start3A_133 = arith.constant 0 : i32
        %dma_start3A_134 = arith.constant 0 : i32
        %dma_start3A_135 = tpu.memref_slice %arg11[%dma_start3A_133, %dma_start3A_134] : memref<10016x128xf32, #tpu.memory_space<vmem_shared>> -> memref<10016x128xf32, #tpu.memory_space<vmem_shared>>
        tpu.enqueue_indirect_dma source(%arg9 : memref<128x128xf32, #tpu.memory_space<vmem>>) target(%dma_start3A_135 : memref<10016x128xf32, #tpu.memory_space<vmem_shared>>) offsets(%dma_start3A_132 : memref<128xi32, #tpu.memory_space<vmem>>) semaphore(%run_scoped3A_129 : memref<!tpu.dma_semaphore, #tpu.memory_space<semaphore_mem>>) {add = true}
        %dma_wait3A_136 = arith.constant 0 : i32
        %dma_wait3A_137 = tpu.memref_slice %arg8[%rem3A_96, %run_scoped3A_128, %dma_wait3A_136] : memref<2x8x128xi32, #tpu.memory_space<vmem>> -> memref<1x1x128xi32, #tpu.memory_space<vmem>>
        %dma_wait3A_138 = tpu.memref_squeeze %dma_wait3A_137 : memref<1x1x128xi32, #tpu.memory_space<vmem>> -> memref<128xi32, #tpu.memory_space<vmem>>
        %dma_wait3A_139 = arith.constant 0 : i32
        %dma_wait3A_140 = arith.constant 0 : i32
        %dma_wait3A_141 = tpu.memref_slice %arg11[%dma_wait3A_139, %dma_wait3A_140] : memref<10016x128xf32, #tpu.memory_space<vmem_shared>> -> memref<10016x128xf32, #tpu.memory_space<vmem_shared>>
        tpu.wait_indirect_dma semaphore(%run_scoped3A_129 : memref<!tpu.dma_semaphore, #tpu.memory_space<semaphore_mem>>) src(%arg9 : memref<128x128xf32, #tpu.memory_space<vmem>>) dst(%dma_wait3A_141 : memref<10016x128xf32, #tpu.memory_space<vmem_shared>>)
        tpu.yield
      }) : () -> ()
    }
    %scan3A_88 = arith.constant 10 : i32
    %barrier3A_89 = arith.constant 0 : index
    tpu.barrier barrier_id(%barrier3A_89)
    "tpu.region"() ({
      %run_scoped3A = tpu.sem_alloc : memref<!tpu.dma_semaphore, #tpu.memory_space<semaphore_mem>>
      %dma_start3A_95 = arith.constant 0 : i32
      %dma_start3A_96 = tpu.memref_slice %arg6[%arg0, %mul3A_2, %dma_start3A_95] : memref<2x10000x128xf32, #tpu.memory_space<hbm>> -> memref<1x624x128xf32, #tpu.memory_space<hbm>>
      %dma_start3A_97 = tpu.memref_squeeze %dma_start3A_96 : memref<1x624x128xf32, #tpu.memory_space<hbm>> -> memref<624x128xf32, #tpu.memory_space<hbm>>
      %dma_start3A_98 = arith.constant 0 : i32
      %dma_start3A_99 = tpu.memref_slice %arg11[%mul3A_2, %dma_start3A_98] : memref<10016x128xf32, #tpu.memory_space<vmem_shared>> -> memref<624x128xf32, #tpu.memory_space<vmem_shared>>
      tpu.enqueue_dma source(%dma_start3A_99 : memref<624x128xf32, #tpu.memory_space<vmem_shared>>) target(%dma_start3A_97 : memref<624x128xf32, #tpu.memory_space<hbm>>) target_semaphore(%run_scoped3A : memref<!tpu.dma_semaphore, #tpu.memory_space<semaphore_mem>>)
      %dma_wait3A_100 = arith.constant 0 : i32
      %dma_wait3A_101 = tpu.memref_slice %arg6[%arg0, %mul3A_2, %dma_wait3A_100] : memref<2x10000x128xf32, #tpu.memory_space<hbm>> -> memref<1x624x128xf32, #tpu.memory_space<hbm>>
      %dma_wait3A_102 = tpu.memref_squeeze %dma_wait3A_101 : memref<1x624x128xf32, #tpu.memory_space<hbm>> -> memref<624x128xf32, #tpu.memory_space<hbm>>
      %dma_wait3A_103 = arith.constant 0 : i32
      %dma_wait3A_104 = tpu.memref_slice %arg11[%mul3A_2, %dma_wait3A_103] : memref<10016x128xf32, #tpu.memory_space<vmem_shared>> -> memref<624x128xf32, #tpu.memory_space<vmem_shared>>
      tpu.wait_dma2 semaphore(%run_scoped3A : memref<!tpu.dma_semaphore, #tpu.memory_space<semaphore_mem>>) src(%dma_wait3A_104 : memref<624x128xf32, #tpu.memory_space<vmem_shared>>) dst(%dma_wait3A_102 : memref<624x128xf32, #tpu.memory_space<hbm>>)
      tpu.yield
    }) : () -> ()
    %eq3A_90 = arith.constant 15 : i32
    %eq3A_91 = arith.cmpi eq, %arg1, %eq3A_90 : i32
    %convert_element_type3A_92 = arith.extui %eq3A_91 : i1 to i32
    %cond3A_93 = arith.constant 0 : i32
    %cond3A_94 = arith.cmpi ne, %convert_element_type3A_92, %cond3A_93 : i32
    scf.if %cond3A_94 {
      "tpu.region"() ({
        %run_scoped3A = tpu.sem_alloc : memref<!tpu.dma_semaphore, #tpu.memory_space<semaphore_mem>>
        %dma_start3A_95 = arith.constant 9984 : i32
        %dma_start3A_96 = arith.constant 0 : i32
        %dma_start3A_97 = tpu.memref_slice %arg6[%arg0, %dma_start3A_95, %dma_start3A_96] : memref<2x10000x128xf32, #tpu.memory_space<hbm>> -> memref<1x16x128xf32, #tpu.memory_space<hbm>>
        %dma_start3A_98 = tpu.memref_squeeze %dma_start3A_97 : memref<1x16x128xf32, #tpu.memory_space<hbm>> -> memref<16x128xf32, #tpu.memory_space<hbm>>
        %dma_start3A_99 = arith.constant 9984 : i32
        %dma_start3A_100 = arith.constant 0 : i32
        %dma_start3A_101 = tpu.memref_slice %arg11[%dma_start3A_99, %dma_start3A_100] : memref<10016x128xf32, #tpu.memory_space<vmem_shared>> -> memref<16x128xf32, #tpu.memory_space<vmem_shared>>
        tpu.enqueue_dma source(%dma_start3A_101 : memref<16x128xf32, #tpu.memory_space<vmem_shared>>) target(%dma_start3A_98 : memref<16x128xf32, #tpu.memory_space<hbm>>) target_semaphore(%run_scoped3A : memref<!tpu.dma_semaphore, #tpu.memory_space<semaphore_mem>>)
        %dma_wait3A_102 = arith.constant 9984 : i32
        %dma_wait3A_103 = arith.constant 0 : i32
        %dma_wait3A_104 = tpu.memref_slice %arg6[%arg0, %dma_wait3A_102, %dma_wait3A_103] : memref<2x10000x128xf32, #tpu.memory_space<hbm>> -> memref<1x16x128xf32, #tpu.memory_space<hbm>>
        %dma_wait3A_105 = tpu.memref_squeeze %dma_wait3A_104 : memref<1x16x128xf32, #tpu.memory_space<hbm>> -> memref<16x128xf32, #tpu.memory_space<hbm>>
        %dma_wait3A_106 = arith.constant 9984 : i32
        %dma_wait3A_107 = arith.constant 0 : i32
        %dma_wait3A_108 = tpu.memref_slice %arg11[%dma_wait3A_106, %dma_wait3A_107] : memref<10016x128xf32, #tpu.memory_space<vmem_shared>> -> memref<16x128xf32, #tpu.memory_space<vmem_shared>>
        tpu.wait_dma2 semaphore(%run_scoped3A : memref<!tpu.dma_semaphore, #tpu.memory_space<semaphore_mem>>) src(%dma_wait3A_108 : memref<16x128xf32, #tpu.memory_space<vmem_shared>>) dst(%dma_wait3A_105 : memref<16x128xf32, #tpu.memory_space<hbm>>)
        tpu.yield
      }) : () -> ()
    } else {
    }
    return
  }
}

#map = affine_map<(d0, d1) -> (0, 0, 0, 0)>
#map1 = affine_map<(d0, d1) -> (0, 0)>
#map2 = affine_map<(d0, d1) -> (0, 0, 0)>
module attributes {stable_mosaic.version = 14 : i64} {
  func.func @deg_kernel(%arg0: i32, %arg1: i32, %arg2: memref<32x10x8x128xi32, #tpu.memory_space<hbm>>, %arg3: memref<128x128xf32, #tpu.memory_space<hbm>>, %arg4: memref<10000x128xf32, #tpu.memory_space<hbm>>, %arg5: memref<2x10000x128xf32, #tpu.memory_space<hbm>>, %arg6: memref<10x8x128xi32, #tpu.memory_space<vmem>>, %arg7: memref<128x128xf32, #tpu.memory_space<vmem>>, %arg8: memref<10016x128xf32, #tpu.memory_space<vmem_shared>>, %arg9: memref<!tpu.dma_semaphore, #tpu.memory_space<semaphore_mem>>) attributes {dimension_semantics = [#tpu.dimension_semantics<core_parallel>, #tpu.dimension_semantics<subcore_parallel>], iteration_bounds = array<i64: 2, 16>, scalar_prefetch = 0 : i64, scratch_operands = 4 : i64, tpu.core_type = #tpu.core_type<sc_vector_subcore>, window_params = [{transform_indices = #map}, {transform_indices = #map1}, {transform_indices = #map1}, {transform_indices = #map2}]} {
    %mul3A = arith.constant 16 : i32
    %mul3A_0 = arith.muli %arg0, %mul3A : i32
    %add3A = arith.addi %mul3A_0, %arg1 : i32
    %mul3A_1 = arith.constant 624 : i32
    %mul3A_2 = arith.muli %arg1, %mul3A_1 : i32
    "tpu.region"() ({
      %run_scoped3A = tpu.sem_alloc : memref<!tpu.dma_semaphore, #tpu.memory_space<semaphore_mem>>
      %dma_start3A = arith.constant 0 : i32
      %dma_start3A_79 = tpu.memref_slice %arg8[%mul3A_2, %dma_start3A] : memref<10016x128xf32, #tpu.memory_space<vmem_shared>> -> memref<624x128xf32, #tpu.memory_space<vmem_shared>>
      %dma_start3A_80 = arith.constant 0 : i32
      %dma_start3A_81 = tpu.memref_slice %arg4[%mul3A_2, %dma_start3A_80] : memref<10000x128xf32, #tpu.memory_space<hbm>> -> memref<624x128xf32, #tpu.memory_space<hbm>>
      tpu.enqueue_dma source(%dma_start3A_81 : memref<624x128xf32, #tpu.memory_space<hbm>>) target(%dma_start3A_79 : memref<624x128xf32, #tpu.memory_space<vmem_shared>>) target_semaphore(%run_scoped3A : memref<!tpu.dma_semaphore, #tpu.memory_space<semaphore_mem>>)
      %dma_wait3A_82 = arith.constant 0 : i32
      %dma_wait3A_83 = tpu.memref_slice %arg8[%mul3A_2, %dma_wait3A_82] : memref<10016x128xf32, #tpu.memory_space<vmem_shared>> -> memref<624x128xf32, #tpu.memory_space<vmem_shared>>
      %dma_wait3A_84 = arith.constant 0 : i32
      %dma_wait3A_85 = tpu.memref_slice %arg4[%mul3A_2, %dma_wait3A_84] : memref<10000x128xf32, #tpu.memory_space<hbm>> -> memref<624x128xf32, #tpu.memory_space<hbm>>
      tpu.wait_dma2 semaphore(%run_scoped3A : memref<!tpu.dma_semaphore, #tpu.memory_space<semaphore_mem>>) src(%dma_wait3A_85 : memref<624x128xf32, #tpu.memory_space<hbm>>) dst(%dma_wait3A_83 : memref<624x128xf32, #tpu.memory_space<vmem_shared>>)
      tpu.yield
    }) : () -> ()
    %eq3A = arith.constant 15 : i32
    %eq3A_3 = arith.cmpi eq, %arg1, %eq3A : i32
    %convert_element_type3A = arith.extui %eq3A_3 : i1 to i32
    %cond3A = arith.constant 0 : i32
    %cond3A_4 = arith.cmpi ne, %convert_element_type3A, %cond3A : i32
    scf.if %cond3A_4 {
      "tpu.region"() ({
        %run_scoped3A = tpu.sem_alloc : memref<!tpu.dma_semaphore, #tpu.memory_space<semaphore_mem>>
        %dma_start3A = arith.constant 9984 : i32
        %dma_start3A_79 = arith.constant 0 : i32
        %dma_start3A_80 = tpu.memref_slice %arg8[%dma_start3A, %dma_start3A_79] : memref<10016x128xf32, #tpu.memory_space<vmem_shared>> -> memref<16x128xf32, #tpu.memory_space<vmem_shared>>
        %dma_start3A_81 = arith.constant 9984 : i32
        %dma_start3A_82 = arith.constant 0 : i32
        %dma_start3A_83 = tpu.memref_slice %arg4[%dma_start3A_81, %dma_start3A_82] : memref<10000x128xf32, #tpu.memory_space<hbm>> -> memref<16x128xf32, #tpu.memory_space<hbm>>
        tpu.enqueue_dma source(%dma_start3A_83 : memref<16x128xf32, #tpu.memory_space<hbm>>) target(%dma_start3A_80 : memref<16x128xf32, #tpu.memory_space<vmem_shared>>) target_semaphore(%run_scoped3A : memref<!tpu.dma_semaphore, #tpu.memory_space<semaphore_mem>>)
        %dma_wait3A_84 = arith.constant 9984 : i32
        %dma_wait3A_85 = arith.constant 0 : i32
        %dma_wait3A_86 = tpu.memref_slice %arg8[%dma_wait3A_84, %dma_wait3A_85] : memref<10016x128xf32, #tpu.memory_space<vmem_shared>> -> memref<16x128xf32, #tpu.memory_space<vmem_shared>>
        %dma_wait3A_87 = arith.constant 9984 : i32
        %dma_wait3A_88 = arith.constant 0 : i32
        %dma_wait3A_89 = tpu.memref_slice %arg4[%dma_wait3A_87, %dma_wait3A_88] : memref<10000x128xf32, #tpu.memory_space<hbm>> -> memref<16x128xf32, #tpu.memory_space<hbm>>
        tpu.wait_dma2 semaphore(%run_scoped3A : memref<!tpu.dma_semaphore, #tpu.memory_space<semaphore_mem>>) src(%dma_wait3A_89 : memref<16x128xf32, #tpu.memory_space<hbm>>) dst(%dma_wait3A_86 : memref<16x128xf32, #tpu.memory_space<vmem_shared>>)
        tpu.yield
      }) : () -> ()
    } else {
    }
    "tpu.region"() ({
      %run_scoped3A = tpu.sem_alloc : memref<!tpu.dma_semaphore, #tpu.memory_space<semaphore_mem>>
      tpu.enqueue_dma source(%arg3 : memref<128x128xf32, #tpu.memory_space<hbm>>) target(%arg7 : memref<128x128xf32, #tpu.memory_space<vmem>>) target_semaphore(%run_scoped3A : memref<!tpu.dma_semaphore, #tpu.memory_space<semaphore_mem>>)
      tpu.wait_dma2 semaphore(%run_scoped3A : memref<!tpu.dma_semaphore, #tpu.memory_space<semaphore_mem>>) src(%arg3 : memref<128x128xf32, #tpu.memory_space<hbm>>) dst(%arg7 : memref<128x128xf32, #tpu.memory_space<vmem>>)
      tpu.yield
    }) : () -> ()
    "tpu.region"() ({
      %run_scoped3A = tpu.sem_alloc : memref<!tpu.dma_semaphore, #tpu.memory_space<semaphore_mem>>
      %dma_start3A = arith.constant 0 : i32
      %dma_start3A_79 = arith.constant 0 : i32
      %dma_start3A_80 = arith.constant 0 : i32
      %dma_start3A_81 = tpu.memref_slice %arg2[%add3A, %dma_start3A, %dma_start3A_79, %dma_start3A_80] : memref<32x10x8x128xi32, #tpu.memory_space<hbm>> -> memref<1x10x8x128xi32, #tpu.memory_space<hbm>>
      %dma_start3A_82 = tpu.memref_squeeze %dma_start3A_81 : memref<1x10x8x128xi32, #tpu.memory_space<hbm>> -> memref<10x8x128xi32, #tpu.memory_space<hbm>>
      %dma_start3A_83 = arith.constant 0 : i32
      %dma_start3A_84 = arith.constant 0 : i32
      %dma_start3A_85 = arith.constant 0 : i32
      %dma_start3A_86 = tpu.memref_slice %arg2[%add3A, %dma_start3A_83, %dma_start3A_84, %dma_start3A_85] : memref<32x10x8x128xi32, #tpu.memory_space<hbm>> -> memref<1x10x8x128xi32, #tpu.memory_space<hbm>>
      %dma_start3A_87 = tpu.memref_squeeze %dma_start3A_86 : memref<1x10x8x128xi32, #tpu.memory_space<hbm>> -> memref<10x8x128xi32, #tpu.memory_space<hbm>>
      tpu.enqueue_dma source(%dma_start3A_87 : memref<10x8x128xi32, #tpu.memory_space<hbm>>) target(%arg6 : memref<10x8x128xi32, #tpu.memory_space<vmem>>) target_semaphore(%run_scoped3A : memref<!tpu.dma_semaphore, #tpu.memory_space<semaphore_mem>>)
      %dma_wait3A_88 = arith.constant 0 : i32
      %dma_wait3A_89 = arith.constant 0 : i32
      %dma_wait3A_90 = arith.constant 0 : i32
      %dma_wait3A_91 = tpu.memref_slice %arg2[%add3A, %dma_wait3A_88, %dma_wait3A_89, %dma_wait3A_90] : memref<32x10x8x128xi32, #tpu.memory_space<hbm>> -> memref<1x10x8x128xi32, #tpu.memory_space<hbm>>
      %dma_wait3A_92 = tpu.memref_squeeze %dma_wait3A_91 : memref<1x10x8x128xi32, #tpu.memory_space<hbm>> -> memref<10x8x128xi32, #tpu.memory_space<hbm>>
      %dma_wait3A_93 = arith.constant 0 : i32
      %dma_wait3A_94 = arith.constant 0 : i32
      %dma_wait3A_95 = arith.constant 0 : i32
      %dma_wait3A_96 = tpu.memref_slice %arg2[%add3A, %dma_wait3A_93, %dma_wait3A_94, %dma_wait3A_95] : memref<32x10x8x128xi32, #tpu.memory_space<hbm>> -> memref<1x10x8x128xi32, #tpu.memory_space<hbm>>
      %dma_wait3A_97 = tpu.memref_squeeze %dma_wait3A_96 : memref<1x10x8x128xi32, #tpu.memory_space<hbm>> -> memref<10x8x128xi32, #tpu.memory_space<hbm>>
      tpu.wait_dma2 semaphore(%run_scoped3A : memref<!tpu.dma_semaphore, #tpu.memory_space<semaphore_mem>>) src(%dma_wait3A_97 : memref<10x8x128xi32, #tpu.memory_space<hbm>>) dst(%arg6 : memref<10x8x128xi32, #tpu.memory_space<vmem>>)
      tpu.yield
    }) : () -> ()
    %barrier3A = arith.constant 0 : index
    tpu.barrier barrier_id(%barrier3A)
    %scan3A = arith.constant 0 : i32
    %scan3A_5 = arith.constant 0 : i32
    %scan3A_6 = arith.constant 10 : i32
    %scan3A_7 = arith.addi %scan3A_5, %scan3A_6 : i32
    %scan3A_8 = arith.constant 1 : i32
    scf.for %scan3A_79 = %scan3A_5 to %scan3A_7 step %scan3A_8  : i32 {
      %dma_start3A = arith.constant 0 : i32
      %dma_start3A_80 = arith.constant 0 : i32
      %dma_start3A_81 = tpu.memref_slice %arg6[%scan3A_79, %dma_start3A, %dma_start3A_80] : memref<10x8x128xi32, #tpu.memory_space<vmem>> -> memref<1x1x128xi32, #tpu.memory_space<vmem>>
      %dma_start3A_82 = tpu.memref_squeeze %dma_start3A_81 : memref<1x1x128xi32, #tpu.memory_space<vmem>> -> memref<128xi32, #tpu.memory_space<vmem>>
      %dma_start3A_83 = arith.constant 0 : i32
      %dma_start3A_84 = arith.constant 0 : i32
      %dma_start3A_85 = tpu.memref_slice %arg8[%dma_start3A_83, %dma_start3A_84] : memref<10016x128xf32, #tpu.memory_space<vmem_shared>> -> memref<10016x128xf32, #tpu.memory_space<vmem_shared>>
      tpu.enqueue_indirect_dma source(%arg7 : memref<128x128xf32, #tpu.memory_space<vmem>>) target(%dma_start3A_85 : memref<10016x128xf32, #tpu.memory_space<vmem_shared>>) offsets(%dma_start3A_82 : memref<128xi32, #tpu.memory_space<vmem>>) semaphore(%arg9 : memref<!tpu.dma_semaphore, #tpu.memory_space<semaphore_mem>>) {add = true}
      %dma_start3A_86 = arith.constant 1 : i32
      %dma_start3A_87 = arith.constant 0 : i32
      %dma_start3A_88 = tpu.memref_slice %arg6[%scan3A_79, %dma_start3A_86, %dma_start3A_87] : memref<10x8x128xi32, #tpu.memory_space<vmem>> -> memref<1x1x128xi32, #tpu.memory_space<vmem>>
      %dma_start3A_89 = tpu.memref_squeeze %dma_start3A_88 : memref<1x1x128xi32, #tpu.memory_space<vmem>> -> memref<128xi32, #tpu.memory_space<vmem>>
      %dma_start3A_90 = arith.constant 0 : i32
      %dma_start3A_91 = arith.constant 0 : i32
      %dma_start3A_92 = tpu.memref_slice %arg8[%dma_start3A_90, %dma_start3A_91] : memref<10016x128xf32, #tpu.memory_space<vmem_shared>> -> memref<10016x128xf32, #tpu.memory_space<vmem_shared>>
      tpu.enqueue_indirect_dma source(%arg7 : memref<128x128xf32, #tpu.memory_space<vmem>>) target(%dma_start3A_92 : memref<10016x128xf32, #tpu.memory_space<vmem_shared>>) offsets(%dma_start3A_89 : memref<128xi32, #tpu.memory_space<vmem>>) semaphore(%arg9 : memref<!tpu.dma_semaphore, #tpu.memory_space<semaphore_mem>>) {add = true}
      %dma_start3A_93 = arith.constant 2 : i32
      %dma_start3A_94 = arith.constant 0 : i32
      %dma_start3A_95 = tpu.memref_slice %arg6[%scan3A_79, %dma_start3A_93, %dma_start3A_94] : memref<10x8x128xi32, #tpu.memory_space<vmem>> -> memref<1x1x128xi32, #tpu.memory_space<vmem>>
      %dma_start3A_96 = tpu.memref_squeeze %dma_start3A_95 : memref<1x1x128xi32, #tpu.memory_space<vmem>> -> memref<128xi32, #tpu.memory_space<vmem>>
      %dma_start3A_97 = arith.constant 0 : i32
      %dma_start3A_98 = arith.constant 0 : i32
      %dma_start3A_99 = tpu.memref_slice %arg8[%dma_start3A_97, %dma_start3A_98] : memref<10016x128xf32, #tpu.memory_space<vmem_shared>> -> memref<10016x128xf32, #tpu.memory_space<vmem_shared>>
      tpu.enqueue_indirect_dma source(%arg7 : memref<128x128xf32, #tpu.memory_space<vmem>>) target(%dma_start3A_99 : memref<10016x128xf32, #tpu.memory_space<vmem_shared>>) offsets(%dma_start3A_96 : memref<128xi32, #tpu.memory_space<vmem>>) semaphore(%arg9 : memref<!tpu.dma_semaphore, #tpu.memory_space<semaphore_mem>>) {add = true}
      %dma_start3A_100 = arith.constant 3 : i32
      %dma_start3A_101 = arith.constant 0 : i32
      %dma_start3A_102 = tpu.memref_slice %arg6[%scan3A_79, %dma_start3A_100, %dma_start3A_101] : memref<10x8x128xi32, #tpu.memory_space<vmem>> -> memref<1x1x128xi32, #tpu.memory_space<vmem>>
      %dma_start3A_103 = tpu.memref_squeeze %dma_start3A_102 : memref<1x1x128xi32, #tpu.memory_space<vmem>> -> memref<128xi32, #tpu.memory_space<vmem>>
      %dma_start3A_104 = arith.constant 0 : i32
      %dma_start3A_105 = arith.constant 0 : i32
      %dma_start3A_106 = tpu.memref_slice %arg8[%dma_start3A_104, %dma_start3A_105] : memref<10016x128xf32, #tpu.memory_space<vmem_shared>> -> memref<10016x128xf32, #tpu.memory_space<vmem_shared>>
      tpu.enqueue_indirect_dma source(%arg7 : memref<128x128xf32, #tpu.memory_space<vmem>>) target(%dma_start3A_106 : memref<10016x128xf32, #tpu.memory_space<vmem_shared>>) offsets(%dma_start3A_103 : memref<128xi32, #tpu.memory_space<vmem>>) semaphore(%arg9 : memref<!tpu.dma_semaphore, #tpu.memory_space<semaphore_mem>>) {add = true}
      %dma_start3A_107 = arith.constant 4 : i32
      %dma_start3A_108 = arith.constant 0 : i32
      %dma_start3A_109 = tpu.memref_slice %arg6[%scan3A_79, %dma_start3A_107, %dma_start3A_108] : memref<10x8x128xi32, #tpu.memory_space<vmem>> -> memref<1x1x128xi32, #tpu.memory_space<vmem>>
      %dma_start3A_110 = tpu.memref_squeeze %dma_start3A_109 : memref<1x1x128xi32, #tpu.memory_space<vmem>> -> memref<128xi32, #tpu.memory_space<vmem>>
      %dma_start3A_111 = arith.constant 0 : i32
      %dma_start3A_112 = arith.constant 0 : i32
      %dma_start3A_113 = tpu.memref_slice %arg8[%dma_start3A_111, %dma_start3A_112] : memref<10016x128xf32, #tpu.memory_space<vmem_shared>> -> memref<10016x128xf32, #tpu.memory_space<vmem_shared>>
      tpu.enqueue_indirect_dma source(%arg7 : memref<128x128xf32, #tpu.memory_space<vmem>>) target(%dma_start3A_113 : memref<10016x128xf32, #tpu.memory_space<vmem_shared>>) offsets(%dma_start3A_110 : memref<128xi32, #tpu.memory_space<vmem>>) semaphore(%arg9 : memref<!tpu.dma_semaphore, #tpu.memory_space<semaphore_mem>>) {add = true}
      %dma_start3A_114 = arith.constant 5 : i32
      %dma_start3A_115 = arith.constant 0 : i32
      %dma_start3A_116 = tpu.memref_slice %arg6[%scan3A_79, %dma_start3A_114, %dma_start3A_115] : memref<10x8x128xi32, #tpu.memory_space<vmem>> -> memref<1x1x128xi32, #tpu.memory_space<vmem>>
      %dma_start3A_117 = tpu.memref_squeeze %dma_start3A_116 : memref<1x1x128xi32, #tpu.memory_space<vmem>> -> memref<128xi32, #tpu.memory_space<vmem>>
      %dma_start3A_118 = arith.constant 0 : i32
      %dma_start3A_119 = arith.constant 0 : i32
      %dma_start3A_120 = tpu.memref_slice %arg8[%dma_start3A_118, %dma_start3A_119] : memref<10016x128xf32, #tpu.memory_space<vmem_shared>> -> memref<10016x128xf32, #tpu.memory_space<vmem_shared>>
      tpu.enqueue_indirect_dma source(%arg7 : memref<128x128xf32, #tpu.memory_space<vmem>>) target(%dma_start3A_120 : memref<10016x128xf32, #tpu.memory_space<vmem_shared>>) offsets(%dma_start3A_117 : memref<128xi32, #tpu.memory_space<vmem>>) semaphore(%arg9 : memref<!tpu.dma_semaphore, #tpu.memory_space<semaphore_mem>>) {add = true}
      %dma_start3A_121 = arith.constant 6 : i32
      %dma_start3A_122 = arith.constant 0 : i32
      %dma_start3A_123 = tpu.memref_slice %arg6[%scan3A_79, %dma_start3A_121, %dma_start3A_122] : memref<10x8x128xi32, #tpu.memory_space<vmem>> -> memref<1x1x128xi32, #tpu.memory_space<vmem>>
      %dma_start3A_124 = tpu.memref_squeeze %dma_start3A_123 : memref<1x1x128xi32, #tpu.memory_space<vmem>> -> memref<128xi32, #tpu.memory_space<vmem>>
      %dma_start3A_125 = arith.constant 0 : i32
      %dma_start3A_126 = arith.constant 0 : i32
      %dma_start3A_127 = tpu.memref_slice %arg8[%dma_start3A_125, %dma_start3A_126] : memref<10016x128xf32, #tpu.memory_space<vmem_shared>> -> memref<10016x128xf32, #tpu.memory_space<vmem_shared>>
      tpu.enqueue_indirect_dma source(%arg7 : memref<128x128xf32, #tpu.memory_space<vmem>>) target(%dma_start3A_127 : memref<10016x128xf32, #tpu.memory_space<vmem_shared>>) offsets(%dma_start3A_124 : memref<128xi32, #tpu.memory_space<vmem>>) semaphore(%arg9 : memref<!tpu.dma_semaphore, #tpu.memory_space<semaphore_mem>>) {add = true}
      %dma_start3A_128 = arith.constant 7 : i32
      %dma_start3A_129 = arith.constant 0 : i32
      %dma_start3A_130 = tpu.memref_slice %arg6[%scan3A_79, %dma_start3A_128, %dma_start3A_129] : memref<10x8x128xi32, #tpu.memory_space<vmem>> -> memref<1x1x128xi32, #tpu.memory_space<vmem>>
      %dma_start3A_131 = tpu.memref_squeeze %dma_start3A_130 : memref<1x1x128xi32, #tpu.memory_space<vmem>> -> memref<128xi32, #tpu.memory_space<vmem>>
      %dma_start3A_132 = arith.constant 0 : i32
      %dma_start3A_133 = arith.constant 0 : i32
      %dma_start3A_134 = tpu.memref_slice %arg8[%dma_start3A_132, %dma_start3A_133] : memref<10016x128xf32, #tpu.memory_space<vmem_shared>> -> memref<10016x128xf32, #tpu.memory_space<vmem_shared>>
      tpu.enqueue_indirect_dma source(%arg7 : memref<128x128xf32, #tpu.memory_space<vmem>>) target(%dma_start3A_134 : memref<10016x128xf32, #tpu.memory_space<vmem_shared>>) offsets(%dma_start3A_131 : memref<128xi32, #tpu.memory_space<vmem>>) semaphore(%arg9 : memref<!tpu.dma_semaphore, #tpu.memory_space<semaphore_mem>>) {add = true}
      %ge3A = arith.constant 1 : i32
      %ge3A_135 = arith.cmpi sge, %scan3A_79, %ge3A : i32
      %convert_element_type3A_136 = arith.extui %ge3A_135 : i1 to i32
      %cond3A_137 = arith.constant 0 : i32
      %cond3A_138 = arith.cmpi ne, %convert_element_type3A_136, %cond3A_137 : i32
      scf.if %cond3A_138 {
        %dma_wait3A_139 = arith.constant 0 : i32
        %dma_wait3A_140 = arith.constant 0 : i32
        %dma_wait3A_141 = arith.constant 0 : i32
        %dma_wait3A_142 = tpu.memref_slice %arg6[%dma_wait3A_139, %dma_wait3A_140, %dma_wait3A_141] : memref<10x8x128xi32, #tpu.memory_space<vmem>> -> memref<1x1x128xi32, #tpu.memory_space<vmem>>
        %dma_wait3A_143 = tpu.memref_squeeze %dma_wait3A_142 : memref<1x1x128xi32, #tpu.memory_space<vmem>> -> memref<128xi32, #tpu.memory_space<vmem>>
        %dma_wait3A_144 = arith.constant 0 : i32
        %dma_wait3A_145 = arith.constant 0 : i32
        %dma_wait3A_146 = tpu.memref_slice %arg8[%dma_wait3A_144, %dma_wait3A_145] : memref<10016x128xf32, #tpu.memory_space<vmem_shared>> -> memref<10016x128xf32, #tpu.memory_space<vmem_shared>>
        tpu.wait_indirect_dma semaphore(%arg9 : memref<!tpu.dma_semaphore, #tpu.memory_space<semaphore_mem>>) src(%arg7 : memref<128x128xf32, #tpu.memory_space<vmem>>) dst(%dma_wait3A_146 : memref<10016x128xf32, #tpu.memory_space<vmem_shared>>)
        %dma_wait3A_147 = arith.constant 0 : i32
        %dma_wait3A_148 = arith.constant 0 : i32
        %dma_wait3A_149 = arith.constant 0 : i32
        %dma_wait3A_150 = tpu.memref_slice %arg6[%dma_wait3A_147, %dma_wait3A_148, %dma_wait3A_149] : memref<10x8x128xi32, #tpu.memory_space<vmem>> -> memref<1x1x128xi32, #tpu.memory_space<vmem>>
        %dma_wait3A_151 = tpu.memref_squeeze %dma_wait3A_150 : memref<1x1x128xi32, #tpu.memory_space<vmem>> -> memref<128xi32, #tpu.memory_space<vmem>>
        %dma_wait3A_152 = arith.constant 0 : i32
        %dma_wait3A_153 = arith.constant 0 : i32
        %dma_wait3A_154 = tpu.memref_slice %arg8[%dma_wait3A_152, %dma_wait3A_153] : memref<10016x128xf32, #tpu.memory_space<vmem_shared>> -> memref<10016x128xf32, #tpu.memory_space<vmem_shared>>
        tpu.wait_indirect_dma semaphore(%arg9 : memref<!tpu.dma_semaphore, #tpu.memory_space<semaphore_mem>>) src(%arg7 : memref<128x128xf32, #tpu.memory_space<vmem>>) dst(%dma_wait3A_154 : memref<10016x128xf32, #tpu.memory_space<vmem_shared>>)
        %dma_wait3A_155 = arith.constant 0 : i32
        %dma_wait3A_156 = arith.constant 0 : i32
        %dma_wait3A_157 = arith.constant 0 : i32
        %dma_wait3A_158 = tpu.memref_slice %arg6[%dma_wait3A_155, %dma_wait3A_156, %dma_wait3A_157] : memref<10x8x128xi32, #tpu.memory_space<vmem>> -> memref<1x1x128xi32, #tpu.memory_space<vmem>>
        %dma_wait3A_159 = tpu.memref_squeeze %dma_wait3A_158 : memref<1x1x128xi32, #tpu.memory_space<vmem>> -> memref<128xi32, #tpu.memory_space<vmem>>
        %dma_wait3A_160 = arith.constant 0 : i32
        %dma_wait3A_161 = arith.constant 0 : i32
        %dma_wait3A_162 = tpu.memref_slice %arg8[%dma_wait3A_160, %dma_wait3A_161] : memref<10016x128xf32, #tpu.memory_space<vmem_shared>> -> memref<10016x128xf32, #tpu.memory_space<vmem_shared>>
        tpu.wait_indirect_dma semaphore(%arg9 : memref<!tpu.dma_semaphore, #tpu.memory_space<semaphore_mem>>) src(%arg7 : memref<128x128xf32, #tpu.memory_space<vmem>>) dst(%dma_wait3A_162 : memref<10016x128xf32, #tpu.memory_space<vmem_shared>>)
        %dma_wait3A_163 = arith.constant 0 : i32
        %dma_wait3A_164 = arith.constant 0 : i32
        %dma_wait3A_165 = arith.constant 0 : i32
        %dma_wait3A_166 = tpu.memref_slice %arg6[%dma_wait3A_163, %dma_wait3A_164, %dma_wait3A_165] : memref<10x8x128xi32, #tpu.memory_space<vmem>> -> memref<1x1x128xi32, #tpu.memory_space<vmem>>
        %dma_wait3A_167 = tpu.memref_squeeze %dma_wait3A_166 : memref<1x1x128xi32, #tpu.memory_space<vmem>> -> memref<128xi32, #tpu.memory_space<vmem>>
        %dma_wait3A_168 = arith.constant 0 : i32
        %dma_wait3A_169 = arith.constant 0 : i32
        %dma_wait3A_170 = tpu.memref_slice %arg8[%dma_wait3A_168, %dma_wait3A_169] : memref<10016x128xf32, #tpu.memory_space<vmem_shared>> -> memref<10016x128xf32, #tpu.memory_space<vmem_shared>>
        tpu.wait_indirect_dma semaphore(%arg9 : memref<!tpu.dma_semaphore, #tpu.memory_space<semaphore_mem>>) src(%arg7 : memref<128x128xf32, #tpu.memory_space<vmem>>) dst(%dma_wait3A_170 : memref<10016x128xf32, #tpu.memory_space<vmem_shared>>)
        %dma_wait3A_171 = arith.constant 0 : i32
        %dma_wait3A_172 = arith.constant 0 : i32
        %dma_wait3A_173 = arith.constant 0 : i32
        %dma_wait3A_174 = tpu.memref_slice %arg6[%dma_wait3A_171, %dma_wait3A_172, %dma_wait3A_173] : memref<10x8x128xi32, #tpu.memory_space<vmem>> -> memref<1x1x128xi32, #tpu.memory_space<vmem>>
        %dma_wait3A_175 = tpu.memref_squeeze %dma_wait3A_174 : memref<1x1x128xi32, #tpu.memory_space<vmem>> -> memref<128xi32, #tpu.memory_space<vmem>>
        %dma_wait3A_176 = arith.constant 0 : i32
        %dma_wait3A_177 = arith.constant 0 : i32
        %dma_wait3A_178 = tpu.memref_slice %arg8[%dma_wait3A_176, %dma_wait3A_177] : memref<10016x128xf32, #tpu.memory_space<vmem_shared>> -> memref<10016x128xf32, #tpu.memory_space<vmem_shared>>
        tpu.wait_indirect_dma semaphore(%arg9 : memref<!tpu.dma_semaphore, #tpu.memory_space<semaphore_mem>>) src(%arg7 : memref<128x128xf32, #tpu.memory_space<vmem>>) dst(%dma_wait3A_178 : memref<10016x128xf32, #tpu.memory_space<vmem_shared>>)
        %dma_wait3A_179 = arith.constant 0 : i32
        %dma_wait3A_180 = arith.constant 0 : i32
        %dma_wait3A_181 = arith.constant 0 : i32
        %dma_wait3A_182 = tpu.memref_slice %arg6[%dma_wait3A_179, %dma_wait3A_180, %dma_wait3A_181] : memref<10x8x128xi32, #tpu.memory_space<vmem>> -> memref<1x1x128xi32, #tpu.memory_space<vmem>>
        %dma_wait3A_183 = tpu.memref_squeeze %dma_wait3A_182 : memref<1x1x128xi32, #tpu.memory_space<vmem>> -> memref<128xi32, #tpu.memory_space<vmem>>
        %dma_wait3A_184 = arith.constant 0 : i32
        %dma_wait3A_185 = arith.constant 0 : i32
        %dma_wait3A_186 = tpu.memref_slice %arg8[%dma_wait3A_184, %dma_wait3A_185] : memref<10016x128xf32, #tpu.memory_space<vmem_shared>> -> memref<10016x128xf32, #tpu.memory_space<vmem_shared>>
        tpu.wait_indirect_dma semaphore(%arg9 : memref<!tpu.dma_semaphore, #tpu.memory_space<semaphore_mem>>) src(%arg7 : memref<128x128xf32, #tpu.memory_space<vmem>>) dst(%dma_wait3A_186 : memref<10016x128xf32, #tpu.memory_space<vmem_shared>>)
        %dma_wait3A_187 = arith.constant 0 : i32
        %dma_wait3A_188 = arith.constant 0 : i32
        %dma_wait3A_189 = arith.constant 0 : i32
        %dma_wait3A_190 = tpu.memref_slice %arg6[%dma_wait3A_187, %dma_wait3A_188, %dma_wait3A_189] : memref<10x8x128xi32, #tpu.memory_space<vmem>> -> memref<1x1x128xi32, #tpu.memory_space<vmem>>
        %dma_wait3A_191 = tpu.memref_squeeze %dma_wait3A_190 : memref<1x1x128xi32, #tpu.memory_space<vmem>> -> memref<128xi32, #tpu.memory_space<vmem>>
        %dma_wait3A_192 = arith.constant 0 : i32
        %dma_wait3A_193 = arith.constant 0 : i32
        %dma_wait3A_194 = tpu.memref_slice %arg8[%dma_wait3A_192, %dma_wait3A_193] : memref<10016x128xf32, #tpu.memory_space<vmem_shared>> -> memref<10016x128xf32, #tpu.memory_space<vmem_shared>>
        tpu.wait_indirect_dma semaphore(%arg9 : memref<!tpu.dma_semaphore, #tpu.memory_space<semaphore_mem>>) src(%arg7 : memref<128x128xf32, #tpu.memory_space<vmem>>) dst(%dma_wait3A_194 : memref<10016x128xf32, #tpu.memory_space<vmem_shared>>)
        %dma_wait3A_195 = arith.constant 0 : i32
        %dma_wait3A_196 = arith.constant 0 : i32
        %dma_wait3A_197 = arith.constant 0 : i32
        %dma_wait3A_198 = tpu.memref_slice %arg6[%dma_wait3A_195, %dma_wait3A_196, %dma_wait3A_197] : memref<10x8x128xi32, #tpu.memory_space<vmem>> -> memref<1x1x128xi32, #tpu.memory_space<vmem>>
        %dma_wait3A_199 = tpu.memref_squeeze %dma_wait3A_198 : memref<1x1x128xi32, #tpu.memory_space<vmem>> -> memref<128xi32, #tpu.memory_space<vmem>>
        %dma_wait3A_200 = arith.constant 0 : i32
        %dma_wait3A_201 = arith.constant 0 : i32
        %dma_wait3A_202 = tpu.memref_slice %arg8[%dma_wait3A_200, %dma_wait3A_201] : memref<10016x128xf32, #tpu.memory_space<vmem_shared>> -> memref<10016x128xf32, #tpu.memory_space<vmem_shared>>
        tpu.wait_indirect_dma semaphore(%arg9 : memref<!tpu.dma_semaphore, #tpu.memory_space<semaphore_mem>>) src(%arg7 : memref<128x128xf32, #tpu.memory_space<vmem>>) dst(%dma_wait3A_202 : memref<10016x128xf32, #tpu.memory_space<vmem_shared>>)
      } else {
      }
    }
    %scan3A_9 = arith.constant 10 : i32
    %dma_wait3A = arith.constant 0 : i32
    %dma_wait3A_10 = arith.constant 0 : i32
    %dma_wait3A_11 = arith.constant 0 : i32
    %dma_wait3A_12 = tpu.memref_slice %arg6[%dma_wait3A, %dma_wait3A_10, %dma_wait3A_11] : memref<10x8x128xi32, #tpu.memory_space<vmem>> -> memref<1x1x128xi32, #tpu.memory_space<vmem>>
    %dma_wait3A_13 = tpu.memref_squeeze %dma_wait3A_12 : memref<1x1x128xi32, #tpu.memory_space<vmem>> -> memref<128xi32, #tpu.memory_space<vmem>>
    %dma_wait3A_14 = arith.constant 0 : i32
    %dma_wait3A_15 = arith.constant 0 : i32
    %dma_wait3A_16 = tpu.memref_slice %arg8[%dma_wait3A_14, %dma_wait3A_15] : memref<10016x128xf32, #tpu.memory_space<vmem_shared>> -> memref<10016x128xf32, #tpu.memory_space<vmem_shared>>
    tpu.wait_indirect_dma semaphore(%arg9 : memref<!tpu.dma_semaphore, #tpu.memory_space<semaphore_mem>>) src(%arg7 : memref<128x128xf32, #tpu.memory_space<vmem>>) dst(%dma_wait3A_16 : memref<10016x128xf32, #tpu.memory_space<vmem_shared>>)
    %dma_wait3A_17 = arith.constant 0 : i32
    %dma_wait3A_18 = arith.constant 0 : i32
    %dma_wait3A_19 = arith.constant 0 : i32
    %dma_wait3A_20 = tpu.memref_slice %arg6[%dma_wait3A_17, %dma_wait3A_18, %dma_wait3A_19] : memref<10x8x128xi32, #tpu.memory_space<vmem>> -> memref<1x1x128xi32, #tpu.memory_space<vmem>>
    %dma_wait3A_21 = tpu.memref_squeeze %dma_wait3A_20 : memref<1x1x128xi32, #tpu.memory_space<vmem>> -> memref<128xi32, #tpu.memory_space<vmem>>
    %dma_wait3A_22 = arith.constant 0 : i32
    %dma_wait3A_23 = arith.constant 0 : i32
    %dma_wait3A_24 = tpu.memref_slice %arg8[%dma_wait3A_22, %dma_wait3A_23] : memref<10016x128xf32, #tpu.memory_space<vmem_shared>> -> memref<10016x128xf32, #tpu.memory_space<vmem_shared>>
    tpu.wait_indirect_dma semaphore(%arg9 : memref<!tpu.dma_semaphore, #tpu.memory_space<semaphore_mem>>) src(%arg7 : memref<128x128xf32, #tpu.memory_space<vmem>>) dst(%dma_wait3A_24 : memref<10016x128xf32, #tpu.memory_space<vmem_shared>>)
    %dma_wait3A_25 = arith.constant 0 : i32
    %dma_wait3A_26 = arith.constant 0 : i32
    %dma_wait3A_27 = arith.constant 0 : i32
    %dma_wait3A_28 = tpu.memref_slice %arg6[%dma_wait3A_25, %dma_wait3A_26, %dma_wait3A_27] : memref<10x8x128xi32, #tpu.memory_space<vmem>> -> memref<1x1x128xi32, #tpu.memory_space<vmem>>
    %dma_wait3A_29 = tpu.memref_squeeze %dma_wait3A_28 : memref<1x1x128xi32, #tpu.memory_space<vmem>> -> memref<128xi32, #tpu.memory_space<vmem>>
    %dma_wait3A_30 = arith.constant 0 : i32
    %dma_wait3A_31 = arith.constant 0 : i32
    %dma_wait3A_32 = tpu.memref_slice %arg8[%dma_wait3A_30, %dma_wait3A_31] : memref<10016x128xf32, #tpu.memory_space<vmem_shared>> -> memref<10016x128xf32, #tpu.memory_space<vmem_shared>>
    tpu.wait_indirect_dma semaphore(%arg9 : memref<!tpu.dma_semaphore, #tpu.memory_space<semaphore_mem>>) src(%arg7 : memref<128x128xf32, #tpu.memory_space<vmem>>) dst(%dma_wait3A_32 : memref<10016x128xf32, #tpu.memory_space<vmem_shared>>)
    %dma_wait3A_33 = arith.constant 0 : i32
    %dma_wait3A_34 = arith.constant 0 : i32
    %dma_wait3A_35 = arith.constant 0 : i32
    %dma_wait3A_36 = tpu.memref_slice %arg6[%dma_wait3A_33, %dma_wait3A_34, %dma_wait3A_35] : memref<10x8x128xi32, #tpu.memory_space<vmem>> -> memref<1x1x128xi32, #tpu.memory_space<vmem>>
    %dma_wait3A_37 = tpu.memref_squeeze %dma_wait3A_36 : memref<1x1x128xi32, #tpu.memory_space<vmem>> -> memref<128xi32, #tpu.memory_space<vmem>>
    %dma_wait3A_38 = arith.constant 0 : i32
    %dma_wait3A_39 = arith.constant 0 : i32
    %dma_wait3A_40 = tpu.memref_slice %arg8[%dma_wait3A_38, %dma_wait3A_39] : memref<10016x128xf32, #tpu.memory_space<vmem_shared>> -> memref<10016x128xf32, #tpu.memory_space<vmem_shared>>
    tpu.wait_indirect_dma semaphore(%arg9 : memref<!tpu.dma_semaphore, #tpu.memory_space<semaphore_mem>>) src(%arg7 : memref<128x128xf32, #tpu.memory_space<vmem>>) dst(%dma_wait3A_40 : memref<10016x128xf32, #tpu.memory_space<vmem_shared>>)
    %dma_wait3A_41 = arith.constant 0 : i32
    %dma_wait3A_42 = arith.constant 0 : i32
    %dma_wait3A_43 = arith.constant 0 : i32
    %dma_wait3A_44 = tpu.memref_slice %arg6[%dma_wait3A_41, %dma_wait3A_42, %dma_wait3A_43] : memref<10x8x128xi32, #tpu.memory_space<vmem>> -> memref<1x1x128xi32, #tpu.memory_space<vmem>>
    %dma_wait3A_45 = tpu.memref_squeeze %dma_wait3A_44 : memref<1x1x128xi32, #tpu.memory_space<vmem>> -> memref<128xi32, #tpu.memory_space<vmem>>
    %dma_wait3A_46 = arith.constant 0 : i32
    %dma_wait3A_47 = arith.constant 0 : i32
    %dma_wait3A_48 = tpu.memref_slice %arg8[%dma_wait3A_46, %dma_wait3A_47] : memref<10016x128xf32, #tpu.memory_space<vmem_shared>> -> memref<10016x128xf32, #tpu.memory_space<vmem_shared>>
    tpu.wait_indirect_dma semaphore(%arg9 : memref<!tpu.dma_semaphore, #tpu.memory_space<semaphore_mem>>) src(%arg7 : memref<128x128xf32, #tpu.memory_space<vmem>>) dst(%dma_wait3A_48 : memref<10016x128xf32, #tpu.memory_space<vmem_shared>>)
    %dma_wait3A_49 = arith.constant 0 : i32
    %dma_wait3A_50 = arith.constant 0 : i32
    %dma_wait3A_51 = arith.constant 0 : i32
    %dma_wait3A_52 = tpu.memref_slice %arg6[%dma_wait3A_49, %dma_wait3A_50, %dma_wait3A_51] : memref<10x8x128xi32, #tpu.memory_space<vmem>> -> memref<1x1x128xi32, #tpu.memory_space<vmem>>
    %dma_wait3A_53 = tpu.memref_squeeze %dma_wait3A_52 : memref<1x1x128xi32, #tpu.memory_space<vmem>> -> memref<128xi32, #tpu.memory_space<vmem>>
    %dma_wait3A_54 = arith.constant 0 : i32
    %dma_wait3A_55 = arith.constant 0 : i32
    %dma_wait3A_56 = tpu.memref_slice %arg8[%dma_wait3A_54, %dma_wait3A_55] : memref<10016x128xf32, #tpu.memory_space<vmem_shared>> -> memref<10016x128xf32, #tpu.memory_space<vmem_shared>>
    tpu.wait_indirect_dma semaphore(%arg9 : memref<!tpu.dma_semaphore, #tpu.memory_space<semaphore_mem>>) src(%arg7 : memref<128x128xf32, #tpu.memory_space<vmem>>) dst(%dma_wait3A_56 : memref<10016x128xf32, #tpu.memory_space<vmem_shared>>)
    %dma_wait3A_57 = arith.constant 0 : i32
    %dma_wait3A_58 = arith.constant 0 : i32
    %dma_wait3A_59 = arith.constant 0 : i32
    %dma_wait3A_60 = tpu.memref_slice %arg6[%dma_wait3A_57, %dma_wait3A_58, %dma_wait3A_59] : memref<10x8x128xi32, #tpu.memory_space<vmem>> -> memref<1x1x128xi32, #tpu.memory_space<vmem>>
    %dma_wait3A_61 = tpu.memref_squeeze %dma_wait3A_60 : memref<1x1x128xi32, #tpu.memory_space<vmem>> -> memref<128xi32, #tpu.memory_space<vmem>>
    %dma_wait3A_62 = arith.constant 0 : i32
    %dma_wait3A_63 = arith.constant 0 : i32
    %dma_wait3A_64 = tpu.memref_slice %arg8[%dma_wait3A_62, %dma_wait3A_63] : memref<10016x128xf32, #tpu.memory_space<vmem_shared>> -> memref<10016x128xf32, #tpu.memory_space<vmem_shared>>
    tpu.wait_indirect_dma semaphore(%arg9 : memref<!tpu.dma_semaphore, #tpu.memory_space<semaphore_mem>>) src(%arg7 : memref<128x128xf32, #tpu.memory_space<vmem>>) dst(%dma_wait3A_64 : memref<10016x128xf32, #tpu.memory_space<vmem_shared>>)
    %dma_wait3A_65 = arith.constant 0 : i32
    %dma_wait3A_66 = arith.constant 0 : i32
    %dma_wait3A_67 = arith.constant 0 : i32
    %dma_wait3A_68 = tpu.memref_slice %arg6[%dma_wait3A_65, %dma_wait3A_66, %dma_wait3A_67] : memref<10x8x128xi32, #tpu.memory_space<vmem>> -> memref<1x1x128xi32, #tpu.memory_space<vmem>>
    %dma_wait3A_69 = tpu.memref_squeeze %dma_wait3A_68 : memref<1x1x128xi32, #tpu.memory_space<vmem>> -> memref<128xi32, #tpu.memory_space<vmem>>
    %dma_wait3A_70 = arith.constant 0 : i32
    %dma_wait3A_71 = arith.constant 0 : i32
    %dma_wait3A_72 = tpu.memref_slice %arg8[%dma_wait3A_70, %dma_wait3A_71] : memref<10016x128xf32, #tpu.memory_space<vmem_shared>> -> memref<10016x128xf32, #tpu.memory_space<vmem_shared>>
    tpu.wait_indirect_dma semaphore(%arg9 : memref<!tpu.dma_semaphore, #tpu.memory_space<semaphore_mem>>) src(%arg7 : memref<128x128xf32, #tpu.memory_space<vmem>>) dst(%dma_wait3A_72 : memref<10016x128xf32, #tpu.memory_space<vmem_shared>>)
    %barrier3A_73 = arith.constant 0 : index
    tpu.barrier barrier_id(%barrier3A_73)
    %eq3A_74 = arith.constant 0 : i32
    %eq3A_75 = arith.cmpi eq, %arg1, %eq3A_74 : i32
    %convert_element_type3A_76 = arith.extui %eq3A_75 : i1 to i32
    %cond3A_77 = arith.constant 0 : i32
    %cond3A_78 = arith.cmpi ne, %convert_element_type3A_76, %cond3A_77 : i32
    scf.if %cond3A_78 {
      "tpu.region"() ({
        %run_scoped3A = tpu.sem_alloc : memref<!tpu.dma_semaphore, #tpu.memory_space<semaphore_mem>>
        %dma_start3A = arith.constant 0 : i32
        %dma_start3A_79 = arith.constant 0 : i32
        %dma_start3A_80 = tpu.memref_slice %arg5[%arg0, %dma_start3A, %dma_start3A_79] : memref<2x10000x128xf32, #tpu.memory_space<hbm>> -> memref<1x10000x128xf32, #tpu.memory_space<hbm>>
        %dma_start3A_81 = tpu.memref_squeeze %dma_start3A_80 : memref<1x10000x128xf32, #tpu.memory_space<hbm>> -> memref<10000x128xf32, #tpu.memory_space<hbm>>
        %dma_start3A_82 = arith.constant 0 : i32
        %dma_start3A_83 = arith.constant 0 : i32
        %dma_start3A_84 = tpu.memref_slice %arg8[%dma_start3A_82, %dma_start3A_83] : memref<10016x128xf32, #tpu.memory_space<vmem_shared>> -> memref<10000x128xf32, #tpu.memory_space<vmem_shared>>
        tpu.enqueue_dma source(%dma_start3A_84 : memref<10000x128xf32, #tpu.memory_space<vmem_shared>>) target(%dma_start3A_81 : memref<10000x128xf32, #tpu.memory_space<hbm>>) target_semaphore(%run_scoped3A : memref<!tpu.dma_semaphore, #tpu.memory_space<semaphore_mem>>)
        %dma_wait3A_85 = arith.constant 0 : i32
        %dma_wait3A_86 = arith.constant 0 : i32
        %dma_wait3A_87 = tpu.memref_slice %arg5[%arg0, %dma_wait3A_85, %dma_wait3A_86] : memref<2x10000x128xf32, #tpu.memory_space<hbm>> -> memref<1x10000x128xf32, #tpu.memory_space<hbm>>
        %dma_wait3A_88 = tpu.memref_squeeze %dma_wait3A_87 : memref<1x10000x128xf32, #tpu.memory_space<hbm>> -> memref<10000x128xf32, #tpu.memory_space<hbm>>
        %dma_wait3A_89 = arith.constant 0 : i32
        %dma_wait3A_90 = arith.constant 0 : i32
        %dma_wait3A_91 = tpu.memref_slice %arg8[%dma_wait3A_89, %dma_wait3A_90] : memref<10016x128xf32, #tpu.memory_space<vmem_shared>> -> memref<10000x128xf32, #tpu.memory_space<vmem_shared>>
        tpu.wait_dma2 semaphore(%run_scoped3A : memref<!tpu.dma_semaphore, #tpu.memory_space<semaphore_mem>>) src(%dma_wait3A_91 : memref<10000x128xf32, #tpu.memory_space<vmem_shared>>) dst(%dma_wait3A_88 : memref<10000x128xf32, #tpu.memory_space<hbm>>)
        tpu.yield
      }) : () -> ()
    } else {
    }
    return
  }
}

#map = affine_map<(d0, d1) -> (0, 0)>
#map1 = affine_map<(d0, d1) -> (0, 0, 0, 0)>
#map2 = affine_map<(d0, d1) -> (0, 0, 0)>
module attributes {stable_mosaic.version = 14 : i64} {
  func.func @agg_kernel(%arg0: i32, %arg1: i32, %arg2: memref<10000x128xf32, #tpu.memory_space<hbm>>, %arg3: memref<32x10x8x128xi32, #tpu.memory_space<hbm>>, %arg4: memref<32x10x8x128xi32, #tpu.memory_space<hbm>>, %arg5: memref<10000x128xf32, #tpu.memory_space<hbm>>, %arg6: memref<2x10000x128xf32, #tpu.memory_space<hbm>>, %arg7: memref<2x8x128xi32, #tpu.memory_space<vmem>>, %arg8: memref<2x8x128xi32, #tpu.memory_space<vmem>>, %arg9: memref<128x128xf32, #tpu.memory_space<vmem>>, %arg10: memref<128x128xf32, #tpu.memory_space<vmem>>, %arg11: memref<10016x128xf32, #tpu.memory_space<vmem_shared>>, %arg12: memref<!tpu.dma_semaphore, #tpu.memory_space<semaphore_mem>>, %arg13: memref<!tpu.dma_semaphore, #tpu.memory_space<semaphore_mem>>, %arg14: memref<!tpu.dma_semaphore, #tpu.memory_space<semaphore_mem>>, %arg15: memref<!tpu.dma_semaphore, #tpu.memory_space<semaphore_mem>>, %arg16: memref<!tpu.dma_semaphore, #tpu.memory_space<semaphore_mem>>) attributes {dimension_semantics = [#tpu.dimension_semantics<core_parallel>, #tpu.dimension_semantics<subcore_parallel>], iteration_bounds = array<i64: 2, 16>, scalar_prefetch = 0 : i64, scratch_operands = 10 : i64, tpu.core_type = #tpu.core_type<sc_vector_subcore>, window_params = [{transform_indices = #map}, {transform_indices = #map1}, {transform_indices = #map1}, {transform_indices = #map}, {transform_indices = #map2}]} {
    %mul3A = arith.constant 16 : i32
    %mul3A_0 = arith.muli %arg0, %mul3A : i32
    %add3A = arith.addi %mul3A_0, %arg1 : i32
    %mul3A_1 = arith.constant 624 : i32
    %mul3A_2 = arith.muli %arg1, %mul3A_1 : i32
    %eq3A = arith.constant 0 : i32
    %eq3A_3 = arith.cmpi eq, %arg0, %eq3A : i32
    %convert_element_type3A = arith.extui %eq3A_3 : i1 to i32
    %cond3A = arith.constant 0 : i32
    %cond3A_4 = arith.cmpi ne, %convert_element_type3A, %cond3A : i32
    scf.if %cond3A_4 {
      "tpu.region"() ({
        %run_scoped3A = tpu.sem_alloc : memref<!tpu.dma_semaphore, #tpu.memory_space<semaphore_mem>>
        %dma_start3A_95 = arith.constant 0 : i32
        %dma_start3A_96 = tpu.memref_slice %arg11[%mul3A_2, %dma_start3A_95] : memref<10016x128xf32, #tpu.memory_space<vmem_shared>> -> memref<624x128xf32, #tpu.memory_space<vmem_shared>>
        %dma_start3A_97 = arith.constant 0 : i32
        %dma_start3A_98 = tpu.memref_slice %arg2[%mul3A_2, %dma_start3A_97] : memref<10000x128xf32, #tpu.memory_space<hbm>> -> memref<624x128xf32, #tpu.memory_space<hbm>>
        tpu.enqueue_dma source(%dma_start3A_98 : memref<624x128xf32, #tpu.memory_space<hbm>>) target(%dma_start3A_96 : memref<624x128xf32, #tpu.memory_space<vmem_shared>>) target_semaphore(%run_scoped3A : memref<!tpu.dma_semaphore, #tpu.memory_space<semaphore_mem>>)
        %dma_wait3A_99 = arith.constant 0 : i32
        %dma_wait3A_100 = tpu.memref_slice %arg11[%mul3A_2, %dma_wait3A_99] : memref<10016x128xf32, #tpu.memory_space<vmem_shared>> -> memref<624x128xf32, #tpu.memory_space<vmem_shared>>
        %dma_wait3A_101 = arith.constant 0 : i32
        %dma_wait3A_102 = tpu.memref_slice %arg2[%mul3A_2, %dma_wait3A_101] : memref<10000x128xf32, #tpu.memory_space<hbm>> -> memref<624x128xf32, #tpu.memory_space<hbm>>
        tpu.wait_dma2 semaphore(%run_scoped3A : memref<!tpu.dma_semaphore, #tpu.memory_space<semaphore_mem>>) src(%dma_wait3A_102 : memref<624x128xf32, #tpu.memory_space<hbm>>) dst(%dma_wait3A_100 : memref<624x128xf32, #tpu.memory_space<vmem_shared>>)
        tpu.yield
      }) : () -> ()
    } else {
    }
    %ne3A = arith.constant 0 : i32
    %ne3A_5 = arith.cmpi ne, %arg0, %ne3A : i32
    %convert_element_type3A_6 = arith.extui %ne3A_5 : i1 to i32
    %cond3A_7 = arith.constant 0 : i32
    %cond3A_8 = arith.cmpi ne, %convert_element_type3A_6, %cond3A_7 : i32
    scf.if %cond3A_8 {
      "tpu.region"() ({
        %run_scoped3A = tpu.sem_alloc : memref<!tpu.dma_semaphore, #tpu.memory_space<semaphore_mem>>
        %dma_start3A_95 = arith.constant 0 : i32
        %dma_start3A_96 = tpu.memref_slice %arg11[%mul3A_2, %dma_start3A_95] : memref<10016x128xf32, #tpu.memory_space<vmem_shared>> -> memref<624x128xf32, #tpu.memory_space<vmem_shared>>
        %dma_start3A_97 = arith.constant 0 : i32
        %dma_start3A_98 = tpu.memref_slice %arg5[%mul3A_2, %dma_start3A_97] : memref<10000x128xf32, #tpu.memory_space<hbm>> -> memref<624x128xf32, #tpu.memory_space<hbm>>
        tpu.enqueue_dma source(%dma_start3A_98 : memref<624x128xf32, #tpu.memory_space<hbm>>) target(%dma_start3A_96 : memref<624x128xf32, #tpu.memory_space<vmem_shared>>) target_semaphore(%run_scoped3A : memref<!tpu.dma_semaphore, #tpu.memory_space<semaphore_mem>>)
        %dma_wait3A_99 = arith.constant 0 : i32
        %dma_wait3A_100 = tpu.memref_slice %arg11[%mul3A_2, %dma_wait3A_99] : memref<10016x128xf32, #tpu.memory_space<vmem_shared>> -> memref<624x128xf32, #tpu.memory_space<vmem_shared>>
        %dma_wait3A_101 = arith.constant 0 : i32
        %dma_wait3A_102 = tpu.memref_slice %arg5[%mul3A_2, %dma_wait3A_101] : memref<10000x128xf32, #tpu.memory_space<hbm>> -> memref<624x128xf32, #tpu.memory_space<hbm>>
        tpu.wait_dma2 semaphore(%run_scoped3A : memref<!tpu.dma_semaphore, #tpu.memory_space<semaphore_mem>>) src(%dma_wait3A_102 : memref<624x128xf32, #tpu.memory_space<hbm>>) dst(%dma_wait3A_100 : memref<624x128xf32, #tpu.memory_space<vmem_shared>>)
        tpu.yield
      }) : () -> ()
    } else {
    }
    %eq3A_9 = arith.constant 15 : i32
    %eq3A_10 = arith.cmpi eq, %arg1, %eq3A_9 : i32
    %convert_element_type3A_11 = arith.extui %eq3A_10 : i1 to i32
    %cond3A_12 = arith.constant 0 : i32
    %cond3A_13 = arith.cmpi ne, %convert_element_type3A_11, %cond3A_12 : i32
    scf.if %cond3A_13 {
      %eq3A_95 = arith.constant 0 : i32
      %eq3A_96 = arith.cmpi eq, %arg0, %eq3A_95 : i32
      %convert_element_type3A_97 = arith.extui %eq3A_96 : i1 to i32
      %cond3A_98 = arith.constant 0 : i32
      %cond3A_99 = arith.cmpi ne, %convert_element_type3A_97, %cond3A_98 : i32
      scf.if %cond3A_99 {
        "tpu.region"() ({
          %run_scoped3A = tpu.sem_alloc : memref<!tpu.dma_semaphore, #tpu.memory_space<semaphore_mem>>
          %dma_start3A_105 = arith.constant 9984 : i32
          %dma_start3A_106 = arith.constant 0 : i32
          %dma_start3A_107 = tpu.memref_slice %arg11[%dma_start3A_105, %dma_start3A_106] : memref<10016x128xf32, #tpu.memory_space<vmem_shared>> -> memref<16x128xf32, #tpu.memory_space<vmem_shared>>
          %dma_start3A_108 = arith.constant 9984 : i32
          %dma_start3A_109 = arith.constant 0 : i32
          %dma_start3A_110 = tpu.memref_slice %arg2[%dma_start3A_108, %dma_start3A_109] : memref<10000x128xf32, #tpu.memory_space<hbm>> -> memref<16x128xf32, #tpu.memory_space<hbm>>
          tpu.enqueue_dma source(%dma_start3A_110 : memref<16x128xf32, #tpu.memory_space<hbm>>) target(%dma_start3A_107 : memref<16x128xf32, #tpu.memory_space<vmem_shared>>) target_semaphore(%run_scoped3A : memref<!tpu.dma_semaphore, #tpu.memory_space<semaphore_mem>>)
          %dma_wait3A_111 = arith.constant 9984 : i32
          %dma_wait3A_112 = arith.constant 0 : i32
          %dma_wait3A_113 = tpu.memref_slice %arg11[%dma_wait3A_111, %dma_wait3A_112] : memref<10016x128xf32, #tpu.memory_space<vmem_shared>> -> memref<16x128xf32, #tpu.memory_space<vmem_shared>>
          %dma_wait3A_114 = arith.constant 9984 : i32
          %dma_wait3A_115 = arith.constant 0 : i32
          %dma_wait3A_116 = tpu.memref_slice %arg2[%dma_wait3A_114, %dma_wait3A_115] : memref<10000x128xf32, #tpu.memory_space<hbm>> -> memref<16x128xf32, #tpu.memory_space<hbm>>
          tpu.wait_dma2 semaphore(%run_scoped3A : memref<!tpu.dma_semaphore, #tpu.memory_space<semaphore_mem>>) src(%dma_wait3A_116 : memref<16x128xf32, #tpu.memory_space<hbm>>) dst(%dma_wait3A_113 : memref<16x128xf32, #tpu.memory_space<vmem_shared>>)
          tpu.yield
        }) : () -> ()
      } else {
      }
      %ne3A_100 = arith.constant 0 : i32
      %ne3A_101 = arith.cmpi ne, %arg0, %ne3A_100 : i32
      %convert_element_type3A_102 = arith.extui %ne3A_101 : i1 to i32
      %cond3A_103 = arith.constant 0 : i32
      %cond3A_104 = arith.cmpi ne, %convert_element_type3A_102, %cond3A_103 : i32
      scf.if %cond3A_104 {
        "tpu.region"() ({
          %run_scoped3A = tpu.sem_alloc : memref<!tpu.dma_semaphore, #tpu.memory_space<semaphore_mem>>
          %dma_start3A_105 = arith.constant 9984 : i32
          %dma_start3A_106 = arith.constant 0 : i32
          %dma_start3A_107 = tpu.memref_slice %arg11[%dma_start3A_105, %dma_start3A_106] : memref<10016x128xf32, #tpu.memory_space<vmem_shared>> -> memref<16x128xf32, #tpu.memory_space<vmem_shared>>
          %dma_start3A_108 = arith.constant 9984 : i32
          %dma_start3A_109 = arith.constant 0 : i32
          %dma_start3A_110 = tpu.memref_slice %arg5[%dma_start3A_108, %dma_start3A_109] : memref<10000x128xf32, #tpu.memory_space<hbm>> -> memref<16x128xf32, #tpu.memory_space<hbm>>
          tpu.enqueue_dma source(%dma_start3A_110 : memref<16x128xf32, #tpu.memory_space<hbm>>) target(%dma_start3A_107 : memref<16x128xf32, #tpu.memory_space<vmem_shared>>) target_semaphore(%run_scoped3A : memref<!tpu.dma_semaphore, #tpu.memory_space<semaphore_mem>>)
          %dma_wait3A_111 = arith.constant 9984 : i32
          %dma_wait3A_112 = arith.constant 0 : i32
          %dma_wait3A_113 = tpu.memref_slice %arg11[%dma_wait3A_111, %dma_wait3A_112] : memref<10016x128xf32, #tpu.memory_space<vmem_shared>> -> memref<16x128xf32, #tpu.memory_space<vmem_shared>>
          %dma_wait3A_114 = arith.constant 9984 : i32
          %dma_wait3A_115 = arith.constant 0 : i32
          %dma_wait3A_116 = tpu.memref_slice %arg5[%dma_wait3A_114, %dma_wait3A_115] : memref<10000x128xf32, #tpu.memory_space<hbm>> -> memref<16x128xf32, #tpu.memory_space<hbm>>
          tpu.wait_dma2 semaphore(%run_scoped3A : memref<!tpu.dma_semaphore, #tpu.memory_space<semaphore_mem>>) src(%dma_wait3A_116 : memref<16x128xf32, #tpu.memory_space<hbm>>) dst(%dma_wait3A_113 : memref<16x128xf32, #tpu.memory_space<vmem_shared>>)
          tpu.yield
        }) : () -> ()
      } else {
      }
    } else {
    }
    %dma_start3A = arith.constant 0 : i32
    %dma_start3A_14 = arith.constant 0 : i32
    %dma_start3A_15 = arith.constant 0 : i32
    %dma_start3A_16 = arith.constant 0 : i32
    %dma_start3A_17 = tpu.memref_slice %arg7[%dma_start3A_14, %dma_start3A_15, %dma_start3A_16] : memref<2x8x128xi32, #tpu.memory_space<vmem>> -> memref<1x8x128xi32, #tpu.memory_space<vmem>>
    %dma_start3A_18 = tpu.memref_squeeze %dma_start3A_17 : memref<1x8x128xi32, #tpu.memory_space<vmem>> -> memref<8x128xi32, #tpu.memory_space<vmem>>
    %dma_start3A_19 = arith.constant 0 : i32
    %dma_start3A_20 = arith.constant 0 : i32
    %dma_start3A_21 = tpu.memref_slice %arg3[%add3A, %dma_start3A, %dma_start3A_19, %dma_start3A_20] : memref<32x10x8x128xi32, #tpu.memory_space<hbm>> -> memref<1x1x8x128xi32, #tpu.memory_space<hbm>>
    %dma_start3A_22 = tpu.memref_squeeze %dma_start3A_21 : memref<1x1x8x128xi32, #tpu.memory_space<hbm>> -> memref<8x128xi32, #tpu.memory_space<hbm>>
    %dma_start3A_23 = arith.constant 0 : i32
    %dma_start3A_24 = arith.constant 0 : i32
    %dma_start3A_25 = tpu.memref_slice %arg7[%dma_start3A_14, %dma_start3A_23, %dma_start3A_24] : memref<2x8x128xi32, #tpu.memory_space<vmem>> -> memref<1x8x128xi32, #tpu.memory_space<vmem>>
    %dma_start3A_26 = tpu.memref_squeeze %dma_start3A_25 : memref<1x8x128xi32, #tpu.memory_space<vmem>> -> memref<8x128xi32, #tpu.memory_space<vmem>>
    %dma_start3A_27 = arith.constant 0 : i32
    %dma_start3A_28 = arith.constant 0 : i32
    %dma_start3A_29 = tpu.memref_slice %arg3[%add3A, %dma_start3A, %dma_start3A_27, %dma_start3A_28] : memref<32x10x8x128xi32, #tpu.memory_space<hbm>> -> memref<1x1x8x128xi32, #tpu.memory_space<hbm>>
    %dma_start3A_30 = tpu.memref_squeeze %dma_start3A_29 : memref<1x1x8x128xi32, #tpu.memory_space<hbm>> -> memref<8x128xi32, #tpu.memory_space<hbm>>
    tpu.enqueue_dma source(%dma_start3A_30 : memref<8x128xi32, #tpu.memory_space<hbm>>) target(%dma_start3A_26 : memref<8x128xi32, #tpu.memory_space<vmem>>) target_semaphore(%arg12 : memref<!tpu.dma_semaphore, #tpu.memory_space<semaphore_mem>>)
    %dma_start3A_31 = arith.constant 0 : i32
    %dma_start3A_32 = arith.constant 0 : i32
    %dma_start3A_33 = arith.constant 0 : i32
    %dma_start3A_34 = arith.constant 0 : i32
    %dma_start3A_35 = tpu.memref_slice %arg8[%dma_start3A_32, %dma_start3A_33, %dma_start3A_34] : memref<2x8x128xi32, #tpu.memory_space<vmem>> -> memref<1x8x128xi32, #tpu.memory_space<vmem>>
    %dma_start3A_36 = tpu.memref_squeeze %dma_start3A_35 : memref<1x8x128xi32, #tpu.memory_space<vmem>> -> memref<8x128xi32, #tpu.memory_space<vmem>>
    %dma_start3A_37 = arith.constant 0 : i32
    %dma_start3A_38 = arith.constant 0 : i32
    %dma_start3A_39 = tpu.memref_slice %arg4[%add3A, %dma_start3A_31, %dma_start3A_37, %dma_start3A_38] : memref<32x10x8x128xi32, #tpu.memory_space<hbm>> -> memref<1x1x8x128xi32, #tpu.memory_space<hbm>>
    %dma_start3A_40 = tpu.memref_squeeze %dma_start3A_39 : memref<1x1x8x128xi32, #tpu.memory_space<hbm>> -> memref<8x128xi32, #tpu.memory_space<hbm>>
    %dma_start3A_41 = arith.constant 0 : i32
    %dma_start3A_42 = arith.constant 0 : i32
    %dma_start3A_43 = tpu.memref_slice %arg8[%dma_start3A_32, %dma_start3A_41, %dma_start3A_42] : memref<2x8x128xi32, #tpu.memory_space<vmem>> -> memref<1x8x128xi32, #tpu.memory_space<vmem>>
    %dma_start3A_44 = tpu.memref_squeeze %dma_start3A_43 : memref<1x8x128xi32, #tpu.memory_space<vmem>> -> memref<8x128xi32, #tpu.memory_space<vmem>>
    %dma_start3A_45 = arith.constant 0 : i32
    %dma_start3A_46 = arith.constant 0 : i32
    %dma_start3A_47 = tpu.memref_slice %arg4[%add3A, %dma_start3A_31, %dma_start3A_45, %dma_start3A_46] : memref<32x10x8x128xi32, #tpu.memory_space<hbm>> -> memref<1x1x8x128xi32, #tpu.memory_space<hbm>>
    %dma_start3A_48 = tpu.memref_squeeze %dma_start3A_47 : memref<1x1x8x128xi32, #tpu.memory_space<hbm>> -> memref<8x128xi32, #tpu.memory_space<hbm>>
    tpu.enqueue_dma source(%dma_start3A_48 : memref<8x128xi32, #tpu.memory_space<hbm>>) target(%dma_start3A_44 : memref<8x128xi32, #tpu.memory_space<vmem>>) target_semaphore(%arg12 : memref<!tpu.dma_semaphore, #tpu.memory_space<semaphore_mem>>)
    %barrier3A = arith.constant 0 : index
    tpu.barrier barrier_id(%barrier3A)
    %dma_wait3A = arith.constant 0 : i32
    %dma_wait3A_49 = arith.constant 0 : i32
    %dma_wait3A_50 = arith.constant 0 : i32
    %dma_wait3A_51 = arith.constant 0 : i32
    %dma_wait3A_52 = tpu.memref_slice %arg7[%dma_wait3A_49, %dma_wait3A_50, %dma_wait3A_51] : memref<2x8x128xi32, #tpu.memory_space<vmem>> -> memref<1x8x128xi32, #tpu.memory_space<vmem>>
    %dma_wait3A_53 = tpu.memref_squeeze %dma_wait3A_52 : memref<1x8x128xi32, #tpu.memory_space<vmem>> -> memref<8x128xi32, #tpu.memory_space<vmem>>
    %dma_wait3A_54 = arith.constant 0 : i32
    %dma_wait3A_55 = arith.constant 0 : i32
    %dma_wait3A_56 = tpu.memref_slice %arg3[%add3A, %dma_wait3A, %dma_wait3A_54, %dma_wait3A_55] : memref<32x10x8x128xi32, #tpu.memory_space<hbm>> -> memref<1x1x8x128xi32, #tpu.memory_space<hbm>>
    %dma_wait3A_57 = tpu.memref_squeeze %dma_wait3A_56 : memref<1x1x8x128xi32, #tpu.memory_space<hbm>> -> memref<8x128xi32, #tpu.memory_space<hbm>>
    %dma_wait3A_58 = arith.constant 0 : i32
    %dma_wait3A_59 = arith.constant 0 : i32
    %dma_wait3A_60 = tpu.memref_slice %arg7[%dma_wait3A_49, %dma_wait3A_58, %dma_wait3A_59] : memref<2x8x128xi32, #tpu.memory_space<vmem>> -> memref<1x8x128xi32, #tpu.memory_space<vmem>>
    %dma_wait3A_61 = tpu.memref_squeeze %dma_wait3A_60 : memref<1x8x128xi32, #tpu.memory_space<vmem>> -> memref<8x128xi32, #tpu.memory_space<vmem>>
    %dma_wait3A_62 = arith.constant 0 : i32
    %dma_wait3A_63 = arith.constant 0 : i32
    %dma_wait3A_64 = tpu.memref_slice %arg3[%add3A, %dma_wait3A, %dma_wait3A_62, %dma_wait3A_63] : memref<32x10x8x128xi32, #tpu.memory_space<hbm>> -> memref<1x1x8x128xi32, #tpu.memory_space<hbm>>
    %dma_wait3A_65 = tpu.memref_squeeze %dma_wait3A_64 : memref<1x1x8x128xi32, #tpu.memory_space<hbm>> -> memref<8x128xi32, #tpu.memory_space<hbm>>
    tpu.wait_dma2 semaphore(%arg12 : memref<!tpu.dma_semaphore, #tpu.memory_space<semaphore_mem>>) src(%dma_wait3A_65 : memref<8x128xi32, #tpu.memory_space<hbm>>) dst(%dma_wait3A_61 : memref<8x128xi32, #tpu.memory_space<vmem>>)
    %dma_wait3A_66 = arith.constant 0 : i32
    %dma_wait3A_67 = arith.constant 0 : i32
    %dma_wait3A_68 = arith.constant 0 : i32
    %dma_wait3A_69 = arith.constant 0 : i32
    %dma_wait3A_70 = tpu.memref_slice %arg8[%dma_wait3A_67, %dma_wait3A_68, %dma_wait3A_69] : memref<2x8x128xi32, #tpu.memory_space<vmem>> -> memref<1x8x128xi32, #tpu.memory_space<vmem>>
    %dma_wait3A_71 = tpu.memref_squeeze %dma_wait3A_70 : memref<1x8x128xi32, #tpu.memory_space<vmem>> -> memref<8x128xi32, #tpu.memory_space<vmem>>
    %dma_wait3A_72 = arith.constant 0 : i32
    %dma_wait3A_73 = arith.constant 0 : i32
    %dma_wait3A_74 = tpu.memref_slice %arg4[%add3A, %dma_wait3A_66, %dma_wait3A_72, %dma_wait3A_73] : memref<32x10x8x128xi32, #tpu.memory_space<hbm>> -> memref<1x1x8x128xi32, #tpu.memory_space<hbm>>
    %dma_wait3A_75 = tpu.memref_squeeze %dma_wait3A_74 : memref<1x1x8x128xi32, #tpu.memory_space<hbm>> -> memref<8x128xi32, #tpu.memory_space<hbm>>
    %dma_wait3A_76 = arith.constant 0 : i32
    %dma_wait3A_77 = arith.constant 0 : i32
    %dma_wait3A_78 = tpu.memref_slice %arg8[%dma_wait3A_67, %dma_wait3A_76, %dma_wait3A_77] : memref<2x8x128xi32, #tpu.memory_space<vmem>> -> memref<1x8x128xi32, #tpu.memory_space<vmem>>
    %dma_wait3A_79 = tpu.memref_squeeze %dma_wait3A_78 : memref<1x8x128xi32, #tpu.memory_space<vmem>> -> memref<8x128xi32, #tpu.memory_space<vmem>>
    %dma_wait3A_80 = arith.constant 0 : i32
    %dma_wait3A_81 = arith.constant 0 : i32
    %dma_wait3A_82 = tpu.memref_slice %arg4[%add3A, %dma_wait3A_66, %dma_wait3A_80, %dma_wait3A_81] : memref<32x10x8x128xi32, #tpu.memory_space<hbm>> -> memref<1x1x8x128xi32, #tpu.memory_space<hbm>>
    %dma_wait3A_83 = tpu.memref_squeeze %dma_wait3A_82 : memref<1x1x8x128xi32, #tpu.memory_space<hbm>> -> memref<8x128xi32, #tpu.memory_space<hbm>>
    tpu.wait_dma2 semaphore(%arg12 : memref<!tpu.dma_semaphore, #tpu.memory_space<semaphore_mem>>) src(%dma_wait3A_83 : memref<8x128xi32, #tpu.memory_space<hbm>>) dst(%dma_wait3A_79 : memref<8x128xi32, #tpu.memory_space<vmem>>)
    %scan3A = arith.constant 0 : i32
    %scan3A_84 = arith.constant 0 : i32
    %scan3A_85 = arith.constant 10 : i32
    %scan3A_86 = arith.addi %scan3A_84, %scan3A_85 : i32
    %scan3A_87 = arith.constant 1 : i32
    scf.for %scan3A_95 = %scan3A_84 to %scan3A_86 step %scan3A_87  : i32 {
      %rem3A = arith.constant 2 : i32
      %rem3A_96 = arith.remsi %scan3A_95, %rem3A : i32
      %add3A_97 = arith.constant 1 : i32
      %add3A_98 = arith.addi %scan3A_95, %add3A_97 : i32
      %rem3A_99 = arith.constant 2 : i32
      %rem3A_100 = arith.remsi %add3A_98, %rem3A_99 : i32
      %add3A_101 = arith.constant 1 : i32
      %add3A_102 = arith.addi %scan3A_95, %add3A_101 : i32
      %lt3A = arith.constant 10 : i32
      %lt3A_103 = arith.cmpi slt, %add3A_102, %lt3A : i32
      %convert_element_type3A_104 = arith.extui %lt3A_103 : i1 to i32
      %cond3A_105 = arith.constant 0 : i32
      %cond3A_106 = arith.cmpi ne, %convert_element_type3A_104, %cond3A_105 : i32
      scf.if %cond3A_106 {
        %add3A_129 = arith.constant 1 : i32
        %add3A_130 = arith.addi %scan3A_95, %add3A_129 : i32
        %min3A = arith.constant 9 : i32
        %min3A_131 = arith.minsi %add3A_130, %min3A : i32
        %dma_start3A_132 = arith.constant 0 : i32
        %dma_start3A_133 = arith.constant 0 : i32
        %dma_start3A_134 = tpu.memref_slice %arg7[%rem3A_100, %dma_start3A_132, %dma_start3A_133] : memref<2x8x128xi32, #tpu.memory_space<vmem>> -> memref<1x8x128xi32, #tpu.memory_space<vmem>>
        %dma_start3A_135 = tpu.memref_squeeze %dma_start3A_134 : memref<1x8x128xi32, #tpu.memory_space<vmem>> -> memref<8x128xi32, #tpu.memory_space<vmem>>
        %dma_start3A_136 = arith.constant 0 : i32
        %dma_start3A_137 = arith.constant 0 : i32
        %dma_start3A_138 = tpu.memref_slice %arg3[%add3A, %min3A_131, %dma_start3A_136, %dma_start3A_137] : memref<32x10x8x128xi32, #tpu.memory_space<hbm>> -> memref<1x1x8x128xi32, #tpu.memory_space<hbm>>
        %dma_start3A_139 = tpu.memref_squeeze %dma_start3A_138 : memref<1x1x8x128xi32, #tpu.memory_space<hbm>> -> memref<8x128xi32, #tpu.memory_space<hbm>>
        %dma_start3A_140 = arith.constant 0 : i32
        %dma_start3A_141 = arith.constant 0 : i32
        %dma_start3A_142 = tpu.memref_slice %arg7[%rem3A_100, %dma_start3A_140, %dma_start3A_141] : memref<2x8x128xi32, #tpu.memory_space<vmem>> -> memref<1x8x128xi32, #tpu.memory_space<vmem>>
        %dma_start3A_143 = tpu.memref_squeeze %dma_start3A_142 : memref<1x8x128xi32, #tpu.memory_space<vmem>> -> memref<8x128xi32, #tpu.memory_space<vmem>>
        %dma_start3A_144 = arith.constant 0 : i32
        %dma_start3A_145 = arith.constant 0 : i32
        %dma_start3A_146 = tpu.memref_slice %arg3[%add3A, %min3A_131, %dma_start3A_144, %dma_start3A_145] : memref<32x10x8x128xi32, #tpu.memory_space<hbm>> -> memref<1x1x8x128xi32, #tpu.memory_space<hbm>>
        %dma_start3A_147 = tpu.memref_squeeze %dma_start3A_146 : memref<1x1x8x128xi32, #tpu.memory_space<hbm>> -> memref<8x128xi32, #tpu.memory_space<hbm>>
        tpu.enqueue_dma source(%dma_start3A_147 : memref<8x128xi32, #tpu.memory_space<hbm>>) target(%dma_start3A_143 : memref<8x128xi32, #tpu.memory_space<vmem>>) target_semaphore(%arg12 : memref<!tpu.dma_semaphore, #tpu.memory_space<semaphore_mem>>)
        %dma_start3A_148 = arith.constant 0 : i32
        %dma_start3A_149 = arith.constant 0 : i32
        %dma_start3A_150 = tpu.memref_slice %arg8[%rem3A_100, %dma_start3A_148, %dma_start3A_149] : memref<2x8x128xi32, #tpu.memory_space<vmem>> -> memref<1x8x128xi32, #tpu.memory_space<vmem>>
        %dma_start3A_151 = tpu.memref_squeeze %dma_start3A_150 : memref<1x8x128xi32, #tpu.memory_space<vmem>> -> memref<8x128xi32, #tpu.memory_space<vmem>>
        %dma_start3A_152 = arith.constant 0 : i32
        %dma_start3A_153 = arith.constant 0 : i32
        %dma_start3A_154 = tpu.memref_slice %arg4[%add3A, %min3A_131, %dma_start3A_152, %dma_start3A_153] : memref<32x10x8x128xi32, #tpu.memory_space<hbm>> -> memref<1x1x8x128xi32, #tpu.memory_space<hbm>>
        %dma_start3A_155 = tpu.memref_squeeze %dma_start3A_154 : memref<1x1x8x128xi32, #tpu.memory_space<hbm>> -> memref<8x128xi32, #tpu.memory_space<hbm>>
        %dma_start3A_156 = arith.constant 0 : i32
        %dma_start3A_157 = arith.constant 0 : i32
        %dma_start3A_158 = tpu.memref_slice %arg8[%rem3A_100, %dma_start3A_156, %dma_start3A_157] : memref<2x8x128xi32, #tpu.memory_space<vmem>> -> memref<1x8x128xi32, #tpu.memory_space<vmem>>
        %dma_start3A_159 = tpu.memref_squeeze %dma_start3A_158 : memref<1x8x128xi32, #tpu.memory_space<vmem>> -> memref<8x128xi32, #tpu.memory_space<vmem>>
        %dma_start3A_160 = arith.constant 0 : i32
        %dma_start3A_161 = arith.constant 0 : i32
        %dma_start3A_162 = tpu.memref_slice %arg4[%add3A, %min3A_131, %dma_start3A_160, %dma_start3A_161] : memref<32x10x8x128xi32, #tpu.memory_space<hbm>> -> memref<1x1x8x128xi32, #tpu.memory_space<hbm>>
        %dma_start3A_163 = tpu.memref_squeeze %dma_start3A_162 : memref<1x1x8x128xi32, #tpu.memory_space<hbm>> -> memref<8x128xi32, #tpu.memory_space<hbm>>
        tpu.enqueue_dma source(%dma_start3A_163 : memref<8x128xi32, #tpu.memory_space<hbm>>) target(%dma_start3A_159 : memref<8x128xi32, #tpu.memory_space<vmem>>) target_semaphore(%arg12 : memref<!tpu.dma_semaphore, #tpu.memory_space<semaphore_mem>>)
      } else {
      }
      %run_scoped3A = arith.constant 0 : i32
      "tpu.region"() ({
        %run_scoped3A_129 = tpu.sem_alloc : memref<!tpu.dma_semaphore, #tpu.memory_space<semaphore_mem>>
        %dma_start3A_130 = arith.constant 0 : i32
        %dma_start3A_131 = tpu.memref_slice %arg7[%rem3A_96, %run_scoped3A, %dma_start3A_130] : memref<2x8x128xi32, #tpu.memory_space<vmem>> -> memref<1x1x128xi32, #tpu.memory_space<vmem>>
        %dma_start3A_132 = tpu.memref_squeeze %dma_start3A_131 : memref<1x1x128xi32, #tpu.memory_space<vmem>> -> memref<128xi32, #tpu.memory_space<vmem>>
        %dma_start3A_133 = arith.constant 0 : i32
        %dma_start3A_134 = arith.constant 0 : i32
        %dma_start3A_135 = tpu.memref_slice %arg2[%dma_start3A_133, %dma_start3A_134] : memref<10000x128xf32, #tpu.memory_space<hbm>> -> memref<10000x128xf32, #tpu.memory_space<hbm>>
        tpu.enqueue_indirect_dma source(%dma_start3A_135 : memref<10000x128xf32, #tpu.memory_space<hbm>>) target(%arg9 : memref<128x128xf32, #tpu.memory_space<vmem>>) offsets(%dma_start3A_132 : memref<128xi32, #tpu.memory_space<vmem>>) semaphore(%run_scoped3A_129 : memref<!tpu.dma_semaphore, #tpu.memory_space<semaphore_mem>>)
        %dma_wait3A_136 = arith.constant 0 : i32
        %dma_wait3A_137 = tpu.memref_slice %arg7[%rem3A_96, %run_scoped3A, %dma_wait3A_136] : memref<2x8x128xi32, #tpu.memory_space<vmem>> -> memref<1x1x128xi32, #tpu.memory_space<vmem>>
        %dma_wait3A_138 = tpu.memref_squeeze %dma_wait3A_137 : memref<1x1x128xi32, #tpu.memory_space<vmem>> -> memref<128xi32, #tpu.memory_space<vmem>>
        %dma_wait3A_139 = arith.constant 0 : i32
        %dma_wait3A_140 = arith.constant 0 : i32
        %dma_wait3A_141 = tpu.memref_slice %arg2[%dma_wait3A_139, %dma_wait3A_140] : memref<10000x128xf32, #tpu.memory_space<hbm>> -> memref<10000x128xf32, #tpu.memory_space<hbm>>
        tpu.wait_indirect_dma semaphore(%run_scoped3A_129 : memref<!tpu.dma_semaphore, #tpu.memory_space<semaphore_mem>>) src(%dma_wait3A_141 : memref<10000x128xf32, #tpu.memory_space<hbm>>) dst(%arg9 : memref<128x128xf32, #tpu.memory_space<vmem>>)
        tpu.yield
      }) : () -> ()
      %run_scoped3A_107 = arith.constant 0 : i32
      "tpu.region"() ({
        %run_scoped3A_129 = tpu.sem_alloc : memref<!tpu.dma_semaphore, #tpu.memory_space<semaphore_mem>>
        %dma_start3A_130 = arith.constant 0 : i32
        %dma_start3A_131 = tpu.memref_slice %arg8[%rem3A_96, %run_scoped3A_107, %dma_start3A_130] : memref<2x8x128xi32, #tpu.memory_space<vmem>> -> memref<1x1x128xi32, #tpu.memory_space<vmem>>
        %dma_start3A_132 = tpu.memref_squeeze %dma_start3A_131 : memref<1x1x128xi32, #tpu.memory_space<vmem>> -> memref<128xi32, #tpu.memory_space<vmem>>
        %dma_start3A_133 = arith.constant 0 : i32
        %dma_start3A_134 = arith.constant 0 : i32
        %dma_start3A_135 = tpu.memref_slice %arg11[%dma_start3A_133, %dma_start3A_134] : memref<10016x128xf32, #tpu.memory_space<vmem_shared>> -> memref<10016x128xf32, #tpu.memory_space<vmem_shared>>
        tpu.enqueue_indirect_dma source(%arg9 : memref<128x128xf32, #tpu.memory_space<vmem>>) target(%dma_start3A_135 : memref<10016x128xf32, #tpu.memory_space<vmem_shared>>) offsets(%dma_start3A_132 : memref<128xi32, #tpu.memory_space<vmem>>) semaphore(%run_scoped3A_129 : memref<!tpu.dma_semaphore, #tpu.memory_space<semaphore_mem>>) {add = true}
        %dma_wait3A_136 = arith.constant 0 : i32
        %dma_wait3A_137 = tpu.memref_slice %arg8[%rem3A_96, %run_scoped3A_107, %dma_wait3A_136] : memref<2x8x128xi32, #tpu.memory_space<vmem>> -> memref<1x1x128xi32, #tpu.memory_space<vmem>>
        %dma_wait3A_138 = tpu.memref_squeeze %dma_wait3A_137 : memref<1x1x128xi32, #tpu.memory_space<vmem>> -> memref<128xi32, #tpu.memory_space<vmem>>
        %dma_wait3A_139 = arith.constant 0 : i32
        %dma_wait3A_140 = arith.constant 0 : i32
        %dma_wait3A_141 = tpu.memref_slice %arg11[%dma_wait3A_139, %dma_wait3A_140] : memref<10016x128xf32, #tpu.memory_space<vmem_shared>> -> memref<10016x128xf32, #tpu.memory_space<vmem_shared>>
        tpu.wait_indirect_dma semaphore(%run_scoped3A_129 : memref<!tpu.dma_semaphore, #tpu.memory_space<semaphore_mem>>) src(%arg9 : memref<128x128xf32, #tpu.memory_space<vmem>>) dst(%dma_wait3A_141 : memref<10016x128xf32, #tpu.memory_space<vmem_shared>>)
        tpu.yield
      }) : () -> ()
      %run_scoped3A_108 = arith.constant 1 : i32
      "tpu.region"() ({
        %run_scoped3A_129 = tpu.sem_alloc : memref<!tpu.dma_semaphore, #tpu.memory_space<semaphore_mem>>
        %dma_start3A_130 = arith.constant 0 : i32
        %dma_start3A_131 = tpu.memref_slice %arg7[%rem3A_96, %run_scoped3A_108, %dma_start3A_130] : memref<2x8x128xi32, #tpu.memory_space<vmem>> -> memref<1x1x128xi32, #tpu.memory_space<vmem>>
        %dma_start3A_132 = tpu.memref_squeeze %dma_start3A_131 : memref<1x1x128xi32, #tpu.memory_space<vmem>> -> memref<128xi32, #tpu.memory_space<vmem>>
        %dma_start3A_133 = arith.constant 0 : i32
        %dma_start3A_134 = arith.constant 0 : i32
        %dma_start3A_135 = tpu.memref_slice %arg2[%dma_start3A_133, %dma_start3A_134] : memref<10000x128xf32, #tpu.memory_space<hbm>> -> memref<10000x128xf32, #tpu.memory_space<hbm>>
        tpu.enqueue_indirect_dma source(%dma_start3A_135 : memref<10000x128xf32, #tpu.memory_space<hbm>>) target(%arg9 : memref<128x128xf32, #tpu.memory_space<vmem>>) offsets(%dma_start3A_132 : memref<128xi32, #tpu.memory_space<vmem>>) semaphore(%run_scoped3A_129 : memref<!tpu.dma_semaphore, #tpu.memory_space<semaphore_mem>>)
        %dma_wait3A_136 = arith.constant 0 : i32
        %dma_wait3A_137 = tpu.memref_slice %arg7[%rem3A_96, %run_scoped3A_108, %dma_wait3A_136] : memref<2x8x128xi32, #tpu.memory_space<vmem>> -> memref<1x1x128xi32, #tpu.memory_space<vmem>>
        %dma_wait3A_138 = tpu.memref_squeeze %dma_wait3A_137 : memref<1x1x128xi32, #tpu.memory_space<vmem>> -> memref<128xi32, #tpu.memory_space<vmem>>
        %dma_wait3A_139 = arith.constant 0 : i32
        %dma_wait3A_140 = arith.constant 0 : i32
        %dma_wait3A_141 = tpu.memref_slice %arg2[%dma_wait3A_139, %dma_wait3A_140] : memref<10000x128xf32, #tpu.memory_space<hbm>> -> memref<10000x128xf32, #tpu.memory_space<hbm>>
        tpu.wait_indirect_dma semaphore(%run_scoped3A_129 : memref<!tpu.dma_semaphore, #tpu.memory_space<semaphore_mem>>) src(%dma_wait3A_141 : memref<10000x128xf32, #tpu.memory_space<hbm>>) dst(%arg9 : memref<128x128xf32, #tpu.memory_space<vmem>>)
        tpu.yield
      }) : () -> ()
      %run_scoped3A_109 = arith.constant 1 : i32
      "tpu.region"() ({
        %run_scoped3A_129 = tpu.sem_alloc : memref<!tpu.dma_semaphore, #tpu.memory_space<semaphore_mem>>
        %dma_start3A_130 = arith.constant 0 : i32
        %dma_start3A_131 = tpu.memref_slice %arg8[%rem3A_96, %run_scoped3A_109, %dma_start3A_130] : memref<2x8x128xi32, #tpu.memory_space<vmem>> -> memref<1x1x128xi32, #tpu.memory_space<vmem>>
        %dma_start3A_132 = tpu.memref_squeeze %dma_start3A_131 : memref<1x1x128xi32, #tpu.memory_space<vmem>> -> memref<128xi32, #tpu.memory_space<vmem>>
        %dma_start3A_133 = arith.constant 0 : i32
        %dma_start3A_134 = arith.constant 0 : i32
        %dma_start3A_135 = tpu.memref_slice %arg11[%dma_start3A_133, %dma_start3A_134] : memref<10016x128xf32, #tpu.memory_space<vmem_shared>> -> memref<10016x128xf32, #tpu.memory_space<vmem_shared>>
        tpu.enqueue_indirect_dma source(%arg9 : memref<128x128xf32, #tpu.memory_space<vmem>>) target(%dma_start3A_135 : memref<10016x128xf32, #tpu.memory_space<vmem_shared>>) offsets(%dma_start3A_132 : memref<128xi32, #tpu.memory_space<vmem>>) semaphore(%run_scoped3A_129 : memref<!tpu.dma_semaphore, #tpu.memory_space<semaphore_mem>>) {add = true}
        %dma_wait3A_136 = arith.constant 0 : i32
        %dma_wait3A_137 = tpu.memref_slice %arg8[%rem3A_96, %run_scoped3A_109, %dma_wait3A_136] : memref<2x8x128xi32, #tpu.memory_space<vmem>> -> memref<1x1x128xi32, #tpu.memory_space<vmem>>
        %dma_wait3A_138 = tpu.memref_squeeze %dma_wait3A_137 : memref<1x1x128xi32, #tpu.memory_space<vmem>> -> memref<128xi32, #tpu.memory_space<vmem>>
        %dma_wait3A_139 = arith.constant 0 : i32
        %dma_wait3A_140 = arith.constant 0 : i32
        %dma_wait3A_141 = tpu.memref_slice %arg11[%dma_wait3A_139, %dma_wait3A_140] : memref<10016x128xf32, #tpu.memory_space<vmem_shared>> -> memref<10016x128xf32, #tpu.memory_space<vmem_shared>>
        tpu.wait_indirect_dma semaphore(%run_scoped3A_129 : memref<!tpu.dma_semaphore, #tpu.memory_space<semaphore_mem>>) src(%arg9 : memref<128x128xf32, #tpu.memory_space<vmem>>) dst(%dma_wait3A_141 : memref<10016x128xf32, #tpu.memory_space<vmem_shared>>)
        tpu.yield
      }) : () -> ()
      %run_scoped3A_110 = arith.constant 2 : i32
      "tpu.region"() ({
        %run_scoped3A_129 = tpu.sem_alloc : memref<!tpu.dma_semaphore, #tpu.memory_space<semaphore_mem>>
        %dma_start3A_130 = arith.constant 0 : i32
        %dma_start3A_131 = tpu.memref_slice %arg7[%rem3A_96, %run_scoped3A_110, %dma_start3A_130] : memref<2x8x128xi32, #tpu.memory_space<vmem>> -> memref<1x1x128xi32, #tpu.memory_space<vmem>>
        %dma_start3A_132 = tpu.memref_squeeze %dma_start3A_131 : memref<1x1x128xi32, #tpu.memory_space<vmem>> -> memref<128xi32, #tpu.memory_space<vmem>>
        %dma_start3A_133 = arith.constant 0 : i32
        %dma_start3A_134 = arith.constant 0 : i32
        %dma_start3A_135 = tpu.memref_slice %arg2[%dma_start3A_133, %dma_start3A_134] : memref<10000x128xf32, #tpu.memory_space<hbm>> -> memref<10000x128xf32, #tpu.memory_space<hbm>>
        tpu.enqueue_indirect_dma source(%dma_start3A_135 : memref<10000x128xf32, #tpu.memory_space<hbm>>) target(%arg9 : memref<128x128xf32, #tpu.memory_space<vmem>>) offsets(%dma_start3A_132 : memref<128xi32, #tpu.memory_space<vmem>>) semaphore(%run_scoped3A_129 : memref<!tpu.dma_semaphore, #tpu.memory_space<semaphore_mem>>)
        %dma_wait3A_136 = arith.constant 0 : i32
        %dma_wait3A_137 = tpu.memref_slice %arg7[%rem3A_96, %run_scoped3A_110, %dma_wait3A_136] : memref<2x8x128xi32, #tpu.memory_space<vmem>> -> memref<1x1x128xi32, #tpu.memory_space<vmem>>
        %dma_wait3A_138 = tpu.memref_squeeze %dma_wait3A_137 : memref<1x1x128xi32, #tpu.memory_space<vmem>> -> memref<128xi32, #tpu.memory_space<vmem>>
        %dma_wait3A_139 = arith.constant 0 : i32
        %dma_wait3A_140 = arith.constant 0 : i32
        %dma_wait3A_141 = tpu.memref_slice %arg2[%dma_wait3A_139, %dma_wait3A_140] : memref<10000x128xf32, #tpu.memory_space<hbm>> -> memref<10000x128xf32, #tpu.memory_space<hbm>>
        tpu.wait_indirect_dma semaphore(%run_scoped3A_129 : memref<!tpu.dma_semaphore, #tpu.memory_space<semaphore_mem>>) src(%dma_wait3A_141 : memref<10000x128xf32, #tpu.memory_space<hbm>>) dst(%arg9 : memref<128x128xf32, #tpu.memory_space<vmem>>)
        tpu.yield
      }) : () -> ()
      %run_scoped3A_111 = arith.constant 2 : i32
      "tpu.region"() ({
        %run_scoped3A_129 = tpu.sem_alloc : memref<!tpu.dma_semaphore, #tpu.memory_space<semaphore_mem>>
        %dma_start3A_130 = arith.constant 0 : i32
        %dma_start3A_131 = tpu.memref_slice %arg8[%rem3A_96, %run_scoped3A_111, %dma_start3A_130] : memref<2x8x128xi32, #tpu.memory_space<vmem>> -> memref<1x1x128xi32, #tpu.memory_space<vmem>>
        %dma_start3A_132 = tpu.memref_squeeze %dma_start3A_131 : memref<1x1x128xi32, #tpu.memory_space<vmem>> -> memref<128xi32, #tpu.memory_space<vmem>>
        %dma_start3A_133 = arith.constant 0 : i32
        %dma_start3A_134 = arith.constant 0 : i32
        %dma_start3A_135 = tpu.memref_slice %arg11[%dma_start3A_133, %dma_start3A_134] : memref<10016x128xf32, #tpu.memory_space<vmem_shared>> -> memref<10016x128xf32, #tpu.memory_space<vmem_shared>>
        tpu.enqueue_indirect_dma source(%arg9 : memref<128x128xf32, #tpu.memory_space<vmem>>) target(%dma_start3A_135 : memref<10016x128xf32, #tpu.memory_space<vmem_shared>>) offsets(%dma_start3A_132 : memref<128xi32, #tpu.memory_space<vmem>>) semaphore(%run_scoped3A_129 : memref<!tpu.dma_semaphore, #tpu.memory_space<semaphore_mem>>) {add = true}
        %dma_wait3A_136 = arith.constant 0 : i32
        %dma_wait3A_137 = tpu.memref_slice %arg8[%rem3A_96, %run_scoped3A_111, %dma_wait3A_136] : memref<2x8x128xi32, #tpu.memory_space<vmem>> -> memref<1x1x128xi32, #tpu.memory_space<vmem>>
        %dma_wait3A_138 = tpu.memref_squeeze %dma_wait3A_137 : memref<1x1x128xi32, #tpu.memory_space<vmem>> -> memref<128xi32, #tpu.memory_space<vmem>>
        %dma_wait3A_139 = arith.constant 0 : i32
        %dma_wait3A_140 = arith.constant 0 : i32
        %dma_wait3A_141 = tpu.memref_slice %arg11[%dma_wait3A_139, %dma_wait3A_140] : memref<10016x128xf32, #tpu.memory_space<vmem_shared>> -> memref<10016x128xf32, #tpu.memory_space<vmem_shared>>
        tpu.wait_indirect_dma semaphore(%run_scoped3A_129 : memref<!tpu.dma_semaphore, #tpu.memory_space<semaphore_mem>>) src(%arg9 : memref<128x128xf32, #tpu.memory_space<vmem>>) dst(%dma_wait3A_141 : memref<10016x128xf32, #tpu.memory_space<vmem_shared>>)
        tpu.yield
      }) : () -> ()
      %run_scoped3A_112 = arith.constant 3 : i32
      "tpu.region"() ({
        %run_scoped3A_129 = tpu.sem_alloc : memref<!tpu.dma_semaphore, #tpu.memory_space<semaphore_mem>>
        %dma_start3A_130 = arith.constant 0 : i32
        %dma_start3A_131 = tpu.memref_slice %arg7[%rem3A_96, %run_scoped3A_112, %dma_start3A_130] : memref<2x8x128xi32, #tpu.memory_space<vmem>> -> memref<1x1x128xi32, #tpu.memory_space<vmem>>
        %dma_start3A_132 = tpu.memref_squeeze %dma_start3A_131 : memref<1x1x128xi32, #tpu.memory_space<vmem>> -> memref<128xi32, #tpu.memory_space<vmem>>
        %dma_start3A_133 = arith.constant 0 : i32
        %dma_start3A_134 = arith.constant 0 : i32
        %dma_start3A_135 = tpu.memref_slice %arg2[%dma_start3A_133, %dma_start3A_134] : memref<10000x128xf32, #tpu.memory_space<hbm>> -> memref<10000x128xf32, #tpu.memory_space<hbm>>
        tpu.enqueue_indirect_dma source(%dma_start3A_135 : memref<10000x128xf32, #tpu.memory_space<hbm>>) target(%arg9 : memref<128x128xf32, #tpu.memory_space<vmem>>) offsets(%dma_start3A_132 : memref<128xi32, #tpu.memory_space<vmem>>) semaphore(%run_scoped3A_129 : memref<!tpu.dma_semaphore, #tpu.memory_space<semaphore_mem>>)
        %dma_wait3A_136 = arith.constant 0 : i32
        %dma_wait3A_137 = tpu.memref_slice %arg7[%rem3A_96, %run_scoped3A_112, %dma_wait3A_136] : memref<2x8x128xi32, #tpu.memory_space<vmem>> -> memref<1x1x128xi32, #tpu.memory_space<vmem>>
        %dma_wait3A_138 = tpu.memref_squeeze %dma_wait3A_137 : memref<1x1x128xi32, #tpu.memory_space<vmem>> -> memref<128xi32, #tpu.memory_space<vmem>>
        %dma_wait3A_139 = arith.constant 0 : i32
        %dma_wait3A_140 = arith.constant 0 : i32
        %dma_wait3A_141 = tpu.memref_slice %arg2[%dma_wait3A_139, %dma_wait3A_140] : memref<10000x128xf32, #tpu.memory_space<hbm>> -> memref<10000x128xf32, #tpu.memory_space<hbm>>
        tpu.wait_indirect_dma semaphore(%run_scoped3A_129 : memref<!tpu.dma_semaphore, #tpu.memory_space<semaphore_mem>>) src(%dma_wait3A_141 : memref<10000x128xf32, #tpu.memory_space<hbm>>) dst(%arg9 : memref<128x128xf32, #tpu.memory_space<vmem>>)
        tpu.yield
      }) : () -> ()
      %run_scoped3A_113 = arith.constant 3 : i32
      "tpu.region"() ({
        %run_scoped3A_129 = tpu.sem_alloc : memref<!tpu.dma_semaphore, #tpu.memory_space<semaphore_mem>>
        %dma_start3A_130 = arith.constant 0 : i32
        %dma_start3A_131 = tpu.memref_slice %arg8[%rem3A_96, %run_scoped3A_113, %dma_start3A_130] : memref<2x8x128xi32, #tpu.memory_space<vmem>> -> memref<1x1x128xi32, #tpu.memory_space<vmem>>
        %dma_start3A_132 = tpu.memref_squeeze %dma_start3A_131 : memref<1x1x128xi32, #tpu.memory_space<vmem>> -> memref<128xi32, #tpu.memory_space<vmem>>
        %dma_start3A_133 = arith.constant 0 : i32
        %dma_start3A_134 = arith.constant 0 : i32
        %dma_start3A_135 = tpu.memref_slice %arg11[%dma_start3A_133, %dma_start3A_134] : memref<10016x128xf32, #tpu.memory_space<vmem_shared>> -> memref<10016x128xf32, #tpu.memory_space<vmem_shared>>
        tpu.enqueue_indirect_dma source(%arg9 : memref<128x128xf32, #tpu.memory_space<vmem>>) target(%dma_start3A_135 : memref<10016x128xf32, #tpu.memory_space<vmem_shared>>) offsets(%dma_start3A_132 : memref<128xi32, #tpu.memory_space<vmem>>) semaphore(%run_scoped3A_129 : memref<!tpu.dma_semaphore, #tpu.memory_space<semaphore_mem>>) {add = true}
        %dma_wait3A_136 = arith.constant 0 : i32
        %dma_wait3A_137 = tpu.memref_slice %arg8[%rem3A_96, %run_scoped3A_113, %dma_wait3A_136] : memref<2x8x128xi32, #tpu.memory_space<vmem>> -> memref<1x1x128xi32, #tpu.memory_space<vmem>>
        %dma_wait3A_138 = tpu.memref_squeeze %dma_wait3A_137 : memref<1x1x128xi32, #tpu.memory_space<vmem>> -> memref<128xi32, #tpu.memory_space<vmem>>
        %dma_wait3A_139 = arith.constant 0 : i32
        %dma_wait3A_140 = arith.constant 0 : i32
        %dma_wait3A_141 = tpu.memref_slice %arg11[%dma_wait3A_139, %dma_wait3A_140] : memref<10016x128xf32, #tpu.memory_space<vmem_shared>> -> memref<10016x128xf32, #tpu.memory_space<vmem_shared>>
        tpu.wait_indirect_dma semaphore(%run_scoped3A_129 : memref<!tpu.dma_semaphore, #tpu.memory_space<semaphore_mem>>) src(%arg9 : memref<128x128xf32, #tpu.memory_space<vmem>>) dst(%dma_wait3A_141 : memref<10016x128xf32, #tpu.memory_space<vmem_shared>>)
        tpu.yield
      }) : () -> ()
      %run_scoped3A_114 = arith.constant 4 : i32
      "tpu.region"() ({
        %run_scoped3A_129 = tpu.sem_alloc : memref<!tpu.dma_semaphore, #tpu.memory_space<semaphore_mem>>
        %dma_start3A_130 = arith.constant 0 : i32
        %dma_start3A_131 = tpu.memref_slice %arg7[%rem3A_96, %run_scoped3A_114, %dma_start3A_130] : memref<2x8x128xi32, #tpu.memory_space<vmem>> -> memref<1x1x128xi32, #tpu.memory_space<vmem>>
        %dma_start3A_132 = tpu.memref_squeeze %dma_start3A_131 : memref<1x1x128xi32, #tpu.memory_space<vmem>> -> memref<128xi32, #tpu.memory_space<vmem>>
        %dma_start3A_133 = arith.constant 0 : i32
        %dma_start3A_134 = arith.constant 0 : i32
        %dma_start3A_135 = tpu.memref_slice %arg2[%dma_start3A_133, %dma_start3A_134] : memref<10000x128xf32, #tpu.memory_space<hbm>> -> memref<10000x128xf32, #tpu.memory_space<hbm>>
        tpu.enqueue_indirect_dma source(%dma_start3A_135 : memref<10000x128xf32, #tpu.memory_space<hbm>>) target(%arg9 : memref<128x128xf32, #tpu.memory_space<vmem>>) offsets(%dma_start3A_132 : memref<128xi32, #tpu.memory_space<vmem>>) semaphore(%run_scoped3A_129 : memref<!tpu.dma_semaphore, #tpu.memory_space<semaphore_mem>>)
        %dma_wait3A_136 = arith.constant 0 : i32
        %dma_wait3A_137 = tpu.memref_slice %arg7[%rem3A_96, %run_scoped3A_114, %dma_wait3A_136] : memref<2x8x128xi32, #tpu.memory_space<vmem>> -> memref<1x1x128xi32, #tpu.memory_space<vmem>>
        %dma_wait3A_138 = tpu.memref_squeeze %dma_wait3A_137 : memref<1x1x128xi32, #tpu.memory_space<vmem>> -> memref<128xi32, #tpu.memory_space<vmem>>
        %dma_wait3A_139 = arith.constant 0 : i32
        %dma_wait3A_140 = arith.constant 0 : i32
        %dma_wait3A_141 = tpu.memref_slice %arg2[%dma_wait3A_139, %dma_wait3A_140] : memref<10000x128xf32, #tpu.memory_space<hbm>> -> memref<10000x128xf32, #tpu.memory_space<hbm>>
        tpu.wait_indirect_dma semaphore(%run_scoped3A_129 : memref<!tpu.dma_semaphore, #tpu.memory_space<semaphore_mem>>) src(%dma_wait3A_141 : memref<10000x128xf32, #tpu.memory_space<hbm>>) dst(%arg9 : memref<128x128xf32, #tpu.memory_space<vmem>>)
        tpu.yield
      }) : () -> ()
      %run_scoped3A_115 = arith.constant 4 : i32
      "tpu.region"() ({
        %run_scoped3A_129 = tpu.sem_alloc : memref<!tpu.dma_semaphore, #tpu.memory_space<semaphore_mem>>
        %dma_start3A_130 = arith.constant 0 : i32
        %dma_start3A_131 = tpu.memref_slice %arg8[%rem3A_96, %run_scoped3A_115, %dma_start3A_130] : memref<2x8x128xi32, #tpu.memory_space<vmem>> -> memref<1x1x128xi32, #tpu.memory_space<vmem>>
        %dma_start3A_132 = tpu.memref_squeeze %dma_start3A_131 : memref<1x1x128xi32, #tpu.memory_space<vmem>> -> memref<128xi32, #tpu.memory_space<vmem>>
        %dma_start3A_133 = arith.constant 0 : i32
        %dma_start3A_134 = arith.constant 0 : i32
        %dma_start3A_135 = tpu.memref_slice %arg11[%dma_start3A_133, %dma_start3A_134] : memref<10016x128xf32, #tpu.memory_space<vmem_shared>> -> memref<10016x128xf32, #tpu.memory_space<vmem_shared>>
        tpu.enqueue_indirect_dma source(%arg9 : memref<128x128xf32, #tpu.memory_space<vmem>>) target(%dma_start3A_135 : memref<10016x128xf32, #tpu.memory_space<vmem_shared>>) offsets(%dma_start3A_132 : memref<128xi32, #tpu.memory_space<vmem>>) semaphore(%run_scoped3A_129 : memref<!tpu.dma_semaphore, #tpu.memory_space<semaphore_mem>>) {add = true}
        %dma_wait3A_136 = arith.constant 0 : i32
        %dma_wait3A_137 = tpu.memref_slice %arg8[%rem3A_96, %run_scoped3A_115, %dma_wait3A_136] : memref<2x8x128xi32, #tpu.memory_space<vmem>> -> memref<1x1x128xi32, #tpu.memory_space<vmem>>
        %dma_wait3A_138 = tpu.memref_squeeze %dma_wait3A_137 : memref<1x1x128xi32, #tpu.memory_space<vmem>> -> memref<128xi32, #tpu.memory_space<vmem>>
        %dma_wait3A_139 = arith.constant 0 : i32
        %dma_wait3A_140 = arith.constant 0 : i32
        %dma_wait3A_141 = tpu.memref_slice %arg11[%dma_wait3A_139, %dma_wait3A_140] : memref<10016x128xf32, #tpu.memory_space<vmem_shared>> -> memref<10016x128xf32, #tpu.memory_space<vmem_shared>>
        tpu.wait_indirect_dma semaphore(%run_scoped3A_129 : memref<!tpu.dma_semaphore, #tpu.memory_space<semaphore_mem>>) src(%arg9 : memref<128x128xf32, #tpu.memory_space<vmem>>) dst(%dma_wait3A_141 : memref<10016x128xf32, #tpu.memory_space<vmem_shared>>)
        tpu.yield
      }) : () -> ()
      %run_scoped3A_116 = arith.constant 5 : i32
      "tpu.region"() ({
        %run_scoped3A_129 = tpu.sem_alloc : memref<!tpu.dma_semaphore, #tpu.memory_space<semaphore_mem>>
        %dma_start3A_130 = arith.constant 0 : i32
        %dma_start3A_131 = tpu.memref_slice %arg7[%rem3A_96, %run_scoped3A_116, %dma_start3A_130] : memref<2x8x128xi32, #tpu.memory_space<vmem>> -> memref<1x1x128xi32, #tpu.memory_space<vmem>>
        %dma_start3A_132 = tpu.memref_squeeze %dma_start3A_131 : memref<1x1x128xi32, #tpu.memory_space<vmem>> -> memref<128xi32, #tpu.memory_space<vmem>>
        %dma_start3A_133 = arith.constant 0 : i32
        %dma_start3A_134 = arith.constant 0 : i32
        %dma_start3A_135 = tpu.memref_slice %arg2[%dma_start3A_133, %dma_start3A_134] : memref<10000x128xf32, #tpu.memory_space<hbm>> -> memref<10000x128xf32, #tpu.memory_space<hbm>>
        tpu.enqueue_indirect_dma source(%dma_start3A_135 : memref<10000x128xf32, #tpu.memory_space<hbm>>) target(%arg9 : memref<128x128xf32, #tpu.memory_space<vmem>>) offsets(%dma_start3A_132 : memref<128xi32, #tpu.memory_space<vmem>>) semaphore(%run_scoped3A_129 : memref<!tpu.dma_semaphore, #tpu.memory_space<semaphore_mem>>)
        %dma_wait3A_136 = arith.constant 0 : i32
        %dma_wait3A_137 = tpu.memref_slice %arg7[%rem3A_96, %run_scoped3A_116, %dma_wait3A_136] : memref<2x8x128xi32, #tpu.memory_space<vmem>> -> memref<1x1x128xi32, #tpu.memory_space<vmem>>
        %dma_wait3A_138 = tpu.memref_squeeze %dma_wait3A_137 : memref<1x1x128xi32, #tpu.memory_space<vmem>> -> memref<128xi32, #tpu.memory_space<vmem>>
        %dma_wait3A_139 = arith.constant 0 : i32
        %dma_wait3A_140 = arith.constant 0 : i32
        %dma_wait3A_141 = tpu.memref_slice %arg2[%dma_wait3A_139, %dma_wait3A_140] : memref<10000x128xf32, #tpu.memory_space<hbm>> -> memref<10000x128xf32, #tpu.memory_space<hbm>>
        tpu.wait_indirect_dma semaphore(%run_scoped3A_129 : memref<!tpu.dma_semaphore, #tpu.memory_space<semaphore_mem>>) src(%dma_wait3A_141 : memref<10000x128xf32, #tpu.memory_space<hbm>>) dst(%arg9 : memref<128x128xf32, #tpu.memory_space<vmem>>)
        tpu.yield
      }) : () -> ()
      %run_scoped3A_117 = arith.constant 5 : i32
      "tpu.region"() ({
        %run_scoped3A_129 = tpu.sem_alloc : memref<!tpu.dma_semaphore, #tpu.memory_space<semaphore_mem>>
        %dma_start3A_130 = arith.constant 0 : i32
        %dma_start3A_131 = tpu.memref_slice %arg8[%rem3A_96, %run_scoped3A_117, %dma_start3A_130] : memref<2x8x128xi32, #tpu.memory_space<vmem>> -> memref<1x1x128xi32, #tpu.memory_space<vmem>>
        %dma_start3A_132 = tpu.memref_squeeze %dma_start3A_131 : memref<1x1x128xi32, #tpu.memory_space<vmem>> -> memref<128xi32, #tpu.memory_space<vmem>>
        %dma_start3A_133 = arith.constant 0 : i32
        %dma_start3A_134 = arith.constant 0 : i32
        %dma_start3A_135 = tpu.memref_slice %arg11[%dma_start3A_133, %dma_start3A_134] : memref<10016x128xf32, #tpu.memory_space<vmem_shared>> -> memref<10016x128xf32, #tpu.memory_space<vmem_shared>>
        tpu.enqueue_indirect_dma source(%arg9 : memref<128x128xf32, #tpu.memory_space<vmem>>) target(%dma_start3A_135 : memref<10016x128xf32, #tpu.memory_space<vmem_shared>>) offsets(%dma_start3A_132 : memref<128xi32, #tpu.memory_space<vmem>>) semaphore(%run_scoped3A_129 : memref<!tpu.dma_semaphore, #tpu.memory_space<semaphore_mem>>) {add = true}
        %dma_wait3A_136 = arith.constant 0 : i32
        %dma_wait3A_137 = tpu.memref_slice %arg8[%rem3A_96, %run_scoped3A_117, %dma_wait3A_136] : memref<2x8x128xi32, #tpu.memory_space<vmem>> -> memref<1x1x128xi32, #tpu.memory_space<vmem>>
        %dma_wait3A_138 = tpu.memref_squeeze %dma_wait3A_137 : memref<1x1x128xi32, #tpu.memory_space<vmem>> -> memref<128xi32, #tpu.memory_space<vmem>>
        %dma_wait3A_139 = arith.constant 0 : i32
        %dma_wait3A_140 = arith.constant 0 : i32
        %dma_wait3A_141 = tpu.memref_slice %arg11[%dma_wait3A_139, %dma_wait3A_140] : memref<10016x128xf32, #tpu.memory_space<vmem_shared>> -> memref<10016x128xf32, #tpu.memory_space<vmem_shared>>
        tpu.wait_indirect_dma semaphore(%run_scoped3A_129 : memref<!tpu.dma_semaphore, #tpu.memory_space<semaphore_mem>>) src(%arg9 : memref<128x128xf32, #tpu.memory_space<vmem>>) dst(%dma_wait3A_141 : memref<10016x128xf32, #tpu.memory_space<vmem_shared>>)
        tpu.yield
      }) : () -> ()
      %run_scoped3A_118 = arith.constant 6 : i32
      "tpu.region"() ({
        %run_scoped3A_129 = tpu.sem_alloc : memref<!tpu.dma_semaphore, #tpu.memory_space<semaphore_mem>>
        %dma_start3A_130 = arith.constant 0 : i32
        %dma_start3A_131 = tpu.memref_slice %arg7[%rem3A_96, %run_scoped3A_118, %dma_start3A_130] : memref<2x8x128xi32, #tpu.memory_space<vmem>> -> memref<1x1x128xi32, #tpu.memory_space<vmem>>
        %dma_start3A_132 = tpu.memref_squeeze %dma_start3A_131 : memref<1x1x128xi32, #tpu.memory_space<vmem>> -> memref<128xi32, #tpu.memory_space<vmem>>
        %dma_start3A_133 = arith.constant 0 : i32
        %dma_start3A_134 = arith.constant 0 : i32
        %dma_start3A_135 = tpu.memref_slice %arg2[%dma_start3A_133, %dma_start3A_134] : memref<10000x128xf32, #tpu.memory_space<hbm>> -> memref<10000x128xf32, #tpu.memory_space<hbm>>
        tpu.enqueue_indirect_dma source(%dma_start3A_135 : memref<10000x128xf32, #tpu.memory_space<hbm>>) target(%arg9 : memref<128x128xf32, #tpu.memory_space<vmem>>) offsets(%dma_start3A_132 : memref<128xi32, #tpu.memory_space<vmem>>) semaphore(%run_scoped3A_129 : memref<!tpu.dma_semaphore, #tpu.memory_space<semaphore_mem>>)
        %dma_wait3A_136 = arith.constant 0 : i32
        %dma_wait3A_137 = tpu.memref_slice %arg7[%rem3A_96, %run_scoped3A_118, %dma_wait3A_136] : memref<2x8x128xi32, #tpu.memory_space<vmem>> -> memref<1x1x128xi32, #tpu.memory_space<vmem>>
        %dma_wait3A_138 = tpu.memref_squeeze %dma_wait3A_137 : memref<1x1x128xi32, #tpu.memory_space<vmem>> -> memref<128xi32, #tpu.memory_space<vmem>>
        %dma_wait3A_139 = arith.constant 0 : i32
        %dma_wait3A_140 = arith.constant 0 : i32
        %dma_wait3A_141 = tpu.memref_slice %arg2[%dma_wait3A_139, %dma_wait3A_140] : memref<10000x128xf32, #tpu.memory_space<hbm>> -> memref<10000x128xf32, #tpu.memory_space<hbm>>
        tpu.wait_indirect_dma semaphore(%run_scoped3A_129 : memref<!tpu.dma_semaphore, #tpu.memory_space<semaphore_mem>>) src(%dma_wait3A_141 : memref<10000x128xf32, #tpu.memory_space<hbm>>) dst(%arg9 : memref<128x128xf32, #tpu.memory_space<vmem>>)
        tpu.yield
      }) : () -> ()
      %run_scoped3A_119 = arith.constant 6 : i32
      "tpu.region"() ({
        %run_scoped3A_129 = tpu.sem_alloc : memref<!tpu.dma_semaphore, #tpu.memory_space<semaphore_mem>>
        %dma_start3A_130 = arith.constant 0 : i32
        %dma_start3A_131 = tpu.memref_slice %arg8[%rem3A_96, %run_scoped3A_119, %dma_start3A_130] : memref<2x8x128xi32, #tpu.memory_space<vmem>> -> memref<1x1x128xi32, #tpu.memory_space<vmem>>
        %dma_start3A_132 = tpu.memref_squeeze %dma_start3A_131 : memref<1x1x128xi32, #tpu.memory_space<vmem>> -> memref<128xi32, #tpu.memory_space<vmem>>
        %dma_start3A_133 = arith.constant 0 : i32
        %dma_start3A_134 = arith.constant 0 : i32
        %dma_start3A_135 = tpu.memref_slice %arg11[%dma_start3A_133, %dma_start3A_134] : memref<10016x128xf32, #tpu.memory_space<vmem_shared>> -> memref<10016x128xf32, #tpu.memory_space<vmem_shared>>
        tpu.enqueue_indirect_dma source(%arg9 : memref<128x128xf32, #tpu.memory_space<vmem>>) target(%dma_start3A_135 : memref<10016x128xf32, #tpu.memory_space<vmem_shared>>) offsets(%dma_start3A_132 : memref<128xi32, #tpu.memory_space<vmem>>) semaphore(%run_scoped3A_129 : memref<!tpu.dma_semaphore, #tpu.memory_space<semaphore_mem>>) {add = true}
        %dma_wait3A_136 = arith.constant 0 : i32
        %dma_wait3A_137 = tpu.memref_slice %arg8[%rem3A_96, %run_scoped3A_119, %dma_wait3A_136] : memref<2x8x128xi32, #tpu.memory_space<vmem>> -> memref<1x1x128xi32, #tpu.memory_space<vmem>>
        %dma_wait3A_138 = tpu.memref_squeeze %dma_wait3A_137 : memref<1x1x128xi32, #tpu.memory_space<vmem>> -> memref<128xi32, #tpu.memory_space<vmem>>
        %dma_wait3A_139 = arith.constant 0 : i32
        %dma_wait3A_140 = arith.constant 0 : i32
        %dma_wait3A_141 = tpu.memref_slice %arg11[%dma_wait3A_139, %dma_wait3A_140] : memref<10016x128xf32, #tpu.memory_space<vmem_shared>> -> memref<10016x128xf32, #tpu.memory_space<vmem_shared>>
        tpu.wait_indirect_dma semaphore(%run_scoped3A_129 : memref<!tpu.dma_semaphore, #tpu.memory_space<semaphore_mem>>) src(%arg9 : memref<128x128xf32, #tpu.memory_space<vmem>>) dst(%dma_wait3A_141 : memref<10016x128xf32, #tpu.memory_space<vmem_shared>>)
        tpu.yield
      }) : () -> ()
      %add3A_120 = arith.constant 1 : i32
      %add3A_121 = arith.addi %scan3A_95, %add3A_120 : i32
      %lt3A_122 = arith.constant 10 : i32
      %lt3A_123 = arith.cmpi slt, %add3A_121, %lt3A_122 : i32
      %convert_element_type3A_124 = arith.extui %lt3A_123 : i1 to i32
      %cond3A_125 = arith.constant 0 : i32
      %cond3A_126 = arith.cmpi ne, %convert_element_type3A_124, %cond3A_125 : i32
      scf.if %cond3A_126 {
        %dma_wait3A_129 = arith.constant 0 : i32
        %dma_wait3A_130 = arith.constant 0 : i32
        %dma_wait3A_131 = arith.constant 0 : i32
        %dma_wait3A_132 = arith.constant 0 : i32
        %dma_wait3A_133 = tpu.memref_slice %arg7[%dma_wait3A_130, %dma_wait3A_131, %dma_wait3A_132] : memref<2x8x128xi32, #tpu.memory_space<vmem>> -> memref<1x8x128xi32, #tpu.memory_space<vmem>>
        %dma_wait3A_134 = tpu.memref_squeeze %dma_wait3A_133 : memref<1x8x128xi32, #tpu.memory_space<vmem>> -> memref<8x128xi32, #tpu.memory_space<vmem>>
        %dma_wait3A_135 = arith.constant 0 : i32
        %dma_wait3A_136 = arith.constant 0 : i32
        %dma_wait3A_137 = tpu.memref_slice %arg3[%add3A, %dma_wait3A_129, %dma_wait3A_135, %dma_wait3A_136] : memref<32x10x8x128xi32, #tpu.memory_space<hbm>> -> memref<1x1x8x128xi32, #tpu.memory_space<hbm>>
        %dma_wait3A_138 = tpu.memref_squeeze %dma_wait3A_137 : memref<1x1x8x128xi32, #tpu.memory_space<hbm>> -> memref<8x128xi32, #tpu.memory_space<hbm>>
        %dma_wait3A_139 = arith.constant 0 : i32
        %dma_wait3A_140 = arith.constant 0 : i32
        %dma_wait3A_141 = tpu.memref_slice %arg7[%dma_wait3A_130, %dma_wait3A_139, %dma_wait3A_140] : memref<2x8x128xi32, #tpu.memory_space<vmem>> -> memref<1x8x128xi32, #tpu.memory_space<vmem>>
        %dma_wait3A_142 = tpu.memref_squeeze %dma_wait3A_141 : memref<1x8x128xi32, #tpu.memory_space<vmem>> -> memref<8x128xi32, #tpu.memory_space<vmem>>
        %dma_wait3A_143 = arith.constant 0 : i32
        %dma_wait3A_144 = arith.constant 0 : i32
        %dma_wait3A_145 = tpu.memref_slice %arg3[%add3A, %dma_wait3A_129, %dma_wait3A_143, %dma_wait3A_144] : memref<32x10x8x128xi32, #tpu.memory_space<hbm>> -> memref<1x1x8x128xi32, #tpu.memory_space<hbm>>
        %dma_wait3A_146 = tpu.memref_squeeze %dma_wait3A_145 : memref<1x1x8x128xi32, #tpu.memory_space<hbm>> -> memref<8x128xi32, #tpu.memory_space<hbm>>
        tpu.wait_dma2 semaphore(%arg12 : memref<!tpu.dma_semaphore, #tpu.memory_space<semaphore_mem>>) src(%dma_wait3A_146 : memref<8x128xi32, #tpu.memory_space<hbm>>) dst(%dma_wait3A_142 : memref<8x128xi32, #tpu.memory_space<vmem>>)
        %dma_wait3A_147 = arith.constant 0 : i32
        %dma_wait3A_148 = arith.constant 0 : i32
        %dma_wait3A_149 = arith.constant 0 : i32
        %dma_wait3A_150 = arith.constant 0 : i32
        %dma_wait3A_151 = tpu.memref_slice %arg8[%dma_wait3A_148, %dma_wait3A_149, %dma_wait3A_150] : memref<2x8x128xi32, #tpu.memory_space<vmem>> -> memref<1x8x128xi32, #tpu.memory_space<vmem>>
        %dma_wait3A_152 = tpu.memref_squeeze %dma_wait3A_151 : memref<1x8x128xi32, #tpu.memory_space<vmem>> -> memref<8x128xi32, #tpu.memory_space<vmem>>
        %dma_wait3A_153 = arith.constant 0 : i32
        %dma_wait3A_154 = arith.constant 0 : i32
        %dma_wait3A_155 = tpu.memref_slice %arg4[%add3A, %dma_wait3A_147, %dma_wait3A_153, %dma_wait3A_154] : memref<32x10x8x128xi32, #tpu.memory_space<hbm>> -> memref<1x1x8x128xi32, #tpu.memory_space<hbm>>
        %dma_wait3A_156 = tpu.memref_squeeze %dma_wait3A_155 : memref<1x1x8x128xi32, #tpu.memory_space<hbm>> -> memref<8x128xi32, #tpu.memory_space<hbm>>
        %dma_wait3A_157 = arith.constant 0 : i32
        %dma_wait3A_158 = arith.constant 0 : i32
        %dma_wait3A_159 = tpu.memref_slice %arg8[%dma_wait3A_148, %dma_wait3A_157, %dma_wait3A_158] : memref<2x8x128xi32, #tpu.memory_space<vmem>> -> memref<1x8x128xi32, #tpu.memory_space<vmem>>
        %dma_wait3A_160 = tpu.memref_squeeze %dma_wait3A_159 : memref<1x8x128xi32, #tpu.memory_space<vmem>> -> memref<8x128xi32, #tpu.memory_space<vmem>>
        %dma_wait3A_161 = arith.constant 0 : i32
        %dma_wait3A_162 = arith.constant 0 : i32
        %dma_wait3A_163 = tpu.memref_slice %arg4[%add3A, %dma_wait3A_147, %dma_wait3A_161, %dma_wait3A_162] : memref<32x10x8x128xi32, #tpu.memory_space<hbm>> -> memref<1x1x8x128xi32, #tpu.memory_space<hbm>>
        %dma_wait3A_164 = tpu.memref_squeeze %dma_wait3A_163 : memref<1x1x8x128xi32, #tpu.memory_space<hbm>> -> memref<8x128xi32, #tpu.memory_space<hbm>>
        tpu.wait_dma2 semaphore(%arg12 : memref<!tpu.dma_semaphore, #tpu.memory_space<semaphore_mem>>) src(%dma_wait3A_164 : memref<8x128xi32, #tpu.memory_space<hbm>>) dst(%dma_wait3A_160 : memref<8x128xi32, #tpu.memory_space<vmem>>)
      } else {
      }
      %run_scoped3A_127 = arith.constant 7 : i32
      "tpu.region"() ({
        %run_scoped3A_129 = tpu.sem_alloc : memref<!tpu.dma_semaphore, #tpu.memory_space<semaphore_mem>>
        %dma_start3A_130 = arith.constant 0 : i32
        %dma_start3A_131 = tpu.memref_slice %arg7[%rem3A_96, %run_scoped3A_127, %dma_start3A_130] : memref<2x8x128xi32, #tpu.memory_space<vmem>> -> memref<1x1x128xi32, #tpu.memory_space<vmem>>
        %dma_start3A_132 = tpu.memref_squeeze %dma_start3A_131 : memref<1x1x128xi32, #tpu.memory_space<vmem>> -> memref<128xi32, #tpu.memory_space<vmem>>
        %dma_start3A_133 = arith.constant 0 : i32
        %dma_start3A_134 = arith.constant 0 : i32
        %dma_start3A_135 = tpu.memref_slice %arg2[%dma_start3A_133, %dma_start3A_134] : memref<10000x128xf32, #tpu.memory_space<hbm>> -> memref<10000x128xf32, #tpu.memory_space<hbm>>
        tpu.enqueue_indirect_dma source(%dma_start3A_135 : memref<10000x128xf32, #tpu.memory_space<hbm>>) target(%arg9 : memref<128x128xf32, #tpu.memory_space<vmem>>) offsets(%dma_start3A_132 : memref<128xi32, #tpu.memory_space<vmem>>) semaphore(%run_scoped3A_129 : memref<!tpu.dma_semaphore, #tpu.memory_space<semaphore_mem>>)
        %dma_wait3A_136 = arith.constant 0 : i32
        %dma_wait3A_137 = tpu.memref_slice %arg7[%rem3A_96, %run_scoped3A_127, %dma_wait3A_136] : memref<2x8x128xi32, #tpu.memory_space<vmem>> -> memref<1x1x128xi32, #tpu.memory_space<vmem>>
        %dma_wait3A_138 = tpu.memref_squeeze %dma_wait3A_137 : memref<1x1x128xi32, #tpu.memory_space<vmem>> -> memref<128xi32, #tpu.memory_space<vmem>>
        %dma_wait3A_139 = arith.constant 0 : i32
        %dma_wait3A_140 = arith.constant 0 : i32
        %dma_wait3A_141 = tpu.memref_slice %arg2[%dma_wait3A_139, %dma_wait3A_140] : memref<10000x128xf32, #tpu.memory_space<hbm>> -> memref<10000x128xf32, #tpu.memory_space<hbm>>
        tpu.wait_indirect_dma semaphore(%run_scoped3A_129 : memref<!tpu.dma_semaphore, #tpu.memory_space<semaphore_mem>>) src(%dma_wait3A_141 : memref<10000x128xf32, #tpu.memory_space<hbm>>) dst(%arg9 : memref<128x128xf32, #tpu.memory_space<vmem>>)
        tpu.yield
      }) : () -> ()
      %run_scoped3A_128 = arith.constant 7 : i32
      "tpu.region"() ({
        %run_scoped3A_129 = tpu.sem_alloc : memref<!tpu.dma_semaphore, #tpu.memory_space<semaphore_mem>>
        %dma_start3A_130 = arith.constant 0 : i32
        %dma_start3A_131 = tpu.memref_slice %arg8[%rem3A_96, %run_scoped3A_128, %dma_start3A_130] : memref<2x8x128xi32, #tpu.memory_space<vmem>> -> memref<1x1x128xi32, #tpu.memory_space<vmem>>
        %dma_start3A_132 = tpu.memref_squeeze %dma_start3A_131 : memref<1x1x128xi32, #tpu.memory_space<vmem>> -> memref<128xi32, #tpu.memory_space<vmem>>
        %dma_start3A_133 = arith.constant 0 : i32
        %dma_start3A_134 = arith.constant 0 : i32
        %dma_start3A_135 = tpu.memref_slice %arg11[%dma_start3A_133, %dma_start3A_134] : memref<10016x128xf32, #tpu.memory_space<vmem_shared>> -> memref<10016x128xf32, #tpu.memory_space<vmem_shared>>
        tpu.enqueue_indirect_dma source(%arg9 : memref<128x128xf32, #tpu.memory_space<vmem>>) target(%dma_start3A_135 : memref<10016x128xf32, #tpu.memory_space<vmem_shared>>) offsets(%dma_start3A_132 : memref<128xi32, #tpu.memory_space<vmem>>) semaphore(%run_scoped3A_129 : memref<!tpu.dma_semaphore, #tpu.memory_space<semaphore_mem>>) {add = true}
        %dma_wait3A_136 = arith.constant 0 : i32
        %dma_wait3A_137 = tpu.memref_slice %arg8[%rem3A_96, %run_scoped3A_128, %dma_wait3A_136] : memref<2x8x128xi32, #tpu.memory_space<vmem>> -> memref<1x1x128xi32, #tpu.memory_space<vmem>>
        %dma_wait3A_138 = tpu.memref_squeeze %dma_wait3A_137 : memref<1x1x128xi32, #tpu.memory_space<vmem>> -> memref<128xi32, #tpu.memory_space<vmem>>
        %dma_wait3A_139 = arith.constant 0 : i32
        %dma_wait3A_140 = arith.constant 0 : i32
        %dma_wait3A_141 = tpu.memref_slice %arg11[%dma_wait3A_139, %dma_wait3A_140] : memref<10016x128xf32, #tpu.memory_space<vmem_shared>> -> memref<10016x128xf32, #tpu.memory_space<vmem_shared>>
        tpu.wait_indirect_dma semaphore(%run_scoped3A_129 : memref<!tpu.dma_semaphore, #tpu.memory_space<semaphore_mem>>) src(%arg9 : memref<128x128xf32, #tpu.memory_space<vmem>>) dst(%dma_wait3A_141 : memref<10016x128xf32, #tpu.memory_space<vmem_shared>>)
        tpu.yield
      }) : () -> ()
    }
    %scan3A_88 = arith.constant 10 : i32
    %barrier3A_89 = arith.constant 0 : index
    tpu.barrier barrier_id(%barrier3A_89)
    "tpu.region"() ({
      %run_scoped3A = tpu.sem_alloc : memref<!tpu.dma_semaphore, #tpu.memory_space<semaphore_mem>>
      %dma_start3A_95 = arith.constant 0 : i32
      %dma_start3A_96 = tpu.memref_slice %arg6[%arg0, %mul3A_2, %dma_start3A_95] : memref<2x10000x128xf32, #tpu.memory_space<hbm>> -> memref<1x624x128xf32, #tpu.memory_space<hbm>>
      %dma_start3A_97 = tpu.memref_squeeze %dma_start3A_96 : memref<1x624x128xf32, #tpu.memory_space<hbm>> -> memref<624x128xf32, #tpu.memory_space<hbm>>
      %dma_start3A_98 = arith.constant 0 : i32
      %dma_start3A_99 = tpu.memref_slice %arg11[%mul3A_2, %dma_start3A_98] : memref<10016x128xf32, #tpu.memory_space<vmem_shared>> -> memref<624x128xf32, #tpu.memory_space<vmem_shared>>
      tpu.enqueue_dma source(%dma_start3A_99 : memref<624x128xf32, #tpu.memory_space<vmem_shared>>) target(%dma_start3A_97 : memref<624x128xf32, #tpu.memory_space<hbm>>) target_semaphore(%run_scoped3A : memref<!tpu.dma_semaphore, #tpu.memory_space<semaphore_mem>>)
      %dma_wait3A_100 = arith.constant 0 : i32
      %dma_wait3A_101 = tpu.memref_slice %arg6[%arg0, %mul3A_2, %dma_wait3A_100] : memref<2x10000x128xf32, #tpu.memory_space<hbm>> -> memref<1x624x128xf32, #tpu.memory_space<hbm>>
      %dma_wait3A_102 = tpu.memref_squeeze %dma_wait3A_101 : memref<1x624x128xf32, #tpu.memory_space<hbm>> -> memref<624x128xf32, #tpu.memory_space<hbm>>
      %dma_wait3A_103 = arith.constant 0 : i32
      %dma_wait3A_104 = tpu.memref_slice %arg11[%mul3A_2, %dma_wait3A_103] : memref<10016x128xf32, #tpu.memory_space<vmem_shared>> -> memref<624x128xf32, #tpu.memory_space<vmem_shared>>
      tpu.wait_dma2 semaphore(%run_scoped3A : memref<!tpu.dma_semaphore, #tpu.memory_space<semaphore_mem>>) src(%dma_wait3A_104 : memref<624x128xf32, #tpu.memory_space<vmem_shared>>) dst(%dma_wait3A_102 : memref<624x128xf32, #tpu.memory_space<hbm>>)
      tpu.yield
    }) : () -> ()
    %eq3A_90 = arith.constant 15 : i32
    %eq3A_91 = arith.cmpi eq, %arg1, %eq3A_90 : i32
    %convert_element_type3A_92 = arith.extui %eq3A_91 : i1 to i32
    %cond3A_93 = arith.constant 0 : i32
    %cond3A_94 = arith.cmpi ne, %convert_element_type3A_92, %cond3A_93 : i32
    scf.if %cond3A_94 {
      "tpu.region"() ({
        %run_scoped3A = tpu.sem_alloc : memref<!tpu.dma_semaphore, #tpu.memory_space<semaphore_mem>>
        %dma_start3A_95 = arith.constant 9984 : i32
        %dma_start3A_96 = arith.constant 0 : i32
        %dma_start3A_97 = tpu.memref_slice %arg6[%arg0, %dma_start3A_95, %dma_start3A_96] : memref<2x10000x128xf32, #tpu.memory_space<hbm>> -> memref<1x16x128xf32, #tpu.memory_space<hbm>>
        %dma_start3A_98 = tpu.memref_squeeze %dma_start3A_97 : memref<1x16x128xf32, #tpu.memory_space<hbm>> -> memref<16x128xf32, #tpu.memory_space<hbm>>
        %dma_start3A_99 = arith.constant 9984 : i32
        %dma_start3A_100 = arith.constant 0 : i32
        %dma_start3A_101 = tpu.memref_slice %arg11[%dma_start3A_99, %dma_start3A_100] : memref<10016x128xf32, #tpu.memory_space<vmem_shared>> -> memref<16x128xf32, #tpu.memory_space<vmem_shared>>
        tpu.enqueue_dma source(%dma_start3A_101 : memref<16x128xf32, #tpu.memory_space<vmem_shared>>) target(%dma_start3A_98 : memref<16x128xf32, #tpu.memory_space<hbm>>) target_semaphore(%run_scoped3A : memref<!tpu.dma_semaphore, #tpu.memory_space<semaphore_mem>>)
        %dma_wait3A_102 = arith.constant 9984 : i32
        %dma_wait3A_103 = arith.constant 0 : i32
        %dma_wait3A_104 = tpu.memref_slice %arg6[%arg0, %dma_wait3A_102, %dma_wait3A_103] : memref<2x10000x128xf32, #tpu.memory_space<hbm>> -> memref<1x16x128xf32, #tpu.memory_space<hbm>>
        %dma_wait3A_105 = tpu.memref_squeeze %dma_wait3A_104 : memref<1x16x128xf32, #tpu.memory_space<hbm>> -> memref<16x128xf32, #tpu.memory_space<hbm>>
        %dma_wait3A_106 = arith.constant 9984 : i32
        %dma_wait3A_107 = arith.constant 0 : i32
        %dma_wait3A_108 = tpu.memref_slice %arg11[%dma_wait3A_106, %dma_wait3A_107] : memref<10016x128xf32, #tpu.memory_space<vmem_shared>> -> memref<16x128xf32, #tpu.memory_space<vmem_shared>>
        tpu.wait_dma2 semaphore(%run_scoped3A : memref<!tpu.dma_semaphore, #tpu.memory_space<semaphore_mem>>) src(%dma_wait3A_108 : memref<16x128xf32, #tpu.memory_space<vmem_shared>>) dst(%dma_wait3A_105 : memref<16x128xf32, #tpu.memory_space<hbm>>)
        tpu.yield
      }) : () -> ()
    } else {
    }
    return
  }
}

module attributes {stable_mosaic.version = 14 : i64} {
  func.func @_stage_a_body(%arg0: i32, %arg1: memref<1000x8xf32, #tpu.memory_space<vmem>>, %arg2: memref<1000x8xf32, #tpu.memory_space<vmem>>, %arg3: memref<1000x128xf32, #tpu.memory_space<vmem>>, %arg4: memref<128x128xf32, #tpu.memory_space<vmem>>, %arg5: memref<1000x128xf32, #tpu.memory_space<vmem>>) attributes {dimension_semantics = [#tpu.dimension_semantics<arbitrary>], iteration_bounds = array<i64: 10>, scalar_prefetch = 0 : i64, scratch_operands = 0 : i64, tpu.core_type = #tpu.core_type<tc>, window_params = [{transform_indices = @transform_0, window_bounds = array<i64: 1000, 8>}, {transform_indices = @transform_1, window_bounds = array<i64: 1000, 8>}, {transform_indices = @transform_2, window_bounds = array<i64: 1000, 128>}, {pipeline_mode = #tpu.pipeline_mode<synchronous>, transform_indices = @transform_3, window_bounds = array<i64: 128, 128>}, {transform_indices = @transform_4, window_bounds = array<i64: 1000, 128>}]} {
    %get3A = arith.constant 0 : index
    %get3A_0 = arith.constant 0 : index
    %get3A_1 = vector.load %arg1[%get3A, %get3A_0] : memref<1000x8xf32, #tpu.memory_space<vmem>>, vector<1000x1xf32>
    %get3A_2 = arith.constant 0 : index
    %get3A_3 = arith.constant 0 : index
    %get3A_4 = vector.load %arg2[%get3A_2, %get3A_3] : memref<1000x8xf32, #tpu.memory_space<vmem>>, vector<1000x1xf32>
    %add3A = arith.addf %get3A_1, %get3A_4 : vector<1000x1xf32>
    %add3A_5 = arith.constant 1.000000e+00 : f32
    %add3A_6 = vector.broadcast %add3A_5 : f32 to vector<1000x1xf32>
    %add3A_7 = arith.addf %add3A, %add3A_6 : vector<1000x1xf32>
    %rsqrt3A = math.rsqrt %add3A_7 : vector<1000x1xf32>
    %get3A_8 = arith.constant 0 : index
    %get3A_9 = arith.constant 0 : index
    %get3A_10 = vector.load %arg3[%get3A_8, %get3A_9] : memref<1000x128xf32, #tpu.memory_space<vmem>>, vector<1000x128xf32>
    %mul3A = vector.broadcast %rsqrt3A : vector<1000x1xf32> to vector<1000x128xf32>
    %mul3A_11 = arith.mulf %get3A_10, %mul3A : vector<1000x128xf32>
    %get3A_12 = arith.constant 0 : index
    %get3A_13 = arith.constant 0 : index
    %get3A_14 = vector.load %arg4[%get3A_12, %get3A_13] : memref<128x128xf32, #tpu.memory_space<vmem>>, vector<128x128xf32>
    %dot_general3A = arith.constant dense<0.000000e+00> : vector<1000x128xf32>
    %dot_general3A_15 = tpu.matmul %mul3A_11, %get3A_14, %dot_general3A {dimension_numbers = #tpu.dot_dimension_numbers<[1], [0], [0], [1], [0, 0, 1, 1], [], []>, transpose_lhs_hint = false} : vector<1000x128xf32>, vector<128x128xf32>, vector<1000x128xf32> -> vector<1000x128xf32>
    %swap3A = arith.constant 0 : index
    %swap3A_16 = arith.constant 0 : index
    %swap3A_17 = vector.load %arg5[%swap3A, %swap3A_16] : memref<1000x128xf32, #tpu.memory_space<vmem>>, vector<1000x128xf32>
    tpu.vector_store %arg5[%swap3A, %swap3A_16], %dot_general3A_15 {strides = array<i32>} : memref<1000x128xf32, #tpu.memory_space<vmem>>, vector<1000x128xf32>,
    return
  }
  func.func @transform_0(%arg0: i32) -> (i32, i32) {
    %c0_i32 = arith.constant 0 : i32
    %c0_i32_0 = arith.constant 0 : i32
    return %arg0, %c0_i32 : i32, i32
  }
  func.func @transform_1(%arg0: i32) -> (i32, i32) {
    %c0_i32 = arith.constant 0 : i32
    %c0_i32_0 = arith.constant 0 : i32
    return %arg0, %c0_i32 : i32, i32
  }
  func.func @transform_2(%arg0: i32) -> (i32, i32) {
    %c0_i32 = arith.constant 0 : i32
    %c0_i32_0 = arith.constant 0 : i32
    return %arg0, %c0_i32 : i32, i32
  }
  func.func @transform_3(%arg0: i32) -> (i32, i32) {
    %c0_i32 = arith.constant 0 : i32
    %c0_i32_0 = arith.constant 0 : i32
    %c0_i32_1 = arith.constant 0 : i32
    return %c0_i32, %c0_i32_0 : i32, i32
  }
  func.func @transform_4(%arg0: i32) -> (i32, i32) {
    %c0_i32 = arith.constant 0 : i32
    %c0_i32_0 = arith.constant 0 : i32
    return %arg0, %c0_i32 : i32, i32
  }
}

module attributes {stable_mosaic.version = 14 : i64} {
  func.func @_stage_b_body(%arg0: i32, %arg1: memref<1000x8xf32, #tpu.memory_space<vmem>>, %arg2: memref<1000x8xf32, #tpu.memory_space<vmem>>, %arg3: memref<1000x128xf32, #tpu.memory_space<vmem>>, %arg4: memref<1000x128xf32, #tpu.memory_space<vmem>>, %arg5: memref<1x128xf32, #tpu.memory_space<vmem>>, %arg6: memref<128x128xf32, #tpu.memory_space<vmem>>, %arg7: memref<1000x128xf32, #tpu.memory_space<vmem>>) attributes {dimension_semantics = [#tpu.dimension_semantics<arbitrary>], iteration_bounds = array<i64: 10>, scalar_prefetch = 0 : i64, scratch_operands = 0 : i64, tpu.core_type = #tpu.core_type<tc>, window_params = [{transform_indices = @transform_0, window_bounds = array<i64: 1000, 8>}, {transform_indices = @transform_1, window_bounds = array<i64: 1000, 8>}, {transform_indices = @transform_2, window_bounds = array<i64: 1000, 128>}, {transform_indices = @transform_3, window_bounds = array<i64: 1000, 128>}, {pipeline_mode = #tpu.pipeline_mode<synchronous>, transform_indices = @transform_4, window_bounds = array<i64: 1, 128>}, {pipeline_mode = #tpu.pipeline_mode<synchronous>, transform_indices = @transform_5, window_bounds = array<i64: 128, 128>}, {transform_indices = @transform_6, window_bounds = array<i64: 1000, 128>}]} {
    %get3A = arith.constant 0 : index
    %get3A_0 = arith.constant 0 : index
    %get3A_1 = vector.load %arg1[%get3A, %get3A_0] : memref<1000x8xf32, #tpu.memory_space<vmem>>, vector<1000x1xf32>
    %get3A_2 = arith.constant 0 : index
    %get3A_3 = arith.constant 0 : index
    %get3A_4 = vector.load %arg2[%get3A_2, %get3A_3] : memref<1000x8xf32, #tpu.memory_space<vmem>>, vector<1000x1xf32>
    %add3A = arith.addf %get3A_1, %get3A_4 : vector<1000x1xf32>
    %add3A_5 = arith.constant 1.000000e+00 : f32
    %add3A_6 = vector.broadcast %add3A_5 : f32 to vector<1000x1xf32>
    %add3A_7 = arith.addf %add3A, %add3A_6 : vector<1000x1xf32>
    %rsqrt3A = math.rsqrt %add3A_7 : vector<1000x1xf32>
    %get3A_8 = arith.constant 0 : index
    %get3A_9 = arith.constant 0 : index
    %get3A_10 = vector.load %arg3[%get3A_8, %get3A_9] : memref<1000x128xf32, #tpu.memory_space<vmem>>, vector<1000x128xf32>
    %get3A_11 = arith.constant 0 : index
    %get3A_12 = arith.constant 0 : index
    %get3A_13 = vector.load %arg4[%get3A_11, %get3A_12] : memref<1000x128xf32, #tpu.memory_space<vmem>>, vector<1000x128xf32>
    %add3A_14 = arith.addf %get3A_10, %get3A_13 : vector<1000x128xf32>
    %mul3A = vector.broadcast %rsqrt3A : vector<1000x1xf32> to vector<1000x128xf32>
    %mul3A_15 = arith.mulf %mul3A, %add3A_14 : vector<1000x128xf32>
    %get3A_16 = arith.constant 0 : index
    %get3A_17 = arith.constant 0 : index
    %get3A_18 = vector.load %arg5[%get3A_16, %get3A_17] : memref<1x128xf32, #tpu.memory_space<vmem>>, vector<1x128xf32>
    %add3A_19 = vector.broadcast %get3A_18 : vector<1x128xf32> to vector<1000x128xf32>
    %add3A_20 = arith.addf %mul3A_15, %add3A_19 : vector<1000x128xf32>
    %max3A = arith.constant 0.000000e+00 : f32
    %max3A_21 = vector.broadcast %max3A : f32 to vector<1000x128xf32>
    %max3A_22 = arith.maximumf %add3A_20, %max3A_21 : vector<1000x128xf32>
    %mul3A_23 = vector.broadcast %rsqrt3A : vector<1000x1xf32> to vector<1000x128xf32>
    %mul3A_24 = arith.mulf %max3A_22, %mul3A_23 : vector<1000x128xf32>
    %get3A_25 = arith.constant 0 : index
    %get3A_26 = arith.constant 0 : index
    %get3A_27 = vector.load %arg6[%get3A_25, %get3A_26] : memref<128x128xf32, #tpu.memory_space<vmem>>, vector<128x128xf32>
    %dot_general3A = arith.constant dense<0.000000e+00> : vector<1000x128xf32>
    %dot_general3A_28 = tpu.matmul %mul3A_24, %get3A_27, %dot_general3A {dimension_numbers = #tpu.dot_dimension_numbers<[1], [0], [0], [1], [0, 0, 1, 1], [], []>, transpose_lhs_hint = false} : vector<1000x128xf32>, vector<128x128xf32>, vector<1000x128xf32> -> vector<1000x128xf32>
    %swap3A = arith.constant 0 : index
    %swap3A_29 = arith.constant 0 : index
    %swap3A_30 = vector.load %arg7[%swap3A, %swap3A_29] : memref<1000x128xf32, #tpu.memory_space<vmem>>, vector<1000x128xf32>
    tpu.vector_store %arg7[%swap3A, %swap3A_29], %dot_general3A_28 {strides = array<i32>} : memref<1000x128xf32, #tpu.memory_space<vmem>>, vector<1000x128xf32>,
    return
  }
  func.func @transform_0(%arg0: i32) -> (i32, i32) {
    %c0_i32 = arith.constant 0 : i32
    %c0_i32_0 = arith.constant 0 : i32
    return %arg0, %c0_i32 : i32, i32
  }
  func.func @transform_1(%arg0: i32) -> (i32, i32) {
    %c0_i32 = arith.constant 0 : i32
    %c0_i32_0 = arith.constant 0 : i32
    return %arg0, %c0_i32 : i32, i32
  }
  func.func @transform_2(%arg0: i32) -> (i32, i32) {
    %c0_i32 = arith.constant 0 : i32
    %c0_i32_0 = arith.constant 0 : i32
    return %arg0, %c0_i32 : i32, i32
  }
  func.func @transform_3(%arg0: i32) -> (i32, i32) {
    %c0_i32 = arith.constant 0 : i32
    %c0_i32_0 = arith.constant 0 : i32
    return %arg0, %c0_i32 : i32, i32
  }
  func.func @transform_4(%arg0: i32) -> (i32, i32) {
    %c0_i32 = arith.constant 0 : i32
    %c0_i32_0 = arith.constant 0 : i32
    %c0_i32_1 = arith.constant 0 : i32
    return %c0_i32, %c0_i32_0 : i32, i32
  }
  func.func @transform_5(%arg0: i32) -> (i32, i32) {
    %c0_i32 = arith.constant 0 : i32
    %c0_i32_0 = arith.constant 0 : i32
    %c0_i32_1 = arith.constant 0 : i32
    return %c0_i32, %c0_i32_0 : i32, i32
  }
  func.func @transform_6(%arg0: i32) -> (i32, i32) {
    %c0_i32 = arith.constant 0 : i32
    %c0_i32_0 = arith.constant 0 : i32
    return %arg0, %c0_i32 : i32, i32
  }
}

module attributes {stable_mosaic.version = 14 : i64} {
  func.func @_stage_c_body(%arg0: i32, %arg1: memref<1000x8xf32, #tpu.memory_space<vmem>>, %arg2: memref<1000x8xf32, #tpu.memory_space<vmem>>, %arg3: memref<1000x128xf32, #tpu.memory_space<vmem>>, %arg4: memref<1000x128xf32, #tpu.memory_space<vmem>>, %arg5: memref<1x128xf32, #tpu.memory_space<vmem>>, %arg6: memref<128x64xf32, #tpu.memory_space<vmem>>, %arg7: memref<1x64xf32, #tpu.memory_space<vmem>>, %arg8: memref<1000x64xf32, #tpu.memory_space<vmem>>) attributes {dimension_semantics = [#tpu.dimension_semantics<arbitrary>], iteration_bounds = array<i64: 10>, scalar_prefetch = 0 : i64, scratch_operands = 0 : i64, tpu.core_type = #tpu.core_type<tc>, window_params = [{transform_indices = @transform_0, window_bounds = array<i64: 1000, 8>}, {transform_indices = @transform_1, window_bounds = array<i64: 1000, 8>}, {transform_indices = @transform_2, window_bounds = array<i64: 1000, 128>}, {transform_indices = @transform_3, window_bounds = array<i64: 1000, 128>}, {pipeline_mode = #tpu.pipeline_mode<synchronous>, transform_indices = @transform_4, window_bounds = array<i64: 1, 128>}, {pipeline_mode = #tpu.pipeline_mode<synchronous>, transform_indices = @transform_5, window_bounds = array<i64: 128, 64>}, {pipeline_mode = #tpu.pipeline_mode<synchronous>, transform_indices = @transform_6, window_bounds = array<i64: 1, 64>}, {transform_indices = @transform_7, window_bounds = array<i64: 1000, 64>}]} {
    %get3A = arith.constant 0 : index
    %get3A_0 = arith.constant 0 : index
    %get3A_1 = vector.load %arg1[%get3A, %get3A_0] : memref<1000x8xf32, #tpu.memory_space<vmem>>, vector<1000x1xf32>
    %get3A_2 = arith.constant 0 : index
    %get3A_3 = arith.constant 0 : index
    %get3A_4 = vector.load %arg2[%get3A_2, %get3A_3] : memref<1000x8xf32, #tpu.memory_space<vmem>>, vector<1000x1xf32>
    %add3A = arith.addf %get3A_1, %get3A_4 : vector<1000x1xf32>
    %add3A_5 = arith.constant 1.000000e+00 : f32
    %add3A_6 = vector.broadcast %add3A_5 : f32 to vector<1000x1xf32>
    %add3A_7 = arith.addf %add3A, %add3A_6 : vector<1000x1xf32>
    %rsqrt3A = math.rsqrt %add3A_7 : vector<1000x1xf32>
    %get3A_8 = arith.constant 0 : index
    %get3A_9 = arith.constant 0 : index
    %get3A_10 = vector.load %arg3[%get3A_8, %get3A_9] : memref<1000x128xf32, #tpu.memory_space<vmem>>, vector<1000x128xf32>
    %get3A_11 = arith.constant 0 : index
    %get3A_12 = arith.constant 0 : index
    %get3A_13 = vector.load %arg4[%get3A_11, %get3A_12] : memref<1000x128xf32, #tpu.memory_space<vmem>>, vector<1000x128xf32>
    %add3A_14 = arith.addf %get3A_10, %get3A_13 : vector<1000x128xf32>
    %mul3A = vector.broadcast %rsqrt3A : vector<1000x1xf32> to vector<1000x128xf32>
    %mul3A_15 = arith.mulf %mul3A, %add3A_14 : vector<1000x128xf32>
    %get3A_16 = arith.constant 0 : index
    %get3A_17 = arith.constant 0 : index
    %get3A_18 = vector.load %arg5[%get3A_16, %get3A_17] : memref<1x128xf32, #tpu.memory_space<vmem>>, vector<1x128xf32>
    %add3A_19 = vector.broadcast %get3A_18 : vector<1x128xf32> to vector<1000x128xf32>
    %add3A_20 = arith.addf %mul3A_15, %add3A_19 : vector<1000x128xf32>
    %max3A = arith.constant 0.000000e+00 : f32
    %max3A_21 = vector.broadcast %max3A : f32 to vector<1000x128xf32>
    %max3A_22 = arith.maximumf %add3A_20, %max3A_21 : vector<1000x128xf32>
    %get3A_23 = arith.constant 0 : index
    %get3A_24 = arith.constant 0 : index
    %get3A_25 = vector.load %arg6[%get3A_23, %get3A_24] : memref<128x64xf32, #tpu.memory_space<vmem>>, vector<128x64xf32>
    %dot_general3A = arith.constant dense<0.000000e+00> : vector<1000x64xf32>
    %dot_general3A_26 = tpu.matmul %max3A_22, %get3A_25, %dot_general3A {dimension_numbers = #tpu.dot_dimension_numbers<[1], [0], [0], [1], [0, 0, 1, 1], [], []>, transpose_lhs_hint = false} : vector<1000x128xf32>, vector<128x64xf32>, vector<1000x64xf32> -> vector<1000x64xf32>
    %get3A_27 = arith.constant 0 : index
    %get3A_28 = arith.constant 0 : index
    %get3A_29 = vector.load %arg7[%get3A_27, %get3A_28] : memref<1x64xf32, #tpu.memory_space<vmem>>, vector<1x64xf32>
    %add3A_30 = vector.broadcast %get3A_29 : vector<1x64xf32> to vector<1000x64xf32>
    %add3A_31 = arith.addf %dot_general3A_26, %add3A_30 : vector<1000x64xf32>
    %swap3A = arith.constant 0 : index
    %swap3A_32 = arith.constant 0 : index
    %swap3A_33 = vector.load %arg8[%swap3A, %swap3A_32] : memref<1000x64xf32, #tpu.memory_space<vmem>>, vector<1000x64xf32>
    tpu.vector_store %arg8[%swap3A, %swap3A_32], %add3A_31 {strides = array<i32>} : memref<1000x64xf32, #tpu.memory_space<vmem>>, vector<1000x64xf32>,
    return
  }
  func.func @transform_0(%arg0: i32) -> (i32, i32) {
    %c0_i32 = arith.constant 0 : i32
    %c0_i32_0 = arith.constant 0 : i32
    return %arg0, %c0_i32 : i32, i32
  }
  func.func @transform_1(%arg0: i32) -> (i32, i32) {
    %c0_i32 = arith.constant 0 : i32
    %c0_i32_0 = arith.constant 0 : i32
    return %arg0, %c0_i32 : i32, i32
  }
  func.func @transform_2(%arg0: i32) -> (i32, i32) {
    %c0_i32 = arith.constant 0 : i32
    %c0_i32_0 = arith.constant 0 : i32
    return %arg0, %c0_i32 : i32, i32
  }
  func.func @transform_3(%arg0: i32) -> (i32, i32) {
    %c0_i32 = arith.constant 0 : i32
    %c0_i32_0 = arith.constant 0 : i32
    return %arg0, %c0_i32 : i32, i32
  }
  func.func @transform_4(%arg0: i32) -> (i32, i32) {
    %c0_i32 = arith.constant 0 : i32
    %c0_i32_0 = arith.constant 0 : i32
    %c0_i32_1 = arith.constant 0 : i32
    return %c0_i32, %c0_i32_0 : i32, i32
  }
  func.func @transform_5(%arg0: i32) -> (i32, i32) {
    %c0_i32 = arith.constant 0 : i32
    %c0_i32_0 = arith.constant 0 : i32
    %c0_i32_1 = arith.constant 0 : i32
    return %c0_i32, %c0_i32_0 : i32, i32
  }
  func.func @transform_6(%arg0: i32) -> (i32, i32) {
    %c0_i32 = arith.constant 0 : i32
    %c0_i32_0 = arith.constant 0 : i32
    %c0_i32_1 = arith.constant 0 : i32
    return %c0_i32, %c0_i32_0 : i32, i32
  }
  func.func @transform_7(%arg0: i32) -> (i32, i32) {
    %c0_i32 = arith.constant 0 : i32
    %c0_i32_0 = arith.constant 0 : i32
    return %arg0, %c0_i32 : i32, i32
  }
}

</mosaic_0001>

<sc_bundles>
// kernel: kernel.11.cloned.1.call-start
scs
__scs_entry_jumppad:
0x0: {  	(pc) =	sbr.rel $0x88, $3  }
0x1: {  	(tag) =	ssettag $0x0;
	lr =	simm.s32 $0x1  }
0x2: {  	[smem:$0x3F99] =	sst lr;
	_ =	strace $0xD0000000  }
0x3: {  	_ = 	snop  }
0x4: {  	_ = 	snop  }
0x5: {  	_ = 	snop  }
0x6: {  	_ = 	snop  }
0x7: {  	_ = 	snop  }
__scs_overlays_trampoline_lowered:
0x8: {  	[smem:$0x3FA8] =	sst s0  }
0x9: {  	[smem:$0x3FA9] =	sst s1  }
0xa: {  	[smem:$0x3FAA] =	sst s2  }
0xb: {  	[smem:$0x3FAB] =	sst s3  }
0xc: {  	[smem:$0x3FAC] =	sst s4  }
0xd: {  	[smem:$0x3FAD] =	sst s5  }
0xe: {  	[smem:$0x3FAE] =	sst s6  }
0xf: {  	[smem:$0x3FAF] =	sst s7  }
0x10: {  	[smem:$0x3FB0] =	sst s8  }
0x11: {  	[smem:$0x3FB1] =	sst s9;
	s0 =	simm.s32 @!p0 $0x0  }
0x12: {  	s1 =	sld [smem:$0x3F97];
	s0 =	simm.s32 @p0 $0x1  }
0x13: {  	[smem:$0x3FB2] =	sst s0;
	s0 =	simm.s32 @!p1 $0x0  }
0x14: {  	s2 =	sld [smem:$0x3F96];
	s0 =	simm.s32 @p1 $0x1  }
0x15: {  	[smem:$0x3FB3] =	sst s0;
	s0 =	simm.s32 @!p2 $0x0  }
0x16: {  	s3 =	sld [smem:$0x3FDB];
	s0 =	simm.s32 @p2 $0x1  }
0x17: {  	s4 =	simm.s32 $0x1BF5;
	[smem:$0x3FB5] =	sst s0  }
0x18: {  	s0 =	sld [smem:$0x3F98];
	_ =	swait.ge [sflag:s4], $0x0  }
0x19: {  	s7 =	sld [smem:$0x3F99]  }
0x1a: {  	s8 =	sadd.s32 $0xFFFFE003, lr  }
0x1b: {  	s9 =	sadd.s32 $0xFFFFFEF7, lr;
	s5 =	simm.s32 $0xFFFFFFFF;
	p2 =	slt.u32 s8, $0xFFFFF086  }
0x1c: {  	p1 =	slt.u32 s9, $0xF7A;
	s5 =	simm.s32 @!p2 $0x0  }
0x1d: {  	s5 =	simm.s32 @p1 $0x1;
	p0 =	seq.s32 s7, s2  }
0x1e: {  	s7 =	smul.u32 @!p0 $0xF7A, s2;
	p2 =	seq.s32 @!p0 s5, $0x0  }
0x1f: {  	s9 =	smul.u32 $0xF7A, s1;
	s8 =	simm.s32 @!p0 $0x1BF5;
	p2 =	por !p2, p0  }
0x20: {  	[sflag:s8] =	ssyncset.s32 @!p0 $0xFFFFF086;
	s6 =	sadd.s32 @!p0 s3, s7;
	s7 =	simm.s32 @!p0 $0x108  }
0x21: {  	s3 =	sadd.s32 s3, s9;
	s6 =	sadd.s32 @!p0 $0x88, s6;
	s7 =	simm.s32 @p2 $0x1082  }
0x22: {  	[simem:s7], [sflag:s8] =	dma.local @!p0 [hbm:s6], $0xF7A  }
0x23: {  	s9 =	sor.u32 $0xD0000000, s2;
	s6 =	simm.s32 $0x108;
	_ =	swait.ge @!p0 [sflag:s8], $0x0  }
0x24: {  	s3 =	sadd.s32 $0x88, s3;
	s6 =	simm.s32 @!p1 $0x1082;
	[sflag:s4] =	ssyncset.s32 $0xFFFFF086  }
0x25: {  	[simem:s6], [sflag:s4] =	dma.local [hbm:s3], $0xF7A  }
0x26: {  	[smem:$0x3F99] =	sst s1;
	(tag) =	ssettag s2;
	_ =	strace s9  }
0x27: {  	s1 =	sld [smem:$0x3FA9]  }
0x28: {  	s2 =	sld [smem:$0x3FAA]  }
0x29: {  	s4 =	sld [smem:$0x3FAC]  }
0x2a: {  	p0 =	seq.s32 s5, $0x0;
	s5 =	sld [smem:$0x3FAD]  }
0x2b: {  	s6 =	sld [smem:$0x3FAE]  }
0x2c: {  	s7 =	sld [smem:$0x3FAF]  }
0x2d: {  	s3 =	simm.s32 $0x108;
	s8 =	sld [smem:$0x3FB0]  }
0x2e: {  	s3 =	simm.s32 @!p0 $0x1082;
	s9 =	sld [smem:$0x3FB1]  }
0x2f: {  	lr =	sadd.s32 s0, s3;
	s0 =	sld [smem:$0x3FA8]  }
0x30: {  	s3 =	sld [smem:$0x3FAB]  }
0x31: {  	[smem:$0x3FB4] =	sst s10  }
0x32: {  	s10 =	sld [smem:$0x3FB2];
	_ =	sdelay $0x3  }
0x33: {  	p0 =	seq.s32 s10, $0x1;
	s10 =	sld [smem:$0x3FB4];
	_ =	sdelay $0x3  }
0x34: {  	[smem:$0x3FB4] =	sst s10  }
0x35: {  	s10 =	sld [smem:$0x3FB3];
	_ =	sdelay $0x3  }
0x36: {  	p1 =	seq.s32 s10, $0x1;
	s10 =	sld [smem:$0x3FB4];
	_ =	sdelay $0x3  }
0x37: {  	[smem:$0x3FB4] =	sst s10  }
0x38: {  	s10 =	sld [smem:$0x3FB5]  }
0x39: {  	_ = 	snop;
	(pc) =	sbr.ind lr, $3  }
0x3a: {  	_ = 	snop  }
0x3b: {  	_ = 	snop  }
0x3c: {  	p2 =	seq.s32 s10, $0x1;
	s10 =	sld [smem:$0x3FB4]  }
0x3d: {  	_ =	shalt  }
0x3e: {  	_ =	shalt  }
0x3f: {  	_ =	shalt  }
0x40: {  	_ =	shalt  }
0x41: {  	_ =	shalt  }
0x42: {  	_ =	shalt  }
0x43: {  	_ =	shalt  }
0x44: {  	_ =	shalt  }
0x45: {  	_ =	shalt  }
0x46: {  	_ =	shalt  }
0x47: {  	_ =	shalt  }
0x48: {  	_ =	shalt  }
0x49: {  	_ =	shalt  }
0x4a: {  	_ =	shalt  }
0x4b: {  	_ =	shalt  }
0x4c: {  	_ =	shalt  }
0x4d: {  	_ =	shalt  }
0x4e: {  	_ =	shalt  }
0x4f: {  	_ =	shalt  }
0x50: {  	_ =	shalt  }
0x51: {  	_ =	shalt  }
0x52: {  	_ =	shalt  }
0x53: {  	_ =	shalt  }
0x54: {  	_ =	shalt  }
0x55: {  	_ =	shalt  }
0x56: {  	_ =	shalt  }
0x57: {  	_ =	shalt  }
0x58: {  	_ =	shalt  }
0x59: {  	_ =	shalt  }
0x5a: {  	_ =	shalt  }
0x5b: {  	_ =	shalt  }
0x5c: {  	_ =	shalt  }
0x5d: {  	_ =	shalt  }
0x5e: {  	_ =	shalt  }
0x5f: {  	_ =	shalt  }
0x60: {  	_ =	shalt  }
0x61: {  	_ =	shalt  }
0x62: {  	_ =	shalt  }
0x63: {  	_ =	shalt  }
0x64: {  	_ =	shalt  }
0x65: {  	_ =	shalt  }
0x66: {  	_ =	shalt  }
0x67: {  	_ =	shalt  }
0x68: {  	_ =	shalt  }
0x69: {  	_ =	shalt  }
0x6a: {  	_ =	shalt  }
0x6b: {  	_ =	shalt  }
0x6c: {  	_ =	shalt  }
0x6d: {  	_ =	shalt  }
0x6e: {  	_ =	shalt  }
0x6f: {  	_ =	shalt  }
0x70: {  	_ =	shalt  }
0x71: {  	_ =	shalt  }
0x72: {  	_ =	shalt  }
0x73: {  	_ =	shalt  }
0x74: {  	_ =	shalt  }
0x75: {  	_ =	shalt  }
0x76: {  	_ =	shalt  }
0x77: {  	_ =	shalt  }
0x78: {  	_ =	shalt  }
0x79: {  	_ =	shalt  }
0x7a: {  	_ =	shalt  }
0x7b: {  	_ =	shalt  }
0x7c: {  	_ =	shalt  }
0x7d: {  	_ =	shalt  }
0x7e: {  	_ =	shalt  }
0x7f: {  	_ =	shalt  }
0x80: {  	_ =	shalt  }
0x81: {  	_ =	shalt  }
0x82: {  	_ =	shalt  }
0x83: {  	_ =	shalt  }
0x84: {  	_ =	shalt  }
0x85: {  	_ =	shalt  }
0x86: {  	_ =	shalt  }
0x87: {  	_ =	shalt  }
.Lfunc_end0:
.L_simem_size_0:
called_computation.1_lowered:
.L_overlay_start_0:
0x88: {  	s2 =	sld [smem:$0x3FD9]  }
0x89: {  	s3 =	sld [smem:$0x3FFE];
	_ =	sdelay $0x1  }
0x8a: {  	s1 =	srdreg.scid  }
0x8b: {  	s0 =	sand.u32 $0x1, s1  }
0x8c: {  	s17 =	sshll.u32 s0, $0xA;
	s2 =	sadd.s32 s3, s2  }
0x8d: {  	s2 =	sadd.s32 s2, s17  }
0x8e: {  	[smem:$0x3FC0] =	sst s2  }
0x8f: {  	_ = 	snop  }
0x90: {  	s2 =	sld [smem:$0x3FD0];
	(tm) =	ssettm $0x1  }
0x91: {  	s18 =	sld [smem:$0x3FFB];
	_ =	sdelay $0x3  }
0x92: {  	_ =	strace s18  }
0x93: {  	s3 =	sld [smem:$0x3FFC];
	_ =	sdelay $0x3  }
0x94: {  	_ =	strace s3  }
0x95: {  	s3 =	sld [smem:$0x3FFD];
	_ =	sdelay $0x3  }
0x96: {  	_ =	strace s3  }
0x97: {  	_ =	strace $0x8FFFFFFF  }
0x98: {  	s19 =	sld [smem:$0x3FDB];
	_ =	sdelay $0x1  }
0x99: {  	s4 =	simm.s32 $_scs_section_size  }
0x9a: {  	s5 =	simm.s32 $_size__tile_overlayer_lowered;
	s6 =	simm.s32 $_tile_overlayer_lowered  }
0x9b: {  	s22 =	simm.s32 $0x1BFF;
	s21 =	sshll.u32 s6, $0x1;
	s3 =	sadd.s32 s4, s19  }
0x9c: {  	s7 =	simm.s32 $0x0;
	s20 =	sshll.u32 s5, $0x1;
	s5 =	sadd.s32 s21, s3  }
0x9d: {  	[timem:s7], [sflag:s22] =	dma.local [hbm:s5], s20  }
0x9e: {  	_ =	swait.ge [sflag:s22], s20  }
0x9f: {  	s4 =	ssub.s32 $0x0, s20;
	[sflag:s22] =	ssyncset.done $0x0  }
0xa0: {  	[sflag:s22] =	ssyncadd.s32 s4;
	_ =	sdelay $0x1  }
0xa1: {  	s23 =	simm.s32 $0x1B8B  }
0xa2: {  	_ =	swait.ge [sflag:s23], $0x1  }
0xa3: {  	[sflag:s23] =	ssyncset.done $0x0  }
0xa4: {  	s25 =	simm.s32 $0x1B8E;
	s24 =	sld [smem:$0x3FFE];
	[sflag:s23] =	ssyncadd.s32 $0xFFFFFFFF  }
0xa5: {  	s26 =	simm.s32 $execute0_lowered;
	[smem:$0x3FD2] =	sst s25  }
0xa6: {  	s5 =	sshll.u32 s26, $0x1;
	_ =	strace $0x80000049;
	[dreg:$0x1] =	wrdreg $0xFFFFFFFF  }
0xa7: {  	s28 =	simm.s32 $_size_execute0_lowered;
	s3 =	sadd.s32 s3, s5;
	[dreg:$0x0] =	wrdreg $0x0  }
0xa8: {  	s5 =	sshll.u32 s28, $0x1;
	[dreg:$0x2] =	wrdreg s3  }
0xa9: {  	[dreg:$0x3] =	wrdreg s5  }
0xaa: {  	[dreg:$0x4] =	wrdreg $0xC0  }
0xab: {  	_ =	task [dreg:s7], $0x5FFFF  }
0xac: {  	[dreg:$0x1] =	wrdreg $0xFFFFFFFF  }
0xad: {  	[dreg:$0x0] =	wrdreg $0x60  }
0xae: {  	[dreg:$0x2] =	wrdreg s24  }
0xaf: {  	[dreg:$0x3] =	wrdreg s2  }
0xb0: {  	[dreg:$0x4] =	wrdreg $0x50000  }
0xb1: {  	[dreg:$0x5] =	wrdreg $0x9  }
0xb2: {  	_ =	task.clear_ibuf [dreg:s7], $0x6FFFF;
	_ =	strace $0x90000049  }
0xb3: {  	s29 =	simm.s32 $0x9;
	_ =	strace $0x8000004B  }
0xb4: {  	_ =	swait.ge [sflag:s29], $0x1  }
0xb5: {  	[sflag:s29] =	ssyncadd.s32 $0xFFFFFFFF  }
0xb6: {  	_ =	strace $0x9000004B  }
0xb7: {  	_ =	sfence  }
0xb8: {  	s30 =	sld [smem:$0x0];
	_ =	sdelay $0x2  }
0xb9: {  	s31 =	sshll.u32 s1, $0xD;
	s1 =	sshrl.u32 s1, $0x2  }
0xba: {  	s3 =	sand.u32 $0x4000, s31;
	s1 =	sadd.s32 s1, s30  }
0xbb: {  	s0 =	sor.u32 s3, s0;
	s1 =	sshll.u32 s1, $0x11  }
0xbc: {  	s0 =	sor.u32 s1, s0  }
0xbd: {  	s0 =	sadd.s32 $0x8F2B, s0  }
0xbe: {  	[sflag:s0] =	ssyncadd.remote.s32 $0x1  }
0xbf: {  	_ =	sfence.sel $0xFFFF  }
0xc0: {  	[dreg:$0x0] =	wrdreg $0xFFFFFFFF;
	(pc) =	sbr.abs _section_cstart, $3  }
0xc1: {  	[dreg:$0x1] =	wrdreg $0xFFFFFFFF  }
0xc2: {  	_ =	task.clear_ibuf [dreg:s7], $0x2FFFF;
	_ =	strace $0x9FFFFFFF  }
0xc3: {  	(tm) =	ssettm $0x7FFFFFFF  }
tec
execute0_lowered:
.L_overlay_start_1:
0x0: {  	(tag) =	ssettag $0x1  }
0x1: {  	s6 =	rddreg [dreg:$0x0]  }
0x2: {  	s14 =	rddreg [dreg:$0x1]  }
0x3: {  	s1 =	rddreg [dreg:$0x2];
	s3 =	simm.s32 $0x0;
	s4 =	srdreg.scid  }
0x4: {  	s0 =	stileid.u32;
	s21 =	simm.s32 $0x800;
	s22 =	simm.s32 $0x1  }
0x5: {  	s23 =	simm.s32 $0x80;
	s24 =	simm.s32 $0x1000;
	s7 =	smul.u32 $0x4E000, s0  }
0x6: {  	s25 =	simm.s32 $0x0;
	[smem:$0x7FF] =	sst s3;
	s9 =	smul.u32 $0x2700, s0  }
0x7: {  	s16 =	sand.u32 $0x1, s4;
	s4 =	sadd.s32 $0x29400, s6;
	s13 =	smul.u32 $0x13800, s0  }
0x8: {  	s15 =	sadd.s32 $0x77E00, s6;
	s12 =	sadd.s32 $0x81E00, s6;
	s20 =	smul.u32 $0x2800, s0  }
0x9: {  	s31 =	sshll.u32 s0, $0x6;
	p1 =	seq.s32 s0, $0xF;
	p2 =	sne.s32 s0, $0xF  }
0xa: {  	_ =	strace $0x8000004A;
	s5 =	sshll.u32 s16, $0x4;
	s11 =	smul.u32 $0x138800, s16  }
0xb: {  	s28 =	ssub.s32 $0x2, s16;
	s19 =	smul.u32 $0x28000, s16;
	p0 =	sne.s32 s16, $0x0  }
0xc: {  	s16 =	sor.u32 $0x1C02, s31;
	s8 =	sor.u32 s0, s5;
	s5 =	sadd.s32 $0x2200, s6  }
0xd: {  	s10 =	sshrl.u32 s28, $0x1;
	s7 =	sshrl.u32 s7, $0x2;
	s8 =	smul.u32 $0x2800, s8  }
0xe: {  	s17 =	ssub.s32 s28, s10;
	s18 =	sadd.s32 s7, s1;
	s6 =	sadd.s32 s5, s9  }
0xf: {  	s7 =	sadd.s32 $0x138000, s1;
	s13 =	sadd.s32 s13, s11;
	s19 =	sadd.s32 s20, s19  }
0x10: {  	s30 =	sshrl.u32 s11, $0x3;
	s20 =	simm.s32 $0x1FC2;
	s13 =	sshrl.u32 s13, $0x3  }
0x11: {  	s19 =	sor.u32 $0x400, s19;
	s29 =	sshrl.u32 s8, $0x3;
	s8 =	sadd.s32 s4, s9  }
0x12: {  	s11 =	sadd.s32 s12, s13;
	s12 =	sadd.s32 s12, s30;
	s19 =	sshrl.u32 s19, $0x3  }
0x13: {  	s13 =	smax.u32 s17, $0x1;
	s17 =	sshrl.u32 s18, $0x3;
	s18 =	simm.s32 $0x2  }
0x14: {  	s9 =	sadd.s32 s15, s29;
	s10 =	sadd.s32 s14, s29;
	s12 =	sadd.s32 $0x27000, s12  }
0x15: {  	s14 =	sadd.s32 s19, s14;
	s15 =	sadd.s32 s19, s15;
	s19 =	sshrl.u32 s7, $0x3  }
.LBB2_1:
.Ltmp0:
0x16: {  	(pc) =	sbr.rel @p0 .LBB2_3-.Ltmp0, $1  }
0x17: {  	_ =	sdelay $0x3  }
0x18: {  	[spmem:s17], [sflag:s16] =	dma.local [hbm:s8], $0x2700  }
.Ltmp1:
0x19: {  	_ = 	snop;
	(pc) =	sbr.rel @p1 .LBB2_4-.Ltmp1, $4  }
.Ltmp2:
0x1a: {  	_ = 	snop;
	(pc) =	sbr.rel @!p1 .LBB2_5-.Ltmp2, $4  }
0x1b: {  	_ =	swait.ge [sflag:s18], $0x2700  }
0x1c: {  	[sflag:s18] =	ssyncset.done $0x0  }
0x1d: {  	p3 =	por $0x0, $0x0;
	s26 =	smov.u32 s4;
	[sflag:s18] =	ssyncadd.s32 $0xFFFFD900  }
0x1e: {  	_ = 	snop  }
.LBB2_3:
.Ltmp3:
0x1f: {  	(pc) =	sbr.rel @p2 .LBB2_5-.Ltmp3, $4  }
0x20: {  	[spmem:s17], [sflag:s16] =	dma.local [hbm:s6], $0x2700  }
0x21: {  	_ =	swait.ge [sflag:s18], $0x2700  }
0x22: {  	[sflag:s18] =	ssyncset.done $0x0  }
0x23: {  	p3 =	por $0x0, $0x0;
	s26 =	smov.u32 s5;
	[sflag:s18] =	ssyncadd.s32 $0xFFFFD900  }
.LBB2_4:
0x24: {  	s26 =	sadd.s32 $0x27000, s26  }
0x25: {  	[spmem:s19], [sflag:s20] =	dma.local [hbm:s26], $0x100  }
0x26: {  	_ =	swait.ge [sflag:s18], $0x100  }
0x27: {  	[sflag:s18] =	ssyncset.done $0x0  }
0x28: {  	p3 =	por $0x1, $0x1;
	[sflag:s18] =	ssyncadd.s32 $0xFFFFFF00  }
.LBB2_5:
0x29: {  	[tilespmem:s3], [sflag:$0x1] =	stream.linear.gather [hbm4b:s9+s3], $0x400, $0x38;
	[tilespmem:$0x18900] =	vst v63  }
0x2a: {  	_ = 	snop  }
0x2b: {  	[tilespmem:s21], [sflag:$0x1] =	stream.linear.gather [hbm4b:s10+s3], $0x400, $0x38;
	[tilespmem:$0x18900] =	vst v63  }
0x2c: {  	[bflag:$0x0] =	sbarrier.arrive $0xFFFF  }
0x2d: {  	_ =	swait.ge [sflag:s22], $0x400  }
0x2e: {  	[sflag:s22] =	ssyncset.done $0x0  }
0x2f: {  	[sflag:s22] =	ssyncadd.s32 $0xFFFFFC00  }
0x30: {  	_ =	swait.ge [sflag:s22], $0x400  }
0x31: {  	s26 =	simm.s32 $0x400;
	p4 =	por $0x0, $0x0;
	[sflag:s22] =	ssyncset.done $0x0  }
0x32: {  	s26 =	sand.u32 @!p4 $0x400, s26;
	s28 =	simm.s32 @!p4 $0x0;
	[sflag:s22] =	ssyncadd.s32 $0xFFFFFC00  }
0x33: {  	[tilespmem:s26], [sflag:$0x1] =	stream.linear.gather @!p4 [hbm4b:s15+s28], $0x400, $0x38;
	[tilespmem:$0x18900] =	vst v63  }
0x34: {  	s29 =	simm.s32 $0x0;
	s26 =	sor.u32 @!p4 $0x800, s26  }
0x35: {  	[tilespmem:s26], [sflag:$0x1] =	stream.linear.gather @!p4 [hbm4b:s14+s28], $0x400, $0x38;
	[tilespmem:$0x18900] =	vst v63  }
0x36: {  	s28 =	sand.u32 $0x400, s29  }
0x37: {  	[tilespmem:s24], [sflag:$0x2] =	stream.indirect.gather [hbm4b:s4+s23], $0x80, s28, s23, $0xb8;
	[tilespmem:$0x18900] =	vst v63  }
0x38: {  	_ =	swait.ge [sflag:s18], $0x4000  }
0x39: {  	[sflag:s18] =	ssyncset.done $0x0  }
0x3a: {  	s2 =	sor.u32 $0x800, s28;
	[sflag:s18] =	ssyncadd.s32 $0xFFFFC000  }
0x3b: {  	[spmem:s1] =	stream.indirect.scatter.add.f32 [tilespmem:s24], [sflag:$0x2], $0x80, s2, s23, $0xb8;
	[tilespmem:$0x18900] =	vst v63  }
0x3c: {  	_ =	swait.ge [sflag:s18], $0x4000  }
0x3d: {  	[sflag:s18] =	ssyncset.done $0x0  }
0x3e: {  	s31 =	sor.u32 $0x80, s28;
	[sflag:s18] =	ssyncadd.s32 $0xFFFFC000  }
0x3f: {  	[tilespmem:s24], [sflag:$0x2] =	stream.indirect.gather [hbm4b:s4+s23], $0x80, s31, s23, $0xb8;
	[tilespmem:$0x18900] =	vst v63  }
0x40: {  	_ =	swait.ge [sflag:s18], $0x4000  }
0x41: {  	[sflag:s18] =	ssyncset.done $0x0  }
0x42: {  	s0 =	sor.u32 $0x880, s28;
	[sflag:s18] =	ssyncadd.s32 $0xFFFFC000  }
0x43: {  	[spmem:s1] =	stream.indirect.scatter.add.f32 [tilespmem:s24], [sflag:$0x2], $0x80, s0, s23, $0xb8;
	[tilespmem:$0x18900] =	vst v63  }
0x44: {  	_ =	swait.ge [sflag:s18], $0x4000  }
0x45: {  	[sflag:s18] =	ssyncset.done $0x0  }
0x46: {  	s2 =	sor.u32 $0x100, s28;
	[sflag:s18] =	ssyncadd.s32 $0xFFFFC000  }
0x47: {  	[tilespmem:s24], [sflag:$0x2] =	stream.indirect.gather [hbm4b:s4+s23], $0x80, s2, s23, $0xb8;
	[tilespmem:$0x18900] =	vst v63  }
0x48: {  	_ =	swait.ge [sflag:s18], $0x4000  }
0x49: {  	[sflag:s18] =	ssyncset.done $0x0  }
0x4a: {  	s31 =	sor.u32 $0x900, s28;
	[sflag:s18] =	ssyncadd.s32 $0xFFFFC000  }
0x4b: {  	[spmem:s1] =	stream.indirect.scatter.add.f32 [tilespmem:s24], [sflag:$0x2], $0x80, s31, s23, $0xb8;
	[tilespmem:$0x18900] =	vst v63  }
0x4c: {  	_ =	swait.ge [sflag:s18], $0x4000  }
0x4d: {  	[sflag:s18] =	ssyncset.done $0x0  }
0x4e: {  	s0 =	sor.u32 $0x180, s28;
	[sflag:s18] =	ssyncadd.s32 $0xFFFFC000  }
0x4f: {  	[tilespmem:s24], [sflag:$0x2] =	stream.indirect.gather [hbm4b:s4+s23], $0x80, s0, s23, $0xb8;
	[tilespmem:$0x18900] =	vst v63  }
0x50: {  	_ =	swait.ge [sflag:s18], $0x4000  }
0x51: {  	[sflag:s18] =	ssyncset.done $0x0  }
0x52: {  	s2 =	sor.u32 $0x980, s28;
	[sflag:s18] =	ssyncadd.s32 $0xFFFFC000  }
0x53: {  	[spmem:s1] =	stream.indirect.scatter.add.f32 [tilespmem:s24], [sflag:$0x2], $0x80, s2, s23, $0xb8;
	[tilespmem:$0x18900] =	vst v63  }
0x54: {  	_ =	swait.ge [sflag:s18], $0x4000  }
0x55: {  	[sflag:s18] =	ssyncset.done $0x0  }
0x56: {  	s31 =	sor.u32 $0x200, s28;
	[sflag:s18] =	ssyncadd.s32 $0xFFFFC000  }
0x57: {  	[tilespmem:s24], [sflag:$0x2] =	stream.indirect.gather [hbm4b:s4+s23], $0x80, s31, s23, $0xb8;
	[tilespmem:$0x18900] =	vst v63  }
0x58: {  	_ =	swait.ge [sflag:s18], $0x4000  }
0x59: {  	[sflag:s18] =	ssyncset.done $0x0  }
0x5a: {  	s0 =	sor.u32 $0xA00, s28;
	[sflag:s18] =	ssyncadd.s32 $0xFFFFC000  }
0x5b: {  	[spmem:s1] =	stream.indirect.scatter.add.f32 [tilespmem:s24], [sflag:$0x2], $0x80, s0, s23, $0xb8;
	[tilespmem:$0x18900] =	vst v63  }
0x5c: {  	_ =	swait.ge [sflag:s18], $0x4000  }
0x5d: {  	[sflag:s18] =	ssyncset.done $0x0  }
0x5e: {  	s2 =	sor.u32 $0x280, s28;
	[sflag:s18] =	ssyncadd.s32 $0xFFFFC000  }
0x5f: {  	[tilespmem:s24], [sflag:$0x2] =	stream.indirect.gather [hbm4b:s4+s23], $0x80, s2, s23, $0xb8;
	[tilespmem:$0x18900] =	vst v63  }
0x60: {  	_ =	swait.ge [sflag:s18], $0x4000  }
0x61: {  	[sflag:s18] =	ssyncset.done $0x0  }
0x62: {  	s31 =	sor.u32 $0xA80, s28;
	[sflag:s18] =	ssyncadd.s32 $0xFFFFC000  }
0x63: {  	[spmem:s1] =	stream.indirect.scatter.add.f32 [tilespmem:s24], [sflag:$0x2], $0x80, s31, s23, $0xb8;
	[tilespmem:$0x18900] =	vst v63  }
0x64: {  	_ =	swait.ge [sflag:s18], $0x4000  }
0x65: {  	[sflag:s18] =	ssyncset.done $0x0  }
0x66: {  	s0 =	sor.u32 $0x300, s28;
	[sflag:s18] =	ssyncadd.s32 $0xFFFFC000  }
0x67: {  	[tilespmem:s24], [sflag:$0x2] =	stream.indirect.gather [hbm4b:s4+s23], $0x80, s0, s23, $0xb8;
	[tilespmem:$0x18900] =	vst v63  }
0x68: {  	_ =	swait.ge [sflag:s18], $0x4000  }
0x69: {  	[sflag:s18] =	ssyncset.done $0x0  }
0x6a: {  	s2 =	sor.u32 $0xB00, s28;
	[sflag:s18] =	ssyncadd.s32 $0xFFFFC000  }
0x6b: {  	[spmem:s1] =	stream.indirect.scatter.add.f32 [tilespmem:s24], [sflag:$0x2], $0x80, s2, s23, $0xb8;
	[tilespmem:$0x18900] =	vst v63  }
0x6c: {  	_ =	swait.ge [sflag:s18], $0x4000  }
0x6d: {  	[sflag:s18] =	ssyncset.done $0x0  }
0x6e: {  	s26 =	simm.s32 @!p4 $0x1;
	[sflag:s18] =	ssyncadd.s32 $0xFFFFC000  }
0x6f: {  	_ =	swait.ge @!p4 [sflag:s26], $0x400  }
0x70: {  	[sflag:s26] =	ssyncset.done @!p4 $0x0  }
0x71: {  	[sflag:s26] =	ssyncadd.s32 @!p4 $0xFFFFFC00  }
0x72: {  	_ =	swait.ge @!p4 [sflag:s26], $0x400  }
0x73: {  	[sflag:s26] =	ssyncset.done @!p4 $0x0  }
0x74: {  	s31 =	sor.u32 $0x380, s28;
	[sflag:s26] =	ssyncadd.s32 @!p4 $0xFFFFFC00  }
0x75: {  	[tilespmem:s24], [sflag:$0x2] =	stream.indirect.gather [hbm4b:s4+s23], $0x80, s31, s23, $0xb8;
	[tilespmem:$0x18900] =	vst v63  }
0x76: {  	_ =	swait.ge [sflag:s18], $0x4000  }
0x77: {  	[sflag:s18] =	ssyncset.done $0x0  }
0x78: {  	s30 =	simm.s32 $0xC00;
	s28 =	sor.u32 $0xB80, s28;
	[sflag:s18] =	ssyncadd.s32 $0xFFFFC000  }
0x79: {  	[spmem:s1] =	stream.indirect.scatter.add.f32 [tilespmem:s24], [sflag:$0x2], $0x80, s28, s23, $0xb8;
	[tilespmem:$0x18900] =	vst v63  }
0x7a: {  	s29 =	sadd.s32 $0x80, s14;
	s26 =	simm.s32 $0x800;
	_ =	swait.ge [sflag:s18], $0x4000  }
0x7b: {  	p4 =	por $0x0, $0x0;
	s28 =	sadd.s32 $0x80, s15;
	[sflag:s18] =	ssyncset.done $0x0  }
.LBB2_6:
0x7c: {  	s31 =	sand.u32 @!p4 $0x400, s26  }
0x7d: {  	s0 =	simm.s32 @!p4 $0x0;
	[sflag:s18] =	ssyncadd.s32 $0xFFFFC000;
	s2 =	smov.u32 s30  }
0x7e: {  	[tilespmem:s31], [sflag:$0x1] =	stream.linear.gather @!p4 [hbm4b:s28+s0], $0x400, $0x38;
	[tilespmem:$0x18900] =	vst v63  }
0x7f: {  	s30 =	sadd.s32 $0x400, s30;
	s26 =	sadd.s32 $0xFFFFFC00, s26;
	s31 =	sor.u32 @!p4 $0x800, s31  }
0x80: {  	[tilespmem:s31], [sflag:$0x1] =	stream.linear.gather @!p4 [hbm4b:s29+s0], $0x400, $0x38;
	[tilespmem:$0x18900] =	vst v63  }
0x81: {  	p5 =	sne.s32 s30, $0x2C00;
	s31 =	sand.u32 $0x400, s26;
	s26 =	smov.u32 s2  }
0x82: {  	[tilespmem:s24], [sflag:$0x2] =	stream.indirect.gather [hbm4b:s4+s23], $0x80, s31, s23, $0xb8;
	[tilespmem:$0x18900] =	vst v63  }
0x83: {  	_ =	swait.ge [sflag:s18], $0x4000  }
0x84: {  	[sflag:s18] =	ssyncset.done $0x0  }
0x85: {  	s0 =	sor.u32 $0x800, s31;
	[sflag:s18] =	ssyncadd.s32 $0xFFFFC000  }
0x86: {  	[spmem:s1] =	stream.indirect.scatter.add.f32 [tilespmem:s24], [sflag:$0x2], $0x80, s0, s23, $0xb8;
	[tilespmem:$0x18900] =	vst v63  }
0x87: {  	_ =	swait.ge [sflag:s18], $0x4000  }
0x88: {  	[sflag:s18] =	ssyncset.done $0x0  }
0x89: {  	s0 =	sor.u32 $0x80, s31;
	[sflag:s18] =	ssyncadd.s32 $0xFFFFC000  }
0x8a: {  	[tilespmem:s24], [sflag:$0x2] =	stream.indirect.gather [hbm4b:s4+s23], $0x80, s0, s23, $0xb8;
	[tilespmem:$0x18900] =	vst v63  }
0x8b: {  	_ =	swait.ge [sflag:s18], $0x4000  }
0x8c: {  	[sflag:s18] =	ssyncset.done $0x0  }
0x8d: {  	s0 =	sor.u32 $0x880, s31;
	[sflag:s18] =	ssyncadd.s32 $0xFFFFC000  }
0x8e: {  	[spmem:s1] =	stream.indirect.scatter.add.f32 [tilespmem:s24], [sflag:$0x2], $0x80, s0, s23, $0xb8;
	[tilespmem:$0x18900] =	vst v63  }
0x8f: {  	_ =	swait.ge [sflag:s18], $0x4000  }
0x90: {  	[sflag:s18] =	ssyncset.done $0x0  }
0x91: {  	s0 =	sor.u32 $0x100, s31;
	[sflag:s18] =	ssyncadd.s32 $0xFFFFC000  }
0x92: {  	[tilespmem:s24], [sflag:$0x2] =	stream.indirect.gather [hbm4b:s4+s23], $0x80, s0, s23, $0xb8;
	[tilespmem:$0x18900] =	vst v63  }
0x93: {  	_ =	swait.ge [sflag:s18], $0x4000  }
0x94: {  	[sflag:s18] =	ssyncset.done $0x0  }
0x95: {  	s0 =	sor.u32 $0x900, s31;
	[sflag:s18] =	ssyncadd.s32 $0xFFFFC000  }
0x96: {  	[spmem:s1] =	stream.indirect.scatter.add.f32 [tilespmem:s24], [sflag:$0x2], $0x80, s0, s23, $0xb8;
	[tilespmem:$0x18900] =	vst v63  }
0x97: {  	_ =	swait.ge [sflag:s18], $0x4000  }
0x98: {  	[sflag:s18] =	ssyncset.done $0x0  }
0x99: {  	s0 =	sor.u32 $0x180, s31;
	[sflag:s18] =	ssyncadd.s32 $0xFFFFC000  }
0x9a: {  	[tilespmem:s24], [sflag:$0x2] =	stream.indirect.gather [hbm4b:s4+s23], $0x80, s0, s23, $0xb8;
	[tilespmem:$0x18900] =	vst v63  }
0x9b: {  	_ =	swait.ge [sflag:s18], $0x4000  }
0x9c: {  	[sflag:s18] =	ssyncset.done $0x0  }
0x9d: {  	s0 =	sor.u32 $0x980, s31;
	[sflag:s18] =	ssyncadd.s32 $0xFFFFC000  }
0x9e: {  	[spmem:s1] =	stream.indirect.scatter.add.f32 [tilespmem:s24], [sflag:$0x2], $0x80, s0, s23, $0xb8;
	[tilespmem:$0x18900] =	vst v63  }
0x9f: {  	_ =	swait.ge [sflag:s18], $0x4000  }
0xa0: {  	[sflag:s18] =	ssyncset.done $0x0  }
0xa1: {  	s0 =	sor.u32 $0x200, s31;
	[sflag:s18] =	ssyncadd.s32 $0xFFFFC000  }
0xa2: {  	[tilespmem:s24], [sflag:$0x2] =	stream.indirect.gather [hbm4b:s4+s23], $0x80, s0, s23, $0xb8;
	[tilespmem:$0x18900] =	vst v63  }
0xa3: {  	_ =	swait.ge [sflag:s18], $0x4000  }
0xa4: {  	[sflag:s18] =	ssyncset.done $0x0  }
0xa5: {  	s0 =	sor.u32 $0xA00, s31;
	[sflag:s18] =	ssyncadd.s32 $0xFFFFC000  }
0xa6: {  	[spmem:s1] =	stream.indirect.scatter.add.f32 [tilespmem:s24], [sflag:$0x2], $0x80, s0, s23, $0xb8;
	[tilespmem:$0x18900] =	vst v63  }
0xa7: {  	_ =	swait.ge [sflag:s18], $0x4000  }
0xa8: {  	[sflag:s18] =	ssyncset.done $0x0  }
0xa9: {  	s0 =	sor.u32 $0x280, s31;
	[sflag:s18] =	ssyncadd.s32 $0xFFFFC000  }
0xaa: {  	[tilespmem:s24], [sflag:$0x2] =	stream.indirect.gather [hbm4b:s4+s23], $0x80, s0, s23, $0xb8;
	[tilespmem:$0x18900] =	vst v63  }
0xab: {  	_ =	swait.ge [sflag:s18], $0x4000  }
0xac: {  	[sflag:s18] =	ssyncset.done $0x0  }
0xad: {  	s0 =	sor.u32 $0xA80, s31;
	[sflag:s18] =	ssyncadd.s32 $0xFFFFC000  }
0xae: {  	[spmem:s1] =	stream.indirect.scatter.add.f32 [tilespmem:s24], [sflag:$0x2], $0x80, s0, s23, $0xb8;
	[tilespmem:$0x18900] =	vst v63  }
0xaf: {  	_ =	swait.ge [sflag:s18], $0x4000  }
0xb0: {  	[sflag:s18] =	ssyncset.done $0x0  }
0xb1: {  	s0 =	sor.u32 $0x300, s31;
	[sflag:s18] =	ssyncadd.s32 $0xFFFFC000  }
0xb2: {  	[tilespmem:s24], [sflag:$0x2] =	stream.indirect.gather [hbm4b:s4+s23], $0x80, s0, s23, $0xb8;
	[tilespmem:$0x18900] =	vst v63  }
0xb3: {  	_ =	swait.ge [sflag:s18], $0x4000  }
0xb4: {  	[sflag:s18] =	ssyncset.done $0x0  }
0xb5: {  	s0 =	sor.u32 $0xB00, s31;
	[sflag:s18] =	ssyncadd.s32 $0xFFFFC000  }
0xb6: {  	[spmem:s1] =	stream.indirect.scatter.add.f32 [tilespmem:s24], [sflag:$0x2], $0x80, s0, s23, $0xb8;
	[tilespmem:$0x18900] =	vst v63  }
0xb7: {  	_ =	swait.ge [sflag:s18], $0x4000  }
0xb8: {  	[sflag:s18] =	ssyncset.done $0x0  }
0xb9: {  	s0 =	simm.s32 @!p4 $0x1;
	[sflag:s18] =	ssyncadd.s32 $0xFFFFC000  }
0xba: {  	_ =	swait.ge @!p4 [sflag:s0], $0x400  }
0xbb: {  	[sflag:s0] =	ssyncset.done @!p4 $0x0  }
0xbc: {  	[sflag:s0] =	ssyncadd.s32 @!p4 $0xFFFFFC00  }
0xbd: {  	_ =	swait.ge @!p4 [sflag:s0], $0x400  }
0xbe: {  	[sflag:s0] =	ssyncset.done @!p4 $0x0  }
0xbf: {  	[sflag:s0] =	ssyncadd.s32 @!p4 $0xFFFFFC00;
	s0 =	sor.u32 $0x380, s31  }
0xc0: {  	[tilespmem:s24], [sflag:$0x2] =	stream.indirect.gather [hbm4b:s4+s23], $0x80, s0, s23, $0xb8;
	[tilespmem:$0x18900] =	vst v63  }
0xc1: {  	_ =	swait.ge [sflag:s18], $0x4000  }
.Ltmp4:
0xc2: {  	[sflag:s18] =	ssyncset.done $0x0;
	(pc) =	sbr.rel @p5 .LBB2_6-.Ltmp4, $4  }
0xc3: {  	s0 =	sor.u32 $0xB80, s31;
	[sflag:s18] =	ssyncadd.s32 $0xFFFFC000  }
0xc4: {  	[spmem:s1] =	stream.indirect.scatter.add.f32 [tilespmem:s24], [sflag:$0x2], $0x80, s0, s23, $0xb8;
	[tilespmem:$0x18900] =	vst v63  }
0xc5: {  	s28 =	sadd.s32 $0x80, s28;
	_ =	swait.ge [sflag:s18], $0x4000  }
0xc6: {  	s29 =	sadd.s32 $0x80, s29;
	p4 =	seq.s32 s26, $0x2800;
	[sflag:s18] =	ssyncset.done $0x0  }
0xc7: {  	s0 =	sand.u32 @!p4 $0x400, s26;
	s2 =	simm.s32 @!p4 $0x0;
	[sflag:s18] =	ssyncadd.s32 $0xFFFFC000  }
0xc8: {  	[tilespmem:s0], [sflag:$0x1] =	stream.linear.gather @!p4 [hbm4b:s28+s2], $0x400, $0x38;
	[tilespmem:$0x18900] =	vst v63  }
0xc9: {  	s31 =	sadd.s32 $0xFFFFFC00, s26;
	s0 =	sor.u32 @!p4 $0x800, s0  }
0xca: {  	[tilespmem:s0], [sflag:$0x1] =	stream.linear.gather @!p4 [hbm4b:s29+s2], $0x400, $0x38;
	[tilespmem:$0x18900] =	vst v63  }
0xcb: {  	s26 =	sand.u32 $0x400, s31  }
0xcc: {  	[tilespmem:s24], [sflag:$0x2] =	stream.indirect.gather [hbm4b:s4+s23], $0x80, s26, s23, $0xb8;
	[tilespmem:$0x18900] =	vst v63  }
0xcd: {  	_ =	swait.ge [sflag:s18], $0x4000  }
0xce: {  	[sflag:s18] =	ssyncset.done $0x0  }
0xcf: {  	s2 =	sor.u32 $0x800, s26;
	[sflag:s18] =	ssyncadd.s32 $0xFFFFC000  }
0xd0: {  	[spmem:s1] =	stream.indirect.scatter.add.f32 [tilespmem:s24], [sflag:$0x2], $0x80, s2, s23, $0xb8;
	[tilespmem:$0x18900] =	vst v63  }
0xd1: {  	_ =	swait.ge [sflag:s18], $0x4000  }
0xd2: {  	[sflag:s18] =	ssyncset.done $0x0  }
0xd3: {  	s28 =	sor.u32 $0x80, s26;
	[sflag:s18] =	ssyncadd.s32 $0xFFFFC000  }
0xd4: {  	[tilespmem:s24], [sflag:$0x2] =	stream.indirect.gather [hbm4b:s4+s23], $0x80, s28, s23, $0xb8;
	[tilespmem:$0x18900] =	vst v63  }
0xd5: {  	_ =	swait.ge [sflag:s18], $0x4000  }
0xd6: {  	[sflag:s18] =	ssyncset.done $0x0  }
0xd7: {  	s29 =	sor.u32 $0x880, s26;
	[sflag:s18] =	ssyncadd.s32 $0xFFFFC000  }
0xd8: {  	[spmem:s1] =	stream.indirect.scatter.add.f32 [tilespmem:s24], [sflag:$0x2], $0x80, s29, s23, $0xb8;
	[tilespmem:$0x18900] =	vst v63  }
0xd9: {  	_ =	swait.ge [sflag:s18], $0x4000  }
0xda: {  	[sflag:s18] =	ssyncset.done $0x0  }
0xdb: {  	s30 =	sor.u32 $0x100, s26;
	[sflag:s18] =	ssyncadd.s32 $0xFFFFC000  }
0xdc: {  	[tilespmem:s24], [sflag:$0x2] =	stream.indirect.gather [hbm4b:s4+s23], $0x80, s30, s23, $0xb8;
	[tilespmem:$0x18900] =	vst v63  }
0xdd: {  	_ =	swait.ge [sflag:s18], $0x4000  }
0xde: {  	[sflag:s18] =	ssyncset.done $0x0  }
0xdf: {  	s31 =	sor.u32 $0x900, s26;
	[sflag:s18] =	ssyncadd.s32 $0xFFFFC000  }
0xe0: {  	[spmem:s1] =	stream.indirect.scatter.add.f32 [tilespmem:s24], [sflag:$0x2], $0x80, s31, s23, $0xb8;
	[tilespmem:$0x18900] =	vst v63  }
0xe1: {  	_ =	swait.ge [sflag:s18], $0x4000  }
0xe2: {  	[sflag:s18] =	ssyncset.done $0x0  }
0xe3: {  	s2 =	sor.u32 $0x180, s26;
	[sflag:s18] =	ssyncadd.s32 $0xFFFFC000  }
0xe4: {  	[tilespmem:s24], [sflag:$0x2] =	stream.indirect.gather [hbm4b:s4+s23], $0x80, s2, s23, $0xb8;
	[tilespmem:$0x18900] =	vst v63  }
0xe5: {  	_ =	swait.ge [sflag:s18], $0x4000  }
0xe6: {  	[sflag:s18] =	ssyncset.done $0x0  }
0xe7: {  	s28 =	sor.u32 $0x980, s26;
	[sflag:s18] =	ssyncadd.s32 $0xFFFFC000  }
0xe8: {  	[spmem:s1] =	stream.indirect.scatter.add.f32 [tilespmem:s24], [sflag:$0x2], $0x80, s28, s23, $0xb8;
	[tilespmem:$0x18900] =	vst v63  }
0xe9: {  	_ =	swait.ge [sflag:s18], $0x4000  }
0xea: {  	[sflag:s18] =	ssyncset.done $0x0  }
0xeb: {  	s29 =	sor.u32 $0x200, s26;
	[sflag:s18] =	ssyncadd.s32 $0xFFFFC000  }
0xec: {  	[tilespmem:s24], [sflag:$0x2] =	stream.indirect.gather [hbm4b:s4+s23], $0x80, s29, s23, $0xb8;
	[tilespmem:$0x18900] =	vst v63  }
0xed: {  	_ =	swait.ge [sflag:s18], $0x4000  }
0xee: {  	[sflag:s18] =	ssyncset.done $0x0  }
0xef: {  	s30 =	sor.u32 $0xA00, s26;
	[sflag:s18] =	ssyncadd.s32 $0xFFFFC000  }
0xf0: {  	[spmem:s1] =	stream.indirect.scatter.add.f32 [tilespmem:s24], [sflag:$0x2], $0x80, s30, s23, $0xb8;
	[tilespmem:$0x18900] =	vst v63  }
0xf1: {  	_ =	swait.ge [sflag:s18], $0x4000  }
0xf2: {  	[sflag:s18] =	ssyncset.done $0x0  }
0xf3: {  	s31 =	sor.u32 $0x280, s26;
	[sflag:s18] =	ssyncadd.s32 $0xFFFFC000  }
0xf4: {  	[tilespmem:s24], [sflag:$0x2] =	stream.indirect.gather [hbm4b:s4+s23], $0x80, s31, s23, $0xb8;
	[tilespmem:$0x18900] =	vst v63  }
0xf5: {  	_ =	swait.ge [sflag:s18], $0x4000  }
0xf6: {  	[sflag:s18] =	ssyncset.done $0x0  }
0xf7: {  	s2 =	sor.u32 $0xA80, s26;
	[sflag:s18] =	ssyncadd.s32 $0xFFFFC000  }
0xf8: {  	[spmem:s1] =	stream.indirect.scatter.add.f32 [tilespmem:s24], [sflag:$0x2], $0x80, s2, s23, $0xb8;
	[tilespmem:$0x18900] =	vst v63  }
0xf9: {  	_ =	swait.ge [sflag:s18], $0x4000  }
0xfa: {  	[sflag:s18] =	ssyncset.done $0x0  }
0xfb: {  	s28 =	sor.u32 $0x300, s26;
	[sflag:s18] =	ssyncadd.s32 $0xFFFFC000  }
0xfc: {  	[tilespmem:s24], [sflag:$0x2] =	stream.indirect.gather [hbm4b:s4+s23], $0x80, s28, s23, $0xb8;
	[tilespmem:$0x18900] =	vst v63  }
0xfd: {  	_ =	swait.ge [sflag:s18], $0x4000  }
0xfe: {  	[sflag:s18] =	ssyncset.done $0x0  }
0xff: {  	s29 =	sor.u32 $0xB00, s26;
	[sflag:s18] =	ssyncadd.s32 $0xFFFFC000  }
0x100: {  	[spmem:s1] =	stream.indirect.scatter.add.f32 [tilespmem:s24], [sflag:$0x2], $0x80, s29, s23, $0xb8;
	[tilespmem:$0x18900] =	vst v63  }
0x101: {  	_ =	swait.ge [sflag:s18], $0x4000  }
0x102: {  	[sflag:s18] =	ssyncset.done $0x0  }
0x103: {  	s0 =	simm.s32 @!p4 $0x1;
	[sflag:s18] =	ssyncadd.s32 $0xFFFFC000  }
0x104: {  	_ =	swait.ge @!p4 [sflag:s0], $0x400  }
0x105: {  	[sflag:s0] =	ssyncset.done @!p4 $0x0  }
0x106: {  	[sflag:s0] =	ssyncadd.s32 @!p4 $0xFFFFFC00  }
0x107: {  	_ =	swait.ge @!p4 [sflag:s0], $0x400  }
0x108: {  	[sflag:s0] =	ssyncset.done @!p4 $0x0  }
0x109: {  	s30 =	sor.u32 $0x380, s26;
	[sflag:s0] =	ssyncadd.s32 @!p4 $0xFFFFFC00  }
0x10a: {  	[tilespmem:s24], [sflag:$0x2] =	stream.indirect.gather [hbm4b:s4+s23], $0x80, s30, s23, $0xb8;
	[tilespmem:$0x18900] =	vst v63  }
0x10b: {  	_ =	swait.ge [sflag:s18], $0x4000  }
0x10c: {  	[sflag:s18] =	ssyncset.done $0x0  }
0x10d: {  	s31 =	sor.u32 $0xB80, s26;
	[sflag:s18] =	ssyncadd.s32 $0xFFFFC000  }
0x10e: {  	[spmem:s1] =	stream.indirect.scatter.add.f32 [tilespmem:s24], [sflag:$0x2], $0x80, s31, s23, $0xb8;
	[tilespmem:$0x18900] =	vst v63  }
0x10f: {  	_ =	swait.ge [sflag:s18], $0x4000  }
0x110: {  	[sflag:s18] =	ssyncset.done $0x0  }
0x111: {  	[sflag:s18] =	ssyncadd.s32 $0xFFFFC000  }
0x112: {  	[bflag:$0x0] =	sbarrier.arrive $0xFFFF  }
0x113: {  	[hbm:s11], [sflag:s16] =	dma.local [spmem:s17], $0x2700  }
0x114: {  	_ =	swait.ge [sflag:s18], $0x2700  }
0x115: {  	s25 =	sadd.s32 $0x1, s25;
	[sflag:s18] =	ssyncset.done $0x0  }
0x116: {  	s0 =	sshrl.u32 @p3 s7, $0x3;
	p4 =	sne.s32 s25, s13;
	[sflag:s18] =	ssyncadd.s32 $0xFFFFD900  }
0x117: {  	[hbm:s12], [sflag:s16] =	dma.local @p3 [spmem:s0], $0x100  }
.Ltmp5:
0x118: {  	_ = 	snop;
	(pc) =	sbr.rel @p4 .LBB2_1-.Ltmp5, $4  }
0x119: {  	s0 =	simm.s32 @p3 $0x2  }
0x11a: {  	_ =	swait.ge @p3 [sflag:s0], $0x100  }
0x11b: {  	[sflag:s0] =	ssyncset.done @p3 $0x0  }
0x11c: {  	[sflag:s0] =	ssyncadd.s32 @p3 $0xFFFFFF00  }
0x11d: {  	_ =	sfence.sel $0x180000  }
0x11e: {  	[bflag:$0x0] =	sbarrier.arrive $0xFFFF  }
0x11f: {  	_ =	strace $0x9000004A  }
0x120: {  	s0 =	stileid.u32;
	[bflag:$0x2] =	sbarrier.arrive $0xFFFF  }
0x121: {  	p0 =	sne.s32 s0, $0x0;
	s0 =	rddreg [dreg:$0x3]  }
0x122: {  	s0 =	sadd.s32 @!p0 $0x100000, s0  }
0x123: {  	[sflag:s0] =	ssyncadd.tile.s32 @!p0 $0x1;
	_ =	shalt  }
.Lfunc_end2:
_tile_overlayer_lowered:
.L_overlay_start_2:
0x124: {  	(tag) =	ssettag $0x2  }
0x125: {  	s0 =	rddreg [dreg:$0x0];
	s2 =	stileid.u32  }
0x126: {  	s1 =	rddreg [dreg:$0x1];
	p0 =	sne.s32 s2, $0x0  }
0x127: {  	s3 =	rddreg [dreg:$0x2];
	[bflag:$0x3] =	sbarrier.arrive $0xFFFF;
	s2 =	simm.s32 @!p0 $0x1C02  }
0x128: {  	[timem:s3], [sflag:s2] =	dma.local @!p0 [hbm:s0], s1  }
0x129: {  	s0 =	simm.s32 @!p0 $0x2  }
0x12a: {  	_ =	swait.ge @!p0 [sflag:s0], s1  }
0x12b: {  	s1 =	ssub.s32 @!p0 $0x0, s1;
	[sflag:s0] =	ssyncset.done @!p0 $0x0  }
0x12c: {  	[sflag:s0] =	ssyncadd.s32 @!p0 s1  }
0x12d: {  	[bflag:$0x3] =	sbarrier.arrive $0xFFFF  }
0x12e: {  	_ =	shalt  }

// kernel: kernel.14.cloned.1.call-start
scs
__scs_entry_jumppad:
0x0: {  	(pc) =	sbr.rel $0x88, $3  }
0x1: {  	(tag) =	ssettag $0x0;
	lr =	simm.s32 $0x1  }
0x2: {  	[smem:$0x3F99] =	sst lr;
	_ =	strace $0xD0000000  }
0x3: {  	_ = 	snop  }
0x4: {  	_ = 	snop  }
0x5: {  	_ = 	snop  }
0x6: {  	_ = 	snop  }
0x7: {  	_ = 	snop  }
__scs_overlays_trampoline_lowered:
0x8: {  	[smem:$0x3FA8] =	sst s0  }
0x9: {  	[smem:$0x3FA9] =	sst s1  }
0xa: {  	[smem:$0x3FAA] =	sst s2  }
0xb: {  	[smem:$0x3FAB] =	sst s3  }
0xc: {  	[smem:$0x3FAC] =	sst s4  }
0xd: {  	[smem:$0x3FAD] =	sst s5  }
0xe: {  	[smem:$0x3FAE] =	sst s6  }
0xf: {  	[smem:$0x3FAF] =	sst s7  }
0x10: {  	[smem:$0x3FB0] =	sst s8  }
0x11: {  	[smem:$0x3FB1] =	sst s9;
	s0 =	simm.s32 @!p0 $0x0  }
0x12: {  	s1 =	sld [smem:$0x3F97];
	s0 =	simm.s32 @p0 $0x1  }
0x13: {  	[smem:$0x3FB2] =	sst s0;
	s0 =	simm.s32 @!p1 $0x0  }
0x14: {  	s2 =	sld [smem:$0x3F96];
	s0 =	simm.s32 @p1 $0x1  }
0x15: {  	[smem:$0x3FB3] =	sst s0;
	s0 =	simm.s32 @!p2 $0x0  }
0x16: {  	s3 =	sld [smem:$0x3FDB];
	s0 =	simm.s32 @p2 $0x1  }
0x17: {  	s4 =	simm.s32 $0x1BF5;
	[smem:$0x3FB5] =	sst s0  }
0x18: {  	s0 =	sld [smem:$0x3F98];
	_ =	swait.ge [sflag:s4], $0x0  }
0x19: {  	s7 =	sld [smem:$0x3F99]  }
0x1a: {  	s8 =	sadd.s32 $0xFFFFE003, lr  }
0x1b: {  	s9 =	sadd.s32 $0xFFFFFEF7, lr;
	s5 =	simm.s32 $0xFFFFFFFF;
	p2 =	slt.u32 s8, $0xFFFFF086  }
0x1c: {  	p1 =	slt.u32 s9, $0xF7A;
	s5 =	simm.s32 @!p2 $0x0  }
0x1d: {  	s5 =	simm.s32 @p1 $0x1;
	p0 =	seq.s32 s7, s2  }
0x1e: {  	s7 =	smul.u32 @!p0 $0xF7A, s2;
	p2 =	seq.s32 @!p0 s5, $0x0  }
0x1f: {  	s9 =	smul.u32 $0xF7A, s1;
	s8 =	simm.s32 @!p0 $0x1BF5;
	p2 =	por !p2, p0  }
0x20: {  	[sflag:s8] =	ssyncset.s32 @!p0 $0xFFFFF086;
	s6 =	sadd.s32 @!p0 s3, s7;
	s7 =	simm.s32 @!p0 $0x108  }
0x21: {  	s3 =	sadd.s32 s3, s9;
	s6 =	sadd.s32 @!p0 $0x88, s6;
	s7 =	simm.s32 @p2 $0x1082  }
0x22: {  	[simem:s7], [sflag:s8] =	dma.local @!p0 [hbm:s6], $0xF7A  }
0x23: {  	s9 =	sor.u32 $0xD0000000, s2;
	s6 =	simm.s32 $0x108;
	_ =	swait.ge @!p0 [sflag:s8], $0x0  }
0x24: {  	s3 =	sadd.s32 $0x88, s3;
	s6 =	simm.s32 @!p1 $0x1082;
	[sflag:s4] =	ssyncset.s32 $0xFFFFF086  }
0x25: {  	[simem:s6], [sflag:s4] =	dma.local [hbm:s3], $0xF7A  }
0x26: {  	[smem:$0x3F99] =	sst s1;
	(tag) =	ssettag s2;
	_ =	strace s9  }
0x27: {  	s1 =	sld [smem:$0x3FA9]  }
0x28: {  	s2 =	sld [smem:$0x3FAA]  }
0x29: {  	s4 =	sld [smem:$0x3FAC]  }
0x2a: {  	p0 =	seq.s32 s5, $0x0;
	s5 =	sld [smem:$0x3FAD]  }
0x2b: {  	s6 =	sld [smem:$0x3FAE]  }
0x2c: {  	s7 =	sld [smem:$0x3FAF]  }
0x2d: {  	s3 =	simm.s32 $0x108;
	s8 =	sld [smem:$0x3FB0]  }
0x2e: {  	s3 =	simm.s32 @!p0 $0x1082;
	s9 =	sld [smem:$0x3FB1]  }
0x2f: {  	lr =	sadd.s32 s0, s3;
	s0 =	sld [smem:$0x3FA8]  }
0x30: {  	s3 =	sld [smem:$0x3FAB]  }
0x31: {  	[smem:$0x3FB4] =	sst s10  }
0x32: {  	s10 =	sld [smem:$0x3FB2];
	_ =	sdelay $0x3  }
0x33: {  	p0 =	seq.s32 s10, $0x1;
	s10 =	sld [smem:$0x3FB4];
	_ =	sdelay $0x3  }
0x34: {  	[smem:$0x3FB4] =	sst s10  }
0x35: {  	s10 =	sld [smem:$0x3FB3];
	_ =	sdelay $0x3  }
0x36: {  	p1 =	seq.s32 s10, $0x1;
	s10 =	sld [smem:$0x3FB4];
	_ =	sdelay $0x3  }
0x37: {  	[smem:$0x3FB4] =	sst s10  }
0x38: {  	s10 =	sld [smem:$0x3FB5]  }
0x39: {  	_ = 	snop;
	(pc) =	sbr.ind lr, $3  }
0x3a: {  	_ = 	snop  }
0x3b: {  	_ = 	snop  }
0x3c: {  	p2 =	seq.s32 s10, $0x1;
	s10 =	sld [smem:$0x3FB4]  }
0x3d: {  	_ =	shalt  }
0x3e: {  	_ =	shalt  }
0x3f: {  	_ =	shalt  }
0x40: {  	_ =	shalt  }
0x41: {  	_ =	shalt  }
0x42: {  	_ =	shalt  }
0x43: {  	_ =	shalt  }
0x44: {  	_ =	shalt  }
0x45: {  	_ =	shalt  }
0x46: {  	_ =	shalt  }
0x47: {  	_ =	shalt  }
0x48: {  	_ =	shalt  }
0x49: {  	_ =	shalt  }
0x4a: {  	_ =	shalt  }
0x4b: {  	_ =	shalt  }
0x4c: {  	_ =	shalt  }
0x4d: {  	_ =	shalt  }
0x4e: {  	_ =	shalt  }
0x4f: {  	_ =	shalt  }
0x50: {  	_ =	shalt  }
0x51: {  	_ =	shalt  }
0x52: {  	_ =	shalt  }
0x53: {  	_ =	shalt  }
0x54: {  	_ =	shalt  }
0x55: {  	_ =	shalt  }
0x56: {  	_ =	shalt  }
0x57: {  	_ =	shalt  }
0x58: {  	_ =	shalt  }
0x59: {  	_ =	shalt  }
0x5a: {  	_ =	shalt  }
0x5b: {  	_ =	shalt  }
0x5c: {  	_ =	shalt  }
0x5d: {  	_ =	shalt  }
0x5e: {  	_ =	shalt  }
0x5f: {  	_ =	shalt  }
0x60: {  	_ =	shalt  }
0x61: {  	_ =	shalt  }
0x62: {  	_ =	shalt  }
0x63: {  	_ =	shalt  }
0x64: {  	_ =	shalt  }
0x65: {  	_ =	shalt  }
0x66: {  	_ =	shalt  }
0x67: {  	_ =	shalt  }
0x68: {  	_ =	shalt  }
0x69: {  	_ =	shalt  }
0x6a: {  	_ =	shalt  }
0x6b: {  	_ =	shalt  }
0x6c: {  	_ =	shalt  }
0x6d: {  	_ =	shalt  }
0x6e: {  	_ =	shalt  }
0x6f: {  	_ =	shalt  }
0x70: {  	_ =	shalt  }
0x71: {  	_ =	shalt  }
0x72: {  	_ =	shalt  }
0x73: {  	_ =	shalt  }
0x74: {  	_ =	shalt  }
0x75: {  	_ =	shalt  }
0x76: {  	_ =	shalt  }
0x77: {  	_ =	shalt  }
0x78: {  	_ =	shalt  }
0x79: {  	_ =	shalt  }
0x7a: {  	_ =	shalt  }
0x7b: {  	_ =	shalt  }
0x7c: {  	_ =	shalt  }
0x7d: {  	_ =	shalt  }
0x7e: {  	_ =	shalt  }
0x7f: {  	_ =	shalt  }
0x80: {  	_ =	shalt  }
0x81: {  	_ =	shalt  }
0x82: {  	_ =	shalt  }
0x83: {  	_ =	shalt  }
0x84: {  	_ =	shalt  }
0x85: {  	_ =	shalt  }
0x86: {  	_ =	shalt  }
0x87: {  	_ =	shalt  }
.Lfunc_end0:
.L_simem_size_0:
called_computation.2_lowered:
.L_overlay_start_0:
0x88: {  	s2 =	sld [smem:$0x3FD9]  }
0x89: {  	s3 =	sld [smem:$0x3FFE];
	_ =	sdelay $0x1  }
0x8a: {  	s1 =	srdreg.scid  }
0x8b: {  	s0 =	sand.u32 $0x1, s1  }
0x8c: {  	s17 =	sshll.u32 s0, $0xA;
	s2 =	sadd.s32 s3, s2  }
0x8d: {  	s2 =	sadd.s32 s2, s17  }
0x8e: {  	[smem:$0x3FC0] =	sst s2  }
0x8f: {  	_ = 	snop  }
0x90: {  	s2 =	sld [smem:$0x3FD0];
	(tm) =	ssettm $0x1  }
0x91: {  	s18 =	sld [smem:$0x3FFB];
	_ =	sdelay $0x3  }
0x92: {  	_ =	strace s18  }
0x93: {  	s3 =	sld [smem:$0x3FFC];
	_ =	sdelay $0x3  }
0x94: {  	_ =	strace s3  }
0x95: {  	s3 =	sld [smem:$0x3FFD];
	_ =	sdelay $0x3  }
0x96: {  	_ =	strace s3  }
0x97: {  	_ =	strace $0x8FFFFFFF  }
0x98: {  	s19 =	sld [smem:$0x3FDB];
	_ =	sdelay $0x1  }
0x99: {  	s4 =	simm.s32 $_scs_section_size  }
0x9a: {  	s5 =	simm.s32 $_size__tile_overlayer_lowered;
	s6 =	simm.s32 $_tile_overlayer_lowered  }
0x9b: {  	s22 =	simm.s32 $0x1BFF;
	s21 =	sshll.u32 s6, $0x1;
	s3 =	sadd.s32 s4, s19  }
0x9c: {  	s7 =	simm.s32 $0x0;
	s20 =	sshll.u32 s5, $0x1;
	s5 =	sadd.s32 s21, s3  }
0x9d: {  	[timem:s7], [sflag:s22] =	dma.local [hbm:s5], s20  }
0x9e: {  	_ =	swait.ge [sflag:s22], s20  }
0x9f: {  	s4 =	ssub.s32 $0x0, s20;
	[sflag:s22] =	ssyncset.done $0x0  }
0xa0: {  	[sflag:s22] =	ssyncadd.s32 s4;
	_ =	sdelay $0x1  }
0xa1: {  	s23 =	simm.s32 $0x1B8B  }
0xa2: {  	_ =	swait.ge [sflag:s23], $0x1  }
0xa3: {  	[sflag:s23] =	ssyncset.done $0x0  }
0xa4: {  	s25 =	simm.s32 $0x1B8E;
	s24 =	sld [smem:$0x3FFE];
	[sflag:s23] =	ssyncadd.s32 $0xFFFFFFFF  }
0xa5: {  	s26 =	simm.s32 $execute0_lowered;
	[smem:$0x3FD2] =	sst s25  }
0xa6: {  	s5 =	sshll.u32 s26, $0x1;
	_ =	strace $0x8000004C;
	[dreg:$0x1] =	wrdreg $0xFFFFFFFF  }
0xa7: {  	s28 =	simm.s32 $_size_execute0_lowered;
	s3 =	sadd.s32 s3, s5;
	[dreg:$0x0] =	wrdreg $0x0  }
0xa8: {  	s5 =	sshll.u32 s28, $0x1;
	[dreg:$0x2] =	wrdreg s3  }
0xa9: {  	[dreg:$0x3] =	wrdreg s5  }
0xaa: {  	[dreg:$0x4] =	wrdreg $0xC0  }
0xab: {  	_ =	task [dreg:s7], $0x5FFFF  }
0xac: {  	[dreg:$0x1] =	wrdreg $0xFFFFFFFF  }
0xad: {  	[dreg:$0x0] =	wrdreg $0x60  }
0xae: {  	[dreg:$0x2] =	wrdreg s24  }
0xaf: {  	[dreg:$0x3] =	wrdreg s2  }
0xb0: {  	[dreg:$0x4] =	wrdreg $0x50000  }
0xb1: {  	[dreg:$0x5] =	wrdreg $0x9  }
0xb2: {  	_ =	task.clear_ibuf [dreg:s7], $0x6FFFF;
	_ =	strace $0x9000004C  }
0xb3: {  	s29 =	simm.s32 $0x9;
	_ =	strace $0x8000004E  }
0xb4: {  	_ =	swait.ge [sflag:s29], $0x1  }
0xb5: {  	[sflag:s29] =	ssyncadd.s32 $0xFFFFFFFF  }
0xb6: {  	_ =	strace $0x9000004E  }
0xb7: {  	_ =	sfence  }
0xb8: {  	s30 =	sld [smem:$0x0];
	_ =	sdelay $0x2  }
0xb9: {  	s31 =	sshll.u32 s1, $0xD;
	s1 =	sshrl.u32 s1, $0x2  }
0xba: {  	s3 =	sand.u32 $0x4000, s31;
	s1 =	sadd.s32 s1, s30  }
0xbb: {  	s0 =	sor.u32 s3, s0;
	s1 =	sshll.u32 s1, $0x11  }
0xbc: {  	s0 =	sor.u32 s1, s0  }
0xbd: {  	s0 =	sadd.s32 $0x8F2B, s0  }
0xbe: {  	[sflag:s0] =	ssyncadd.remote.s32 $0x1  }
0xbf: {  	_ =	sfence.sel $0xFFFF  }
0xc0: {  	[dreg:$0x0] =	wrdreg $0xFFFFFFFF;
	(pc) =	sbr.abs _section_cstart, $3  }
0xc1: {  	[dreg:$0x1] =	wrdreg $0xFFFFFFFF  }
0xc2: {  	_ =	task.clear_ibuf [dreg:s7], $0x2FFFF;
	_ =	strace $0x9FFFFFFF  }
0xc3: {  	(tm) =	ssettm $0x7FFFFFFF  }
tec
execute0_lowered:
.L_overlay_start_1:
0x0: {  	(tag) =	ssettag $0x1  }
0x1: {  	s6 =	rddreg [dreg:$0x0]  }
0x2: {  	s14 =	rddreg [dreg:$0x1]  }
0x3: {  	s1 =	rddreg [dreg:$0x2];
	s3 =	simm.s32 $0x0;
	s4 =	srdreg.scid  }
0x4: {  	s0 =	stileid.u32;
	s21 =	simm.s32 $0x800;
	s22 =	simm.s32 $0x1  }
0x5: {  	s23 =	simm.s32 $0x80;
	s24 =	simm.s32 $0x1000;
	s7 =	smul.u32 $0x4E000, s0  }
0x6: {  	s25 =	simm.s32 $0x0;
	[smem:$0x7FF] =	sst s3;
	s9 =	smul.u32 $0x2700, s0  }
0x7: {  	s16 =	sand.u32 $0x1, s4;
	s4 =	sadd.s32 $0x29400, s6;
	s13 =	smul.u32 $0x13800, s0  }
0x8: {  	s15 =	sadd.s32 $0x77E00, s6;
	s12 =	sadd.s32 $0x81E00, s6;
	s20 =	smul.u32 $0x2800, s0  }
0x9: {  	s31 =	sshll.u32 s0, $0x6;
	p1 =	seq.s32 s0, $0xF;
	p2 =	sne.s32 s0, $0xF  }
0xa: {  	_ =	strace $0x8000004D;
	s5 =	sshll.u32 s16, $0x4;
	s11 =	smul.u32 $0x138800, s16  }
0xb: {  	s28 =	ssub.s32 $0x2, s16;
	s19 =	smul.u32 $0x28000, s16;
	p0 =	sne.s32 s16, $0x0  }
0xc: {  	s16 =	sor.u32 $0x1C02, s31;
	s8 =	sor.u32 s0, s5;
	s5 =	sadd.s32 $0x2200, s6  }
0xd: {  	s10 =	sshrl.u32 s28, $0x1;
	s7 =	sshrl.u32 s7, $0x2;
	s8 =	smul.u32 $0x2800, s8  }
0xe: {  	s17 =	ssub.s32 s28, s10;
	s18 =	sadd.s32 s7, s1;
	s6 =	sadd.s32 s5, s9  }
0xf: {  	s7 =	sadd.s32 $0x138000, s1;
	s13 =	sadd.s32 s13, s11;
	s19 =	sadd.s32 s20, s19  }
0x10: {  	s30 =	sshrl.u32 s11, $0x3;
	s20 =	simm.s32 $0x1FC2;
	s13 =	sshrl.u32 s13, $0x3  }
0x11: {  	s19 =	sor.u32 $0x400, s19;
	s29 =	sshrl.u32 s8, $0x3;
	s8 =	sadd.s32 s4, s9  }
0x12: {  	s11 =	sadd.s32 s12, s13;
	s12 =	sadd.s32 s12, s30;
	s19 =	sshrl.u32 s19, $0x3  }
0x13: {  	s13 =	smax.u32 s17, $0x1;
	s17 =	sshrl.u32 s18, $0x3;
	s18 =	simm.s32 $0x2  }
0x14: {  	s9 =	sadd.s32 s15, s29;
	s10 =	sadd.s32 s14, s29;
	s12 =	sadd.s32 $0x27000, s12  }
0x15: {  	s14 =	sadd.s32 s19, s14;
	s15 =	sadd.s32 s19, s15;
	s19 =	sshrl.u32 s7, $0x3  }
.LBB2_1:
.Ltmp0:
0x16: {  	(pc) =	sbr.rel @p0 .LBB2_3-.Ltmp0, $1  }
0x17: {  	_ =	sdelay $0x3  }
0x18: {  	[spmem:s17], [sflag:s16] =	dma.local [hbm:s8], $0x2700  }
.Ltmp1:
0x19: {  	_ = 	snop;
	(pc) =	sbr.rel @p1 .LBB2_4-.Ltmp1, $4  }
.Ltmp2:
0x1a: {  	_ = 	snop;
	(pc) =	sbr.rel @!p1 .LBB2_5-.Ltmp2, $4  }
0x1b: {  	_ =	swait.ge [sflag:s18], $0x2700  }
0x1c: {  	[sflag:s18] =	ssyncset.done $0x0  }
0x1d: {  	p3 =	por $0x0, $0x0;
	s26 =	smov.u32 s4;
	[sflag:s18] =	ssyncadd.s32 $0xFFFFD900  }
0x1e: {  	_ = 	snop  }
.LBB2_3:
.Ltmp3:
0x1f: {  	(pc) =	sbr.rel @p2 .LBB2_5-.Ltmp3, $4  }
0x20: {  	[spmem:s17], [sflag:s16] =	dma.local [hbm:s6], $0x2700  }
0x21: {  	_ =	swait.ge [sflag:s18], $0x2700  }
0x22: {  	[sflag:s18] =	ssyncset.done $0x0  }
0x23: {  	p3 =	por $0x0, $0x0;
	s26 =	smov.u32 s5;
	[sflag:s18] =	ssyncadd.s32 $0xFFFFD900  }
.LBB2_4:
0x24: {  	s26 =	sadd.s32 $0x27000, s26  }
0x25: {  	[spmem:s19], [sflag:s20] =	dma.local [hbm:s26], $0x100  }
0x26: {  	_ =	swait.ge [sflag:s18], $0x100  }
0x27: {  	[sflag:s18] =	ssyncset.done $0x0  }
0x28: {  	p3 =	por $0x1, $0x1;
	[sflag:s18] =	ssyncadd.s32 $0xFFFFFF00  }
.LBB2_5:
0x29: {  	[tilespmem:s3], [sflag:$0x1] =	stream.linear.gather [hbm4b:s9+s3], $0x400, $0x38;
	[tilespmem:$0x18900] =	vst v63  }
0x2a: {  	_ = 	snop  }
0x2b: {  	[tilespmem:s21], [sflag:$0x1] =	stream.linear.gather [hbm4b:s10+s3], $0x400, $0x38;
	[tilespmem:$0x18900] =	vst v63  }
0x2c: {  	[bflag:$0x0] =	sbarrier.arrive $0xFFFF  }
0x2d: {  	_ =	swait.ge [sflag:s22], $0x400  }
0x2e: {  	[sflag:s22] =	ssyncset.done $0x0  }
0x2f: {  	[sflag:s22] =	ssyncadd.s32 $0xFFFFFC00  }
0x30: {  	_ =	swait.ge [sflag:s22], $0x400  }
0x31: {  	s26 =	simm.s32 $0x400;
	p4 =	por $0x0, $0x0;
	[sflag:s22] =	ssyncset.done $0x0  }
0x32: {  	s26 =	sand.u32 @!p4 $0x400, s26;
	s28 =	simm.s32 @!p4 $0x0;
	[sflag:s22] =	ssyncadd.s32 $0xFFFFFC00  }
0x33: {  	[tilespmem:s26], [sflag:$0x1] =	stream.linear.gather @!p4 [hbm4b:s15+s28], $0x400, $0x38;
	[tilespmem:$0x18900] =	vst v63  }
0x34: {  	s29 =	simm.s32 $0x0;
	s26 =	sor.u32 @!p4 $0x800, s26  }
0x35: {  	[tilespmem:s26], [sflag:$0x1] =	stream.linear.gather @!p4 [hbm4b:s14+s28], $0x400, $0x38;
	[tilespmem:$0x18900] =	vst v63  }
0x36: {  	s28 =	sand.u32 $0x400, s29  }
0x37: {  	[tilespmem:s24], [sflag:$0x2] =	stream.indirect.gather [hbm4b:s4+s23], $0x80, s28, s23, $0xb8;
	[tilespmem:$0x18900] =	vst v63  }
0x38: {  	_ =	swait.ge [sflag:s18], $0x4000  }
0x39: {  	[sflag:s18] =	ssyncset.done $0x0  }
0x3a: {  	s2 =	sor.u32 $0x800, s28;
	[sflag:s18] =	ssyncadd.s32 $0xFFFFC000  }
0x3b: {  	[spmem:s1] =	stream.indirect.scatter.add.f32 [tilespmem:s24], [sflag:$0x2], $0x80, s2, s23, $0xb8;
	[tilespmem:$0x18900] =	vst v63  }
0x3c: {  	_ =	swait.ge [sflag:s18], $0x4000  }
0x3d: {  	[sflag:s18] =	ssyncset.done $0x0  }
0x3e: {  	s31 =	sor.u32 $0x80, s28;
	[sflag:s18] =	ssyncadd.s32 $0xFFFFC000  }
0x3f: {  	[tilespmem:s24], [sflag:$0x2] =	stream.indirect.gather [hbm4b:s4+s23], $0x80, s31, s23, $0xb8;
	[tilespmem:$0x18900] =	vst v63  }
0x40: {  	_ =	swait.ge [sflag:s18], $0x4000  }
0x41: {  	[sflag:s18] =	ssyncset.done $0x0  }
0x42: {  	s0 =	sor.u32 $0x880, s28;
	[sflag:s18] =	ssyncadd.s32 $0xFFFFC000  }
0x43: {  	[spmem:s1] =	stream.indirect.scatter.add.f32 [tilespmem:s24], [sflag:$0x2], $0x80, s0, s23, $0xb8;
	[tilespmem:$0x18900] =	vst v63  }
0x44: {  	_ =	swait.ge [sflag:s18], $0x4000  }
0x45: {  	[sflag:s18] =	ssyncset.done $0x0  }
0x46: {  	s2 =	sor.u32 $0x100, s28;
	[sflag:s18] =	ssyncadd.s32 $0xFFFFC000  }
0x47: {  	[tilespmem:s24], [sflag:$0x2] =	stream.indirect.gather [hbm4b:s4+s23], $0x80, s2, s23, $0xb8;
	[tilespmem:$0x18900] =	vst v63  }
0x48: {  	_ =	swait.ge [sflag:s18], $0x4000  }
0x49: {  	[sflag:s18] =	ssyncset.done $0x0  }
0x4a: {  	s31 =	sor.u32 $0x900, s28;
	[sflag:s18] =	ssyncadd.s32 $0xFFFFC000  }
0x4b: {  	[spmem:s1] =	stream.indirect.scatter.add.f32 [tilespmem:s24], [sflag:$0x2], $0x80, s31, s23, $0xb8;
	[tilespmem:$0x18900] =	vst v63  }
0x4c: {  	_ =	swait.ge [sflag:s18], $0x4000  }
0x4d: {  	[sflag:s18] =	ssyncset.done $0x0  }
0x4e: {  	s0 =	sor.u32 $0x180, s28;
	[sflag:s18] =	ssyncadd.s32 $0xFFFFC000  }
0x4f: {  	[tilespmem:s24], [sflag:$0x2] =	stream.indirect.gather [hbm4b:s4+s23], $0x80, s0, s23, $0xb8;
	[tilespmem:$0x18900] =	vst v63  }
0x50: {  	_ =	swait.ge [sflag:s18], $0x4000  }
0x51: {  	[sflag:s18] =	ssyncset.done $0x0  }
0x52: {  	s2 =	sor.u32 $0x980, s28;
	[sflag:s18] =	ssyncadd.s32 $0xFFFFC000  }
0x53: {  	[spmem:s1] =	stream.indirect.scatter.add.f32 [tilespmem:s24], [sflag:$0x2], $0x80, s2, s23, $0xb8;
	[tilespmem:$0x18900] =	vst v63  }
0x54: {  	_ =	swait.ge [sflag:s18], $0x4000  }
0x55: {  	[sflag:s18] =	ssyncset.done $0x0  }
0x56: {  	s31 =	sor.u32 $0x200, s28;
	[sflag:s18] =	ssyncadd.s32 $0xFFFFC000  }
0x57: {  	[tilespmem:s24], [sflag:$0x2] =	stream.indirect.gather [hbm4b:s4+s23], $0x80, s31, s23, $0xb8;
	[tilespmem:$0x18900] =	vst v63  }
0x58: {  	_ =	swait.ge [sflag:s18], $0x4000  }
0x59: {  	[sflag:s18] =	ssyncset.done $0x0  }
0x5a: {  	s0 =	sor.u32 $0xA00, s28;
	[sflag:s18] =	ssyncadd.s32 $0xFFFFC000  }
0x5b: {  	[spmem:s1] =	stream.indirect.scatter.add.f32 [tilespmem:s24], [sflag:$0x2], $0x80, s0, s23, $0xb8;
	[tilespmem:$0x18900] =	vst v63  }
0x5c: {  	_ =	swait.ge [sflag:s18], $0x4000  }
0x5d: {  	[sflag:s18] =	ssyncset.done $0x0  }
0x5e: {  	s2 =	sor.u32 $0x280, s28;
	[sflag:s18] =	ssyncadd.s32 $0xFFFFC000  }
0x5f: {  	[tilespmem:s24], [sflag:$0x2] =	stream.indirect.gather [hbm4b:s4+s23], $0x80, s2, s23, $0xb8;
	[tilespmem:$0x18900] =	vst v63  }
0x60: {  	_ =	swait.ge [sflag:s18], $0x4000  }
0x61: {  	[sflag:s18] =	ssyncset.done $0x0  }
0x62: {  	s31 =	sor.u32 $0xA80, s28;
	[sflag:s18] =	ssyncadd.s32 $0xFFFFC000  }
0x63: {  	[spmem:s1] =	stream.indirect.scatter.add.f32 [tilespmem:s24], [sflag:$0x2], $0x80, s31, s23, $0xb8;
	[tilespmem:$0x18900] =	vst v63  }
0x64: {  	_ =	swait.ge [sflag:s18], $0x4000  }
0x65: {  	[sflag:s18] =	ssyncset.done $0x0  }
0x66: {  	s0 =	sor.u32 $0x300, s28;
	[sflag:s18] =	ssyncadd.s32 $0xFFFFC000  }
0x67: {  	[tilespmem:s24], [sflag:$0x2] =	stream.indirect.gather [hbm4b:s4+s23], $0x80, s0, s23, $0xb8;
	[tilespmem:$0x18900] =	vst v63  }
0x68: {  	_ =	swait.ge [sflag:s18], $0x4000  }
0x69: {  	[sflag:s18] =	ssyncset.done $0x0  }
0x6a: {  	s2 =	sor.u32 $0xB00, s28;
	[sflag:s18] =	ssyncadd.s32 $0xFFFFC000  }
0x6b: {  	[spmem:s1] =	stream.indirect.scatter.add.f32 [tilespmem:s24], [sflag:$0x2], $0x80, s2, s23, $0xb8;
	[tilespmem:$0x18900] =	vst v63  }
0x6c: {  	_ =	swait.ge [sflag:s18], $0x4000  }
0x6d: {  	[sflag:s18] =	ssyncset.done $0x0  }
0x6e: {  	s26 =	simm.s32 @!p4 $0x1;
	[sflag:s18] =	ssyncadd.s32 $0xFFFFC000  }
0x6f: {  	_ =	swait.ge @!p4 [sflag:s26], $0x400  }
0x70: {  	[sflag:s26] =	ssyncset.done @!p4 $0x0  }
0x71: {  	[sflag:s26] =	ssyncadd.s32 @!p4 $0xFFFFFC00  }
0x72: {  	_ =	swait.ge @!p4 [sflag:s26], $0x400  }
0x73: {  	[sflag:s26] =	ssyncset.done @!p4 $0x0  }
0x74: {  	s31 =	sor.u32 $0x380, s28;
	[sflag:s26] =	ssyncadd.s32 @!p4 $0xFFFFFC00  }
0x75: {  	[tilespmem:s24], [sflag:$0x2] =	stream.indirect.gather [hbm4b:s4+s23], $0x80, s31, s23, $0xb8;
	[tilespmem:$0x18900] =	vst v63  }
0x76: {  	_ =	swait.ge [sflag:s18], $0x4000  }
0x77: {  	[sflag:s18] =	ssyncset.done $0x0  }
0x78: {  	s30 =	simm.s32 $0xC00;
	s28 =	sor.u32 $0xB80, s28;
	[sflag:s18] =	ssyncadd.s32 $0xFFFFC000  }
0x79: {  	[spmem:s1] =	stream.indirect.scatter.add.f32 [tilespmem:s24], [sflag:$0x2], $0x80, s28, s23, $0xb8;
	[tilespmem:$0x18900] =	vst v63  }
0x7a: {  	s29 =	sadd.s32 $0x80, s14;
	s26 =	simm.s32 $0x800;
	_ =	swait.ge [sflag:s18], $0x4000  }
0x7b: {  	p4 =	por $0x0, $0x0;
	s28 =	sadd.s32 $0x80, s15;
	[sflag:s18] =	ssyncset.done $0x0  }
.LBB2_6:
0x7c: {  	s31 =	sand.u32 @!p4 $0x400, s26  }
0x7d: {  	s0 =	simm.s32 @!p4 $0x0;
	[sflag:s18] =	ssyncadd.s32 $0xFFFFC000;
	s2 =	smov.u32 s30  }
0x7e: {  	[tilespmem:s31], [sflag:$0x1] =	stream.linear.gather @!p4 [hbm4b:s28+s0], $0x400, $0x38;
	[tilespmem:$0x18900] =	vst v63  }
0x7f: {  	s30 =	sadd.s32 $0x400, s30;
	s26 =	sadd.s32 $0xFFFFFC00, s26;
	s31 =	sor.u32 @!p4 $0x800, s31  }
0x80: {  	[tilespmem:s31], [sflag:$0x1] =	stream.linear.gather @!p4 [hbm4b:s29+s0], $0x400, $0x38;
	[tilespmem:$0x18900] =	vst v63  }
0x81: {  	p5 =	sne.s32 s30, $0x2C00;
	s31 =	sand.u32 $0x400, s26;
	s26 =	smov.u32 s2  }
0x82: {  	[tilespmem:s24], [sflag:$0x2] =	stream.indirect.gather [hbm4b:s4+s23], $0x80, s31, s23, $0xb8;
	[tilespmem:$0x18900] =	vst v63  }
0x83: {  	_ =	swait.ge [sflag:s18], $0x4000  }
0x84: {  	[sflag:s18] =	ssyncset.done $0x0  }
0x85: {  	s0 =	sor.u32 $0x800, s31;
	[sflag:s18] =	ssyncadd.s32 $0xFFFFC000  }
0x86: {  	[spmem:s1] =	stream.indirect.scatter.add.f32 [tilespmem:s24], [sflag:$0x2], $0x80, s0, s23, $0xb8;
	[tilespmem:$0x18900] =	vst v63  }
0x87: {  	_ =	swait.ge [sflag:s18], $0x4000  }
0x88: {  	[sflag:s18] =	ssyncset.done $0x0  }
0x89: {  	s0 =	sor.u32 $0x80, s31;
	[sflag:s18] =	ssyncadd.s32 $0xFFFFC000  }
0x8a: {  	[tilespmem:s24], [sflag:$0x2] =	stream.indirect.gather [hbm4b:s4+s23], $0x80, s0, s23, $0xb8;
	[tilespmem:$0x18900] =	vst v63  }
0x8b: {  	_ =	swait.ge [sflag:s18], $0x4000  }
0x8c: {  	[sflag:s18] =	ssyncset.done $0x0  }
0x8d: {  	s0 =	sor.u32 $0x880, s31;
	[sflag:s18] =	ssyncadd.s32 $0xFFFFC000  }
0x8e: {  	[spmem:s1] =	stream.indirect.scatter.add.f32 [tilespmem:s24], [sflag:$0x2], $0x80, s0, s23, $0xb8;
	[tilespmem:$0x18900] =	vst v63  }
0x8f: {  	_ =	swait.ge [sflag:s18], $0x4000  }
0x90: {  	[sflag:s18] =	ssyncset.done $0x0  }
0x91: {  	s0 =	sor.u32 $0x100, s31;
	[sflag:s18] =	ssyncadd.s32 $0xFFFFC000  }
0x92: {  	[tilespmem:s24], [sflag:$0x2] =	stream.indirect.gather [hbm4b:s4+s23], $0x80, s0, s23, $0xb8;
	[tilespmem:$0x18900] =	vst v63  }
0x93: {  	_ =	swait.ge [sflag:s18], $0x4000  }
0x94: {  	[sflag:s18] =	ssyncset.done $0x0  }
0x95: {  	s0 =	sor.u32 $0x900, s31;
	[sflag:s18] =	ssyncadd.s32 $0xFFFFC000  }
0x96: {  	[spmem:s1] =	stream.indirect.scatter.add.f32 [tilespmem:s24], [sflag:$0x2], $0x80, s0, s23, $0xb8;
	[tilespmem:$0x18900] =	vst v63  }
0x97: {  	_ =	swait.ge [sflag:s18], $0x4000  }
0x98: {  	[sflag:s18] =	ssyncset.done $0x0  }
0x99: {  	s0 =	sor.u32 $0x180, s31;
	[sflag:s18] =	ssyncadd.s32 $0xFFFFC000  }
0x9a: {  	[tilespmem:s24], [sflag:$0x2] =	stream.indirect.gather [hbm4b:s4+s23], $0x80, s0, s23, $0xb8;
	[tilespmem:$0x18900] =	vst v63  }
0x9b: {  	_ =	swait.ge [sflag:s18], $0x4000  }
0x9c: {  	[sflag:s18] =	ssyncset.done $0x0  }
0x9d: {  	s0 =	sor.u32 $0x980, s31;
	[sflag:s18] =	ssyncadd.s32 $0xFFFFC000  }
0x9e: {  	[spmem:s1] =	stream.indirect.scatter.add.f32 [tilespmem:s24], [sflag:$0x2], $0x80, s0, s23, $0xb8;
	[tilespmem:$0x18900] =	vst v63  }
0x9f: {  	_ =	swait.ge [sflag:s18], $0x4000  }
0xa0: {  	[sflag:s18] =	ssyncset.done $0x0  }
0xa1: {  	s0 =	sor.u32 $0x200, s31;
	[sflag:s18] =	ssyncadd.s32 $0xFFFFC000  }
0xa2: {  	[tilespmem:s24], [sflag:$0x2] =	stream.indirect.gather [hbm4b:s4+s23], $0x80, s0, s23, $0xb8;
	[tilespmem:$0x18900] =	vst v63  }
0xa3: {  	_ =	swait.ge [sflag:s18], $0x4000  }
0xa4: {  	[sflag:s18] =	ssyncset.done $0x0  }
0xa5: {  	s0 =	sor.u32 $0xA00, s31;
	[sflag:s18] =	ssyncadd.s32 $0xFFFFC000  }
0xa6: {  	[spmem:s1] =	stream.indirect.scatter.add.f32 [tilespmem:s24], [sflag:$0x2], $0x80, s0, s23, $0xb8;
	[tilespmem:$0x18900] =	vst v63  }
0xa7: {  	_ =	swait.ge [sflag:s18], $0x4000  }
0xa8: {  	[sflag:s18] =	ssyncset.done $0x0  }
0xa9: {  	s0 =	sor.u32 $0x280, s31;
	[sflag:s18] =	ssyncadd.s32 $0xFFFFC000  }
0xaa: {  	[tilespmem:s24], [sflag:$0x2] =	stream.indirect.gather [hbm4b:s4+s23], $0x80, s0, s23, $0xb8;
	[tilespmem:$0x18900] =	vst v63  }
0xab: {  	_ =	swait.ge [sflag:s18], $0x4000  }
0xac: {  	[sflag:s18] =	ssyncset.done $0x0  }
0xad: {  	s0 =	sor.u32 $0xA80, s31;
	[sflag:s18] =	ssyncadd.s32 $0xFFFFC000  }
0xae: {  	[spmem:s1] =	stream.indirect.scatter.add.f32 [tilespmem:s24], [sflag:$0x2], $0x80, s0, s23, $0xb8;
	[tilespmem:$0x18900] =	vst v63  }
0xaf: {  	_ =	swait.ge [sflag:s18], $0x4000  }
0xb0: {  	[sflag:s18] =	ssyncset.done $0x0  }
0xb1: {  	s0 =	sor.u32 $0x300, s31;
	[sflag:s18] =	ssyncadd.s32 $0xFFFFC000  }
0xb2: {  	[tilespmem:s24], [sflag:$0x2] =	stream.indirect.gather [hbm4b:s4+s23], $0x80, s0, s23, $0xb8;
	[tilespmem:$0x18900] =	vst v63  }
0xb3: {  	_ =	swait.ge [sflag:s18], $0x4000  }
0xb4: {  	[sflag:s18] =	ssyncset.done $0x0  }
0xb5: {  	s0 =	sor.u32 $0xB00, s31;
	[sflag:s18] =	ssyncadd.s32 $0xFFFFC000  }
0xb6: {  	[spmem:s1] =	stream.indirect.scatter.add.f32 [tilespmem:s24], [sflag:$0x2], $0x80, s0, s23, $0xb8;
	[tilespmem:$0x18900] =	vst v63  }
0xb7: {  	_ =	swait.ge [sflag:s18], $0x4000  }
0xb8: {  	[sflag:s18] =	ssyncset.done $0x0  }
0xb9: {  	s0 =	simm.s32 @!p4 $0x1;
	[sflag:s18] =	ssyncadd.s32 $0xFFFFC000  }
0xba: {  	_ =	swait.ge @!p4 [sflag:s0], $0x400  }
0xbb: {  	[sflag:s0] =	ssyncset.done @!p4 $0x0  }
0xbc: {  	[sflag:s0] =	ssyncadd.s32 @!p4 $0xFFFFFC00  }
0xbd: {  	_ =	swait.ge @!p4 [sflag:s0], $0x400  }
0xbe: {  	[sflag:s0] =	ssyncset.done @!p4 $0x0  }
0xbf: {  	[sflag:s0] =	ssyncadd.s32 @!p4 $0xFFFFFC00;
	s0 =	sor.u32 $0x380, s31  }
0xc0: {  	[tilespmem:s24], [sflag:$0x2] =	stream.indirect.gather [hbm4b:s4+s23], $0x80, s0, s23, $0xb8;
	[tilespmem:$0x18900] =	vst v63  }
0xc1: {  	_ =	swait.ge [sflag:s18], $0x4000  }
.Ltmp4:
0xc2: {  	[sflag:s18] =	ssyncset.done $0x0;
	(pc) =	sbr.rel @p5 .LBB2_6-.Ltmp4, $4  }
0xc3: {  	s0 =	sor.u32 $0xB80, s31;
	[sflag:s18] =	ssyncadd.s32 $0xFFFFC000  }
0xc4: {  	[spmem:s1] =	stream.indirect.scatter.add.f32 [tilespmem:s24], [sflag:$0x2], $0x80, s0, s23, $0xb8;
	[tilespmem:$0x18900] =	vst v63  }
0xc5: {  	s28 =	sadd.s32 $0x80, s28;
	_ =	swait.ge [sflag:s18], $0x4000  }
0xc6: {  	s29 =	sadd.s32 $0x80, s29;
	p4 =	seq.s32 s26, $0x2800;
	[sflag:s18] =	ssyncset.done $0x0  }
0xc7: {  	s0 =	sand.u32 @!p4 $0x400, s26;
	s2 =	simm.s32 @!p4 $0x0;
	[sflag:s18] =	ssyncadd.s32 $0xFFFFC000  }
0xc8: {  	[tilespmem:s0], [sflag:$0x1] =	stream.linear.gather @!p4 [hbm4b:s28+s2], $0x400, $0x38;
	[tilespmem:$0x18900] =	vst v63  }
0xc9: {  	s31 =	sadd.s32 $0xFFFFFC00, s26;
	s0 =	sor.u32 @!p4 $0x800, s0  }
0xca: {  	[tilespmem:s0], [sflag:$0x1] =	stream.linear.gather @!p4 [hbm4b:s29+s2], $0x400, $0x38;
	[tilespmem:$0x18900] =	vst v63  }
0xcb: {  	s26 =	sand.u32 $0x400, s31  }
0xcc: {  	[tilespmem:s24], [sflag:$0x2] =	stream.indirect.gather [hbm4b:s4+s23], $0x80, s26, s23, $0xb8;
	[tilespmem:$0x18900] =	vst v63  }
0xcd: {  	_ =	swait.ge [sflag:s18], $0x4000  }
0xce: {  	[sflag:s18] =	ssyncset.done $0x0  }
0xcf: {  	s2 =	sor.u32 $0x800, s26;
	[sflag:s18] =	ssyncadd.s32 $0xFFFFC000  }
0xd0: {  	[spmem:s1] =	stream.indirect.scatter.add.f32 [tilespmem:s24], [sflag:$0x2], $0x80, s2, s23, $0xb8;
	[tilespmem:$0x18900] =	vst v63  }
0xd1: {  	_ =	swait.ge [sflag:s18], $0x4000  }
0xd2: {  	[sflag:s18] =	ssyncset.done $0x0  }
0xd3: {  	s28 =	sor.u32 $0x80, s26;
	[sflag:s18] =	ssyncadd.s32 $0xFFFFC000  }
0xd4: {  	[tilespmem:s24], [sflag:$0x2] =	stream.indirect.gather [hbm4b:s4+s23], $0x80, s28, s23, $0xb8;
	[tilespmem:$0x18900] =	vst v63  }
0xd5: {  	_ =	swait.ge [sflag:s18], $0x4000  }
0xd6: {  	[sflag:s18] =	ssyncset.done $0x0  }
0xd7: {  	s29 =	sor.u32 $0x880, s26;
	[sflag:s18] =	ssyncadd.s32 $0xFFFFC000  }
0xd8: {  	[spmem:s1] =	stream.indirect.scatter.add.f32 [tilespmem:s24], [sflag:$0x2], $0x80, s29, s23, $0xb8;
	[tilespmem:$0x18900] =	vst v63  }
0xd9: {  	_ =	swait.ge [sflag:s18], $0x4000  }
0xda: {  	[sflag:s18] =	ssyncset.done $0x0  }
0xdb: {  	s30 =	sor.u32 $0x100, s26;
	[sflag:s18] =	ssyncadd.s32 $0xFFFFC000  }
0xdc: {  	[tilespmem:s24], [sflag:$0x2] =	stream.indirect.gather [hbm4b:s4+s23], $0x80, s30, s23, $0xb8;
	[tilespmem:$0x18900] =	vst v63  }
0xdd: {  	_ =	swait.ge [sflag:s18], $0x4000  }
0xde: {  	[sflag:s18] =	ssyncset.done $0x0  }
0xdf: {  	s31 =	sor.u32 $0x900, s26;
	[sflag:s18] =	ssyncadd.s32 $0xFFFFC000  }
0xe0: {  	[spmem:s1] =	stream.indirect.scatter.add.f32 [tilespmem:s24], [sflag:$0x2], $0x80, s31, s23, $0xb8;
	[tilespmem:$0x18900] =	vst v63  }
0xe1: {  	_ =	swait.ge [sflag:s18], $0x4000  }
0xe2: {  	[sflag:s18] =	ssyncset.done $0x0  }
0xe3: {  	s2 =	sor.u32 $0x180, s26;
	[sflag:s18] =	ssyncadd.s32 $0xFFFFC000  }
0xe4: {  	[tilespmem:s24], [sflag:$0x2] =	stream.indirect.gather [hbm4b:s4+s23], $0x80, s2, s23, $0xb8;
	[tilespmem:$0x18900] =	vst v63  }
0xe5: {  	_ =	swait.ge [sflag:s18], $0x4000  }
0xe6: {  	[sflag:s18] =	ssyncset.done $0x0  }
0xe7: {  	s28 =	sor.u32 $0x980, s26;
	[sflag:s18] =	ssyncadd.s32 $0xFFFFC000  }
0xe8: {  	[spmem:s1] =	stream.indirect.scatter.add.f32 [tilespmem:s24], [sflag:$0x2], $0x80, s28, s23, $0xb8;
	[tilespmem:$0x18900] =	vst v63  }
0xe9: {  	_ =	swait.ge [sflag:s18], $0x4000  }
0xea: {  	[sflag:s18] =	ssyncset.done $0x0  }
0xeb: {  	s29 =	sor.u32 $0x200, s26;
	[sflag:s18] =	ssyncadd.s32 $0xFFFFC000  }
0xec: {  	[tilespmem:s24], [sflag:$0x2] =	stream.indirect.gather [hbm4b:s4+s23], $0x80, s29, s23, $0xb8;
	[tilespmem:$0x18900] =	vst v63  }
0xed: {  	_ =	swait.ge [sflag:s18], $0x4000  }
0xee: {  	[sflag:s18] =	ssyncset.done $0x0  }
0xef: {  	s30 =	sor.u32 $0xA00, s26;
	[sflag:s18] =	ssyncadd.s32 $0xFFFFC000  }
0xf0: {  	[spmem:s1] =	stream.indirect.scatter.add.f32 [tilespmem:s24], [sflag:$0x2], $0x80, s30, s23, $0xb8;
	[tilespmem:$0x18900] =	vst v63  }
0xf1: {  	_ =	swait.ge [sflag:s18], $0x4000  }
0xf2: {  	[sflag:s18] =	ssyncset.done $0x0  }
0xf3: {  	s31 =	sor.u32 $0x280, s26;
	[sflag:s18] =	ssyncadd.s32 $0xFFFFC000  }
0xf4: {  	[tilespmem:s24], [sflag:$0x2] =	stream.indirect.gather [hbm4b:s4+s23], $0x80, s31, s23, $0xb8;
	[tilespmem:$0x18900] =	vst v63  }
0xf5: {  	_ =	swait.ge [sflag:s18], $0x4000  }
0xf6: {  	[sflag:s18] =	ssyncset.done $0x0  }
0xf7: {  	s2 =	sor.u32 $0xA80, s26;
	[sflag:s18] =	ssyncadd.s32 $0xFFFFC000  }
0xf8: {  	[spmem:s1] =	stream.indirect.scatter.add.f32 [tilespmem:s24], [sflag:$0x2], $0x80, s2, s23, $0xb8;
	[tilespmem:$0x18900] =	vst v63  }
0xf9: {  	_ =	swait.ge [sflag:s18], $0x4000  }
0xfa: {  	[sflag:s18] =	ssyncset.done $0x0  }
0xfb: {  	s28 =	sor.u32 $0x300, s26;
	[sflag:s18] =	ssyncadd.s32 $0xFFFFC000  }
0xfc: {  	[tilespmem:s24], [sflag:$0x2] =	stream.indirect.gather [hbm4b:s4+s23], $0x80, s28, s23, $0xb8;
	[tilespmem:$0x18900] =	vst v63  }
0xfd: {  	_ =	swait.ge [sflag:s18], $0x4000  }
0xfe: {  	[sflag:s18] =	ssyncset.done $0x0  }
0xff: {  	s29 =	sor.u32 $0xB00, s26;
	[sflag:s18] =	ssyncadd.s32 $0xFFFFC000  }
0x100: {  	[spmem:s1] =	stream.indirect.scatter.add.f32 [tilespmem:s24], [sflag:$0x2], $0x80, s29, s23, $0xb8;
	[tilespmem:$0x18900] =	vst v63  }
0x101: {  	_ =	swait.ge [sflag:s18], $0x4000  }
0x102: {  	[sflag:s18] =	ssyncset.done $0x0  }
0x103: {  	s0 =	simm.s32 @!p4 $0x1;
	[sflag:s18] =	ssyncadd.s32 $0xFFFFC000  }
0x104: {  	_ =	swait.ge @!p4 [sflag:s0], $0x400  }
0x105: {  	[sflag:s0] =	ssyncset.done @!p4 $0x0  }
0x106: {  	[sflag:s0] =	ssyncadd.s32 @!p4 $0xFFFFFC00  }
0x107: {  	_ =	swait.ge @!p4 [sflag:s0], $0x400  }
0x108: {  	[sflag:s0] =	ssyncset.done @!p4 $0x0  }
0x109: {  	s30 =	sor.u32 $0x380, s26;
	[sflag:s0] =	ssyncadd.s32 @!p4 $0xFFFFFC00  }
0x10a: {  	[tilespmem:s24], [sflag:$0x2] =	stream.indirect.gather [hbm4b:s4+s23], $0x80, s30, s23, $0xb8;
	[tilespmem:$0x18900] =	vst v63  }
0x10b: {  	_ =	swait.ge [sflag:s18], $0x4000  }
0x10c: {  	[sflag:s18] =	ssyncset.done $0x0  }
0x10d: {  	s31 =	sor.u32 $0xB80, s26;
	[sflag:s18] =	ssyncadd.s32 $0xFFFFC000  }
0x10e: {  	[spmem:s1] =	stream.indirect.scatter.add.f32 [tilespmem:s24], [sflag:$0x2], $0x80, s31, s23, $0xb8;
	[tilespmem:$0x18900] =	vst v63  }
0x10f: {  	_ =	swait.ge [sflag:s18], $0x4000  }
0x110: {  	[sflag:s18] =	ssyncset.done $0x0  }
0x111: {  	[sflag:s18] =	ssyncadd.s32 $0xFFFFC000  }
0x112: {  	[bflag:$0x0] =	sbarrier.arrive $0xFFFF  }
0x113: {  	[hbm:s11], [sflag:s16] =	dma.local [spmem:s17], $0x2700  }
0x114: {  	_ =	swait.ge [sflag:s18], $0x2700  }
0x115: {  	s25 =	sadd.s32 $0x1, s25;
	[sflag:s18] =	ssyncset.done $0x0  }
0x116: {  	s0 =	sshrl.u32 @p3 s7, $0x3;
	p4 =	sne.s32 s25, s13;
	[sflag:s18] =	ssyncadd.s32 $0xFFFFD900  }
0x117: {  	[hbm:s12], [sflag:s16] =	dma.local @p3 [spmem:s0], $0x100  }
.Ltmp5:
0x118: {  	_ = 	snop;
	(pc) =	sbr.rel @p4 .LBB2_1-.Ltmp5, $4  }
0x119: {  	s0 =	simm.s32 @p3 $0x2  }
0x11a: {  	_ =	swait.ge @p3 [sflag:s0], $0x100  }
0x11b: {  	[sflag:s0] =	ssyncset.done @p3 $0x0  }
0x11c: {  	[sflag:s0] =	ssyncadd.s32 @p3 $0xFFFFFF00  }
0x11d: {  	_ =	sfence.sel $0x180000  }
0x11e: {  	[bflag:$0x0] =	sbarrier.arrive $0xFFFF  }
0x11f: {  	_ =	strace $0x9000004D  }
0x120: {  	s0 =	stileid.u32;
	[bflag:$0x2] =	sbarrier.arrive $0xFFFF  }
0x121: {  	p0 =	sne.s32 s0, $0x0;
	s0 =	rddreg [dreg:$0x3]  }
0x122: {  	s0 =	sadd.s32 @!p0 $0x100000, s0  }
0x123: {  	[sflag:s0] =	ssyncadd.tile.s32 @!p0 $0x1;
	_ =	shalt  }
.Lfunc_end2:
_tile_overlayer_lowered:
.L_overlay_start_2:
0x124: {  	(tag) =	ssettag $0x2  }
0x125: {  	s0 =	rddreg [dreg:$0x0];
	s2 =	stileid.u32  }
0x126: {  	s1 =	rddreg [dreg:$0x1];
	p0 =	sne.s32 s2, $0x0  }
0x127: {  	s3 =	rddreg [dreg:$0x2];
	[bflag:$0x3] =	sbarrier.arrive $0xFFFF;
	s2 =	simm.s32 @!p0 $0x1C02  }
0x128: {  	[timem:s3], [sflag:s2] =	dma.local @!p0 [hbm:s0], s1  }
0x129: {  	s0 =	simm.s32 @!p0 $0x2  }
0x12a: {  	_ =	swait.ge @!p0 [sflag:s0], s1  }
0x12b: {  	s1 =	ssub.s32 @!p0 $0x0, s1;
	[sflag:s0] =	ssyncset.done @!p0 $0x0  }
0x12c: {  	[sflag:s0] =	ssyncadd.s32 @!p0 s1  }
0x12d: {  	[bflag:$0x3] =	sbarrier.arrive $0xFFFF  }
0x12e: {  	_ =	shalt  }

// kernel: kernel.8.cloned.1.call-start
scs
__scs_entry_jumppad:
0x0: {  	(pc) =	sbr.rel $0x88, $3  }
0x1: {  	(tag) =	ssettag $0x0;
	lr =	simm.s32 $0x1  }
0x2: {  	[smem:$0x3F99] =	sst lr;
	_ =	strace $0xD0000000  }
0x3: {  	_ = 	snop  }
0x4: {  	_ = 	snop  }
0x5: {  	_ = 	snop  }
0x6: {  	_ = 	snop  }
0x7: {  	_ = 	snop  }
__scs_overlays_trampoline_lowered:
0x8: {  	[smem:$0x3FA8] =	sst s0  }
0x9: {  	[smem:$0x3FA9] =	sst s1  }
0xa: {  	[smem:$0x3FAA] =	sst s2  }
0xb: {  	[smem:$0x3FAB] =	sst s3  }
0xc: {  	[smem:$0x3FAC] =	sst s4  }
0xd: {  	[smem:$0x3FAD] =	sst s5  }
0xe: {  	[smem:$0x3FAE] =	sst s6  }
0xf: {  	[smem:$0x3FAF] =	sst s7  }
0x10: {  	[smem:$0x3FB0] =	sst s8  }
0x11: {  	[smem:$0x3FB1] =	sst s9;
	s0 =	simm.s32 @!p0 $0x0  }
0x12: {  	s1 =	sld [smem:$0x3F97];
	s0 =	simm.s32 @p0 $0x1  }
0x13: {  	[smem:$0x3FB2] =	sst s0;
	s0 =	simm.s32 @!p1 $0x0  }
0x14: {  	s2 =	sld [smem:$0x3F96];
	s0 =	simm.s32 @p1 $0x1  }
0x15: {  	[smem:$0x3FB3] =	sst s0;
	s0 =	simm.s32 @!p2 $0x0  }
0x16: {  	s3 =	sld [smem:$0x3FDB];
	s0 =	simm.s32 @p2 $0x1  }
0x17: {  	s4 =	simm.s32 $0x1BF5;
	[smem:$0x3FB5] =	sst s0  }
0x18: {  	s0 =	sld [smem:$0x3F98];
	_ =	swait.ge [sflag:s4], $0x0  }
0x19: {  	s7 =	sld [smem:$0x3F99]  }
0x1a: {  	s8 =	sadd.s32 $0xFFFFE003, lr  }
0x1b: {  	s9 =	sadd.s32 $0xFFFFFEF7, lr;
	s5 =	simm.s32 $0xFFFFFFFF;
	p2 =	slt.u32 s8, $0xFFFFF086  }
0x1c: {  	p1 =	slt.u32 s9, $0xF7A;
	s5 =	simm.s32 @!p2 $0x0  }
0x1d: {  	s5 =	simm.s32 @p1 $0x1;
	p0 =	seq.s32 s7, s2  }
0x1e: {  	s7 =	smul.u32 @!p0 $0xF7A, s2;
	p2 =	seq.s32 @!p0 s5, $0x0  }
0x1f: {  	s9 =	smul.u32 $0xF7A, s1;
	s8 =	simm.s32 @!p0 $0x1BF5;
	p2 =	por !p2, p0  }
0x20: {  	[sflag:s8] =	ssyncset.s32 @!p0 $0xFFFFF086;
	s6 =	sadd.s32 @!p0 s3, s7;
	s7 =	simm.s32 @!p0 $0x108  }
0x21: {  	s3 =	sadd.s32 s3, s9;
	s6 =	sadd.s32 @!p0 $0x88, s6;
	s7 =	simm.s32 @p2 $0x1082  }
0x22: {  	[simem:s7], [sflag:s8] =	dma.local @!p0 [hbm:s6], $0xF7A  }
0x23: {  	s9 =	sor.u32 $0xD0000000, s2;
	s6 =	simm.s32 $0x108;
	_ =	swait.ge @!p0 [sflag:s8], $0x0  }
0x24: {  	s3 =	sadd.s32 $0x88, s3;
	s6 =	simm.s32 @!p1 $0x1082;
	[sflag:s4] =	ssyncset.s32 $0xFFFFF086  }
0x25: {  	[simem:s6], [sflag:s4] =	dma.local [hbm:s3], $0xF7A  }
0x26: {  	[smem:$0x3F99] =	sst s1;
	(tag) =	ssettag s2;
	_ =	strace s9  }
0x27: {  	s1 =	sld [smem:$0x3FA9]  }
0x28: {  	s2 =	sld [smem:$0x3FAA]  }
0x29: {  	s4 =	sld [smem:$0x3FAC]  }
0x2a: {  	p0 =	seq.s32 s5, $0x0;
	s5 =	sld [smem:$0x3FAD]  }
0x2b: {  	s6 =	sld [smem:$0x3FAE]  }
0x2c: {  	s7 =	sld [smem:$0x3FAF]  }
0x2d: {  	s3 =	simm.s32 $0x108;
	s8 =	sld [smem:$0x3FB0]  }
0x2e: {  	s3 =	simm.s32 @!p0 $0x1082;
	s9 =	sld [smem:$0x3FB1]  }
0x2f: {  	lr =	sadd.s32 s0, s3;
	s0 =	sld [smem:$0x3FA8]  }
0x30: {  	s3 =	sld [smem:$0x3FAB]  }
0x31: {  	[smem:$0x3FB4] =	sst s10  }
0x32: {  	s10 =	sld [smem:$0x3FB2];
	_ =	sdelay $0x3  }
0x33: {  	p0 =	seq.s32 s10, $0x1;
	s10 =	sld [smem:$0x3FB4];
	_ =	sdelay $0x3  }
0x34: {  	[smem:$0x3FB4] =	sst s10  }
0x35: {  	s10 =	sld [smem:$0x3FB3];
	_ =	sdelay $0x3  }
0x36: {  	p1 =	seq.s32 s10, $0x1;
	s10 =	sld [smem:$0x3FB4];
	_ =	sdelay $0x3  }
0x37: {  	[smem:$0x3FB4] =	sst s10  }
0x38: {  	s10 =	sld [smem:$0x3FB5]  }
0x39: {  	_ = 	snop;
	(pc) =	sbr.ind lr, $3  }
0x3a: {  	_ = 	snop  }
0x3b: {  	_ = 	snop  }
0x3c: {  	p2 =	seq.s32 s10, $0x1;
	s10 =	sld [smem:$0x3FB4]  }
0x3d: {  	_ =	shalt  }
0x3e: {  	_ =	shalt  }
0x3f: {  	_ =	shalt  }
0x40: {  	_ =	shalt  }
0x41: {  	_ =	shalt  }
0x42: {  	_ =	shalt  }
0x43: {  	_ =	shalt  }
0x44: {  	_ =	shalt  }
0x45: {  	_ =	shalt  }
0x46: {  	_ =	shalt  }
0x47: {  	_ =	shalt  }
0x48: {  	_ =	shalt  }
0x49: {  	_ =	shalt  }
0x4a: {  	_ =	shalt  }
0x4b: {  	_ =	shalt  }
0x4c: {  	_ =	shalt  }
0x4d: {  	_ =	shalt  }
0x4e: {  	_ =	shalt  }
0x4f: {  	_ =	shalt  }
0x50: {  	_ =	shalt  }
0x51: {  	_ =	shalt  }
0x52: {  	_ =	shalt  }
0x53: {  	_ =	shalt  }
0x54: {  	_ =	shalt  }
0x55: {  	_ =	shalt  }
0x56: {  	_ =	shalt  }
0x57: {  	_ =	shalt  }
0x58: {  	_ =	shalt  }
0x59: {  	_ =	shalt  }
0x5a: {  	_ =	shalt  }
0x5b: {  	_ =	shalt  }
0x5c: {  	_ =	shalt  }
0x5d: {  	_ =	shalt  }
0x5e: {  	_ =	shalt  }
0x5f: {  	_ =	shalt  }
0x60: {  	_ =	shalt  }
0x61: {  	_ =	shalt  }
0x62: {  	_ =	shalt  }
0x63: {  	_ =	shalt  }
0x64: {  	_ =	shalt  }
0x65: {  	_ =	shalt  }
0x66: {  	_ =	shalt  }
0x67: {  	_ =	shalt  }
0x68: {  	_ =	shalt  }
0x69: {  	_ =	shalt  }
0x6a: {  	_ =	shalt  }
0x6b: {  	_ =	shalt  }
0x6c: {  	_ =	shalt  }
0x6d: {  	_ =	shalt  }
0x6e: {  	_ =	shalt  }
0x6f: {  	_ =	shalt  }
0x70: {  	_ =	shalt  }
0x71: {  	_ =	shalt  }
0x72: {  	_ =	shalt  }
0x73: {  	_ =	shalt  }
0x74: {  	_ =	shalt  }
0x75: {  	_ =	shalt  }
0x76: {  	_ =	shalt  }
0x77: {  	_ =	shalt  }
0x78: {  	_ =	shalt  }
0x79: {  	_ =	shalt  }
0x7a: {  	_ =	shalt  }
0x7b: {  	_ =	shalt  }
0x7c: {  	_ =	shalt  }
0x7d: {  	_ =	shalt  }
0x7e: {  	_ =	shalt  }
0x7f: {  	_ =	shalt  }
0x80: {  	_ =	shalt  }
0x81: {  	_ =	shalt  }
0x82: {  	_ =	shalt  }
0x83: {  	_ =	shalt  }
0x84: {  	_ =	shalt  }
0x85: {  	_ =	shalt  }
0x86: {  	_ =	shalt  }
0x87: {  	_ =	shalt  }
.Lfunc_end0:
.L_simem_size_0:
called_computation_lowered:
.L_overlay_start_0:
0x88: {  	s2 =	sld [smem:$0x3FD9]  }
0x89: {  	s3 =	sld [smem:$0x3FFE];
	_ =	sdelay $0x1  }
0x8a: {  	s1 =	srdreg.scid  }
0x8b: {  	s0 =	sand.u32 $0x1, s1  }
0x8c: {  	s17 =	sshll.u32 s0, $0xA;
	s2 =	sadd.s32 s3, s2  }
0x8d: {  	s2 =	sadd.s32 s2, s17  }
0x8e: {  	[smem:$0x3FC0] =	sst s2  }
0x8f: {  	_ = 	snop  }
0x90: {  	s2 =	sld [smem:$0x3FD0];
	(tm) =	ssettm $0x1  }
0x91: {  	s18 =	sld [smem:$0x3FFB];
	_ =	sdelay $0x3  }
0x92: {  	_ =	strace s18  }
0x93: {  	s3 =	sld [smem:$0x3FFC];
	_ =	sdelay $0x3  }
0x94: {  	_ =	strace s3  }
0x95: {  	s3 =	sld [smem:$0x3FFD];
	_ =	sdelay $0x3  }
0x96: {  	_ =	strace s3  }
0x97: {  	_ =	strace $0x8FFFFFFF  }
0x98: {  	s19 =	sld [smem:$0x3FDB];
	_ =	sdelay $0x1  }
0x99: {  	s4 =	simm.s32 $_scs_section_size  }
0x9a: {  	s5 =	simm.s32 $_size__tile_overlayer_lowered;
	s6 =	simm.s32 $_tile_overlayer_lowered  }
0x9b: {  	s22 =	simm.s32 $0x1BFF;
	s21 =	sshll.u32 s6, $0x1;
	s3 =	sadd.s32 s4, s19  }
0x9c: {  	s7 =	simm.s32 $0x0;
	s20 =	sshll.u32 s5, $0x1;
	s5 =	sadd.s32 s21, s3  }
0x9d: {  	[timem:s7], [sflag:s22] =	dma.local [hbm:s5], s20  }
0x9e: {  	_ =	swait.ge [sflag:s22], s20  }
0x9f: {  	s4 =	ssub.s32 $0x0, s20;
	[sflag:s22] =	ssyncset.done $0x0  }
0xa0: {  	[sflag:s22] =	ssyncadd.s32 s4;
	_ =	sdelay $0x1  }
0xa1: {  	s23 =	simm.s32 $0x1B8B  }
0xa2: {  	_ =	swait.ge [sflag:s23], $0x1  }
0xa3: {  	[sflag:s23] =	ssyncset.done $0x0  }
0xa4: {  	s25 =	simm.s32 $0x1B8E;
	s24 =	sld [smem:$0x3FFE];
	[sflag:s23] =	ssyncadd.s32 $0xFFFFFFFF  }
0xa5: {  	s26 =	simm.s32 $execute0_lowered;
	[smem:$0x3FD2] =	sst s25  }
0xa6: {  	s5 =	sshll.u32 s26, $0x1;
	_ =	strace $0x80000046;
	[dreg:$0x1] =	wrdreg $0xFFFFFFFF  }
0xa7: {  	s28 =	simm.s32 $_size_execute0_lowered;
	s3 =	sadd.s32 s3, s5;
	[dreg:$0x0] =	wrdreg $0x0  }
0xa8: {  	s5 =	sshll.u32 s28, $0x1;
	[dreg:$0x2] =	wrdreg s3  }
0xa9: {  	[dreg:$0x3] =	wrdreg s5  }
0xaa: {  	[dreg:$0x4] =	wrdreg $0xC0  }
0xab: {  	_ =	task [dreg:s7], $0x5FFFF  }
0xac: {  	[dreg:$0x1] =	wrdreg $0xFFFFFFFF  }
0xad: {  	[dreg:$0x0] =	wrdreg $0x60  }
0xae: {  	[dreg:$0x2] =	wrdreg s2  }
0xaf: {  	[dreg:$0x3] =	wrdreg s24  }
0xb0: {  	[dreg:$0x4] =	wrdreg $0x68000  }
0xb1: {  	[dreg:$0x5] =	wrdreg $0x9  }
0xb2: {  	_ =	task.clear_ibuf [dreg:s7], $0x6FFFF;
	_ =	strace $0x90000046  }
0xb3: {  	s29 =	simm.s32 $0x9;
	_ =	strace $0x80000048  }
0xb4: {  	_ =	swait.ge [sflag:s29], $0x1  }
0xb5: {  	[sflag:s29] =	ssyncadd.s32 $0xFFFFFFFF  }
0xb6: {  	_ =	strace $0x90000048  }
0xb7: {  	_ =	sfence  }
0xb8: {  	s30 =	sld [smem:$0x0];
	_ =	sdelay $0x2  }
0xb9: {  	s31 =	sshll.u32 s1, $0xD;
	s1 =	sshrl.u32 s1, $0x2  }
0xba: {  	s3 =	sand.u32 $0x4000, s31;
	s1 =	sadd.s32 s1, s30  }
0xbb: {  	s0 =	sor.u32 s3, s0;
	s1 =	sshll.u32 s1, $0x11  }
0xbc: {  	s0 =	sor.u32 s1, s0  }
0xbd: {  	s0 =	sadd.s32 $0x8F2B, s0  }
0xbe: {  	[sflag:s0] =	ssyncadd.remote.s32 $0x1  }
0xbf: {  	_ =	sfence.sel $0xFFFF  }
0xc0: {  	[dreg:$0x0] =	wrdreg $0xFFFFFFFF;
	(pc) =	sbr.abs _section_cstart, $3  }
0xc1: {  	[dreg:$0x1] =	wrdreg $0xFFFFFFFF  }
0xc2: {  	_ =	task.clear_ibuf [dreg:s7], $0x2FFFF;
	_ =	strace $0x9FFFFFFF  }
0xc3: {  	(tm) =	ssettm $0x7FFFFFFF  }
tec
execute0_lowered:
.L_overlay_start_1:
0x0: {  	(tag) =	ssettag $0x1  }
0x1: {  	s7 =	rddreg [dreg:$0x0]  }
0x2: {  	s6 =	rddreg [dreg:$0x1]  }
0x3: {  	s1 =	rddreg [dreg:$0x2]  }
0x4: {  	s0 =	rddreg [dreg:$0x3];
	s2 =	simm.s32 $0x0;
	s21 =	stileid.u32  }
0x5: {  	s5 =	srdreg.scid;
	s14 =	simm.s32 $0x80;
	s15 =	simm.s32 $0x100  }
0x6: {  	s16 =	simm.s32 $0x180;
	s17 =	simm.s32 $0x200;
	s18 =	simm.s32 $0x280  }
0x7: {  	s19 =	simm.s32 $0x300;
	s20 =	simm.s32 $0x380;
	s23 =	simm.s32 $0x0  }
0x8: {  	[smem:$0x7FF] =	sst s2;
	s4 =	smul.u32 $0x2700, s21;
	s3 =	sadd.s32 $0x29400, s6  }
0x9: {  	s5 =	sand.u32 $0x1, s5;
	s11 =	smul.u32 $0x4E000, s21;
	s31 =	sshll.u32 s21, $0x6  }
0xa: {  	s13 =	sadd.s32 $0x138000, s1;
	p0 =	sne.s32 s21, $0xF;
	p1 =	sne.s32 s21, $0x0  }
0xb: {  	_ =	strace $0x80000047;
	s8 =	smul.u32 $0x27100, s5;
	s9 =	ssub.s32 $0x2, s5  }
0xc: {  	s5 =	sshll.u32 s5, $0x4;
	s22 =	sshrl.u32 @!p1 s1, $0x3;
	s4 =	sadd.s32 s4, s6  }
0xd: {  	s10 =	sshrl.u32 s9, $0x1;
	s5 =	sor.u32 s21, s5;
	s30 =	sshrl.u32 s11, $0x2  }
0xe: {  	s11 =	simm.s32 $0x2;
	s21 =	simm.s32 $0x1;
	s8 =	sadd.s32 s8, s6  }
0xf: {  	s9 =	ssub.s32 s9, s10;
	s12 =	smul.u32 $0x500, s5;
	s10 =	sadd.s32 s30, s1  }
0x10: {  	s4 =	sadd.s32 $0x2200, s4;
	s5 =	sor.u32 $0x1C02, s31;
	s6 =	sadd.s32 $0x29200, s6  }
0x11: {  	s8 =	sadd.s32 $0x29C00, s8;
	s9 =	smax.u32 s9, $0x1;
	s10 =	sshrl.u32 s10, $0x3  }
0x12: {  	s7 =	sadd.s32 s7, s12;
	s12 =	sshrl.u32 @!p0 s13, $0x3;
	s13 =	simm.s32 $0x2800  }
.LBB2_1:
0x13: {  	[spmem:s10], [sflag:s5] =	dma.local [hbm:s4], $0x2700  }
0x14: {  	_ =	swait.ge [sflag:s11], $0x2700  }
0x15: {  	[sflag:s11] =	ssyncset.done $0x0  }
0x16: {  	s24 =	simm.s32 @!p0 $0x2;
	[sflag:s11] =	ssyncadd.s32 $0xFFFFD900  }
0x17: {  	[spmem:s12], [sflag:s5] =	dma.local @!p0 [hbm:s6], $0x100  }
0x18: {  	_ =	swait.ge @!p0 [sflag:s24], $0x100  }
0x19: {  	[sflag:s24] =	ssyncset.done @!p0 $0x0  }
0x1a: {  	[sflag:s24] =	ssyncadd.s32 @!p0 $0xFFFFFF00  }
0x1b: {  	[tilespmem:s13], [sflag:$0x2] =	stream.linear.gather [hbm4b:s3+s2], $0x4000, $0x38;
	[tilespmem:$0x1A100] =	vst v63  }
0x1c: {  	_ =	swait.ge [sflag:s11], $0x4000  }
0x1d: {  	[sflag:s11] =	ssyncset.done $0x0  }
0x1e: {  	[sflag:s11] =	ssyncadd.s32 $0xFFFFC000  }
0x1f: {  	[tilespmem:s2], [sflag:$0x2] =	stream.linear.gather [hbm4b:s7+s2], $0x2800, $0x38;
	[tilespmem:$0x1A100] =	vst v63  }
0x20: {  	_ =	swait.ge [sflag:s11], $0x2800  }
0x21: {  	[sflag:s11] =	ssyncset.done $0x0  }
0x22: {  	[sflag:s11] =	ssyncadd.s32 $0xFFFFD800  }
0x23: {  	[bflag:$0x0] =	sbarrier.arrive $0xFFFF  }
0x24: {  	[spmem:s1] =	stream.indirect.scatter.add.f32 [tilespmem:s13], [sflag:$0x1], $0x80, s2, s14, $0xb8;
	[tilespmem:$0x1A100] =	vst v63  }
0x25: {  	_ = 	snop  }
0x26: {  	[spmem:s1] =	stream.indirect.scatter.add.f32 [tilespmem:s13], [sflag:$0x1], $0x80, s14, s14, $0xb8;
	[tilespmem:$0x1A100] =	vst v63  }
0x27: {  	_ = 	snop  }
0x28: {  	[spmem:s1] =	stream.indirect.scatter.add.f32 [tilespmem:s13], [sflag:$0x1], $0x80, s15, s14, $0xb8;
	[tilespmem:$0x1A100] =	vst v63  }
0x29: {  	_ = 	snop  }
0x2a: {  	[spmem:s1] =	stream.indirect.scatter.add.f32 [tilespmem:s13], [sflag:$0x1], $0x80, s16, s14, $0xb8;
	[tilespmem:$0x1A100] =	vst v63  }
0x2b: {  	_ = 	snop  }
0x2c: {  	[spmem:s1] =	stream.indirect.scatter.add.f32 [tilespmem:s13], [sflag:$0x1], $0x80, s17, s14, $0xb8;
	[tilespmem:$0x1A100] =	vst v63  }
0x2d: {  	_ = 	snop  }
0x2e: {  	[spmem:s1] =	stream.indirect.scatter.add.f32 [tilespmem:s13], [sflag:$0x1], $0x80, s18, s14, $0xb8;
	[tilespmem:$0x1A100] =	vst v63  }
0x2f: {  	_ = 	snop  }
0x30: {  	[spmem:s1] =	stream.indirect.scatter.add.f32 [tilespmem:s13], [sflag:$0x1], $0x80, s19, s14, $0xb8;
	[tilespmem:$0x1A100] =	vst v63  }
0x31: {  	_ = 	snop  }
0x32: {  	[spmem:s1] =	stream.indirect.scatter.add.f32 [tilespmem:s13], [sflag:$0x1], $0x80, s20, s14, $0xb8;
	[tilespmem:$0x1A100] =	vst v63  }
0x33: {  	s29 =	simm.s32 $0x400  }
0x34: {  	[spmem:s1] =	stream.indirect.scatter.add.f32 [tilespmem:s13], [sflag:$0x1], $0x80, s29, s14, $0xb8;
	[tilespmem:$0x1A100] =	vst v63  }
0x35: {  	s30 =	simm.s32 $0x480  }
0x36: {  	[spmem:s1] =	stream.indirect.scatter.add.f32 [tilespmem:s13], [sflag:$0x1], $0x80, s30, s14, $0xb8;
	[tilespmem:$0x1A100] =	vst v63  }
0x37: {  	s31 =	simm.s32 $0x500  }
0x38: {  	[spmem:s1] =	stream.indirect.scatter.add.f32 [tilespmem:s13], [sflag:$0x1], $0x80, s31, s14, $0xb8;
	[tilespmem:$0x1A100] =	vst v63  }
0x39: {  	s25 =	simm.s32 $0x580  }
0x3a: {  	[spmem:s1] =	stream.indirect.scatter.add.f32 [tilespmem:s13], [sflag:$0x1], $0x80, s25, s14, $0xb8;
	[tilespmem:$0x1A100] =	vst v63  }
0x3b: {  	s26 =	simm.s32 $0x600  }
0x3c: {  	[spmem:s1] =	stream.indirect.scatter.add.f32 [tilespmem:s13], [sflag:$0x1], $0x80, s26, s14, $0xb8;
	[tilespmem:$0x1A100] =	vst v63  }
0x3d: {  	s29 =	simm.s32 $0x680  }
0x3e: {  	[spmem:s1] =	stream.indirect.scatter.add.f32 [tilespmem:s13], [sflag:$0x1], $0x80, s29, s14, $0xb8;
	[tilespmem:$0x1A100] =	vst v63  }
0x3f: {  	s30 =	simm.s32 $0x700  }
0x40: {  	[spmem:s1] =	stream.indirect.scatter.add.f32 [tilespmem:s13], [sflag:$0x1], $0x80, s30, s14, $0xb8;
	[tilespmem:$0x1A100] =	vst v63  }
0x41: {  	s31 =	simm.s32 $0x780  }
0x42: {  	[spmem:s1] =	stream.indirect.scatter.add.f32 [tilespmem:s13], [sflag:$0x1], $0x80, s31, s14, $0xb8;
	[tilespmem:$0x1A100] =	vst v63  }
0x43: {  	_ =	swait.ge [sflag:s21], $0x4000  }
0x44: {  	[sflag:s21] =	ssyncset.done $0x0  }
0x45: {  	[sflag:s21] =	ssyncadd.s32 $0xFFFFC000  }
0x46: {  	_ =	swait.ge [sflag:s21], $0x4000  }
0x47: {  	[sflag:s21] =	ssyncset.done $0x0  }
0x48: {  	[sflag:s21] =	ssyncadd.s32 $0xFFFFC000  }
0x49: {  	_ =	swait.ge [sflag:s21], $0x4000  }
0x4a: {  	[sflag:s21] =	ssyncset.done $0x0  }
0x4b: {  	[sflag:s21] =	ssyncadd.s32 $0xFFFFC000  }
0x4c: {  	_ =	swait.ge [sflag:s21], $0x4000  }
0x4d: {  	[sflag:s21] =	ssyncset.done $0x0  }
0x4e: {  	[sflag:s21] =	ssyncadd.s32 $0xFFFFC000  }
0x4f: {  	_ =	swait.ge [sflag:s21], $0x4000  }
0x50: {  	[sflag:s21] =	ssyncset.done $0x0  }
0x51: {  	[sflag:s21] =	ssyncadd.s32 $0xFFFFC000  }
0x52: {  	_ =	swait.ge [sflag:s21], $0x4000  }
0x53: {  	[sflag:s21] =	ssyncset.done $0x0  }
0x54: {  	[sflag:s21] =	ssyncadd.s32 $0xFFFFC000  }
0x55: {  	_ =	swait.ge [sflag:s21], $0x4000  }
0x56: {  	[sflag:s21] =	ssyncset.done $0x0  }
0x57: {  	[sflag:s21] =	ssyncadd.s32 $0xFFFFC000  }
0x58: {  	_ =	swait.ge [sflag:s21], $0x4000  }
0x59: {  	s28 =	simm.s32 $0x2000;
	s26 =	simm.s32 $0x400;
	[sflag:s21] =	ssyncset.done $0x0  }
.LBB2_2:
0x5a: {  	s29 =	sadd.s32 $0x400, s26  }
0x5b: {  	[sflag:s21] =	ssyncadd.s32 $0xFFFFC000;
	s25 =	smov.u32 s28;
	s24 =	sadd.s32 $0x1000, s28  }
0x5c: {  	[spmem:s1] =	stream.indirect.scatter.add.f32 [tilespmem:s13], [sflag:$0x1], $0x80, s29, s14, $0xb8;
	[tilespmem:$0x1A100] =	vst v63  }
0x5d: {  	p2 =	sne.s32 s28, $0x8000;
	s28 =	sadd.s32 $0x480, s26  }
0x5e: {  	[spmem:s1] =	stream.indirect.scatter.add.f32 [tilespmem:s13], [sflag:$0x1], $0x80, s28, s14, $0xb8;
	[tilespmem:$0x1A100] =	vst v63  }
0x5f: {  	s28 =	sadd.s32 $0x500, s26  }
0x60: {  	[spmem:s1] =	stream.indirect.scatter.add.f32 [tilespmem:s13], [sflag:$0x1], $0x80, s28, s14, $0xb8;
	[tilespmem:$0x1A100] =	vst v63  }
0x61: {  	s28 =	sadd.s32 $0x580, s26  }
0x62: {  	[spmem:s1] =	stream.indirect.scatter.add.f32 [tilespmem:s13], [sflag:$0x1], $0x80, s28, s14, $0xb8;
	[tilespmem:$0x1A100] =	vst v63  }
0x63: {  	s28 =	sadd.s32 $0x600, s26  }
0x64: {  	[spmem:s1] =	stream.indirect.scatter.add.f32 [tilespmem:s13], [sflag:$0x1], $0x80, s28, s14, $0xb8;
	[tilespmem:$0x1A100] =	vst v63  }
0x65: {  	s28 =	sadd.s32 $0x680, s26  }
0x66: {  	[spmem:s1] =	stream.indirect.scatter.add.f32 [tilespmem:s13], [sflag:$0x1], $0x80, s28, s14, $0xb8;
	[tilespmem:$0x1A100] =	vst v63  }
0x67: {  	s28 =	sadd.s32 $0x700, s26  }
0x68: {  	[spmem:s1] =	stream.indirect.scatter.add.f32 [tilespmem:s13], [sflag:$0x1], $0x80, s28, s14, $0xb8;
	[tilespmem:$0x1A100] =	vst v63  }
0x69: {  	s26 =	sadd.s32 $0x780, s26  }
0x6a: {  	[spmem:s1] =	stream.indirect.scatter.add.f32 [tilespmem:s13], [sflag:$0x1], $0x80, s26, s14, $0xb8;
	[tilespmem:$0x1A100] =	vst v63  }
0x6b: {  	_ =	swait.ge [sflag:s21], $0x4000  }
0x6c: {  	[sflag:s21] =	ssyncset.done $0x0  }
0x6d: {  	[sflag:s21] =	ssyncadd.s32 $0xFFFFC000  }
0x6e: {  	_ =	swait.ge [sflag:s21], $0x4000  }
0x6f: {  	[sflag:s21] =	ssyncset.done $0x0  }
0x70: {  	[sflag:s21] =	ssyncadd.s32 $0xFFFFC000  }
0x71: {  	_ =	swait.ge [sflag:s21], $0x4000  }
0x72: {  	[sflag:s21] =	ssyncset.done $0x0  }
0x73: {  	[sflag:s21] =	ssyncadd.s32 $0xFFFFC000  }
0x74: {  	_ =	swait.ge [sflag:s21], $0x4000  }
0x75: {  	[sflag:s21] =	ssyncset.done $0x0  }
0x76: {  	[sflag:s21] =	ssyncadd.s32 $0xFFFFC000  }
0x77: {  	_ =	swait.ge [sflag:s21], $0x4000  }
0x78: {  	[sflag:s21] =	ssyncset.done $0x0  }
0x79: {  	[sflag:s21] =	ssyncadd.s32 $0xFFFFC000  }
0x7a: {  	_ =	swait.ge [sflag:s21], $0x4000  }
0x7b: {  	[sflag:s21] =	ssyncset.done $0x0  }
0x7c: {  	[sflag:s21] =	ssyncadd.s32 $0xFFFFC000  }
.Ltmp0:
0x7d: {  	_ =	swait.ge [sflag:s21], $0x4000;
	(pc) =	sbr.rel @p2 .LBB2_2-.Ltmp0, $4  }
0x7e: {  	[sflag:s21] =	ssyncset.done $0x0  }
0x7f: {  	[sflag:s21] =	ssyncadd.s32 $0xFFFFC000  }
0x80: {  	_ =	swait.ge [sflag:s21], $0x4000  }
0x81: {  	s28 =	smov.u32 s24;
	s26 =	sshra.s32 s25, $0x2;
	[sflag:s21] =	ssyncset.done $0x0  }
0x82: {  	s24 =	sadd.s32 $0x400, s26;
	[sflag:s21] =	ssyncadd.s32 $0xFFFFC000  }
0x83: {  	[spmem:s1] =	stream.indirect.scatter.add.f32 [tilespmem:s13], [sflag:$0x1], $0x80, s24, s14, $0xb8;
	[tilespmem:$0x1A100] =	vst v63  }
0x84: {  	s30 =	sadd.s32 $0x480, s26  }
0x85: {  	[spmem:s1] =	stream.indirect.scatter.add.f32 [tilespmem:s13], [sflag:$0x1], $0x80, s30, s14, $0xb8;
	[tilespmem:$0x1A100] =	vst v63  }
0x86: {  	s31 =	sadd.s32 $0x500, s26  }
0x87: {  	[spmem:s1] =	stream.indirect.scatter.add.f32 [tilespmem:s13], [sflag:$0x1], $0x80, s31, s14, $0xb8;
	[tilespmem:$0x1A100] =	vst v63  }
0x88: {  	s25 =	sadd.s32 $0x580, s26  }
0x89: {  	[spmem:s1] =	stream.indirect.scatter.add.f32 [tilespmem:s13], [sflag:$0x1], $0x80, s25, s14, $0xb8;
	[tilespmem:$0x1A100] =	vst v63  }
0x8a: {  	s28 =	sadd.s32 $0x600, s26  }
0x8b: {  	[spmem:s1] =	stream.indirect.scatter.add.f32 [tilespmem:s13], [sflag:$0x1], $0x80, s28, s14, $0xb8;
	[tilespmem:$0x1A100] =	vst v63  }
0x8c: {  	s29 =	sadd.s32 $0x680, s26  }
0x8d: {  	[spmem:s1] =	stream.indirect.scatter.add.f32 [tilespmem:s13], [sflag:$0x1], $0x80, s29, s14, $0xb8;
	[tilespmem:$0x1A100] =	vst v63  }
0x8e: {  	s30 =	sadd.s32 $0x700, s26  }
0x8f: {  	[spmem:s1] =	stream.indirect.scatter.add.f32 [tilespmem:s13], [sflag:$0x1], $0x80, s30, s14, $0xb8;
	[tilespmem:$0x1A100] =	vst v63  }
0x90: {  	s31 =	sadd.s32 $0x780, s26  }
0x91: {  	[spmem:s1] =	stream.indirect.scatter.add.f32 [tilespmem:s13], [sflag:$0x1], $0x80, s31, s14, $0xb8;
	[tilespmem:$0x1A100] =	vst v63  }
0x92: {  	_ =	swait.ge [sflag:s21], $0x4000  }
0x93: {  	[sflag:s21] =	ssyncset.done $0x0  }
0x94: {  	[sflag:s21] =	ssyncadd.s32 $0xFFFFC000  }
0x95: {  	_ =	swait.ge [sflag:s21], $0x4000  }
0x96: {  	[sflag:s21] =	ssyncset.done $0x0  }
0x97: {  	[sflag:s21] =	ssyncadd.s32 $0xFFFFC000  }
0x98: {  	_ =	swait.ge [sflag:s21], $0x4000  }
0x99: {  	[sflag:s21] =	ssyncset.done $0x0  }
0x9a: {  	[sflag:s21] =	ssyncadd.s32 $0xFFFFC000  }
0x9b: {  	_ =	swait.ge [sflag:s21], $0x4000  }
0x9c: {  	[sflag:s21] =	ssyncset.done $0x0  }
0x9d: {  	[sflag:s21] =	ssyncadd.s32 $0xFFFFC000  }
0x9e: {  	_ =	swait.ge [sflag:s21], $0x4000  }
0x9f: {  	[sflag:s21] =	ssyncset.done $0x0  }
0xa0: {  	[sflag:s21] =	ssyncadd.s32 $0xFFFFC000  }
0xa1: {  	_ =	swait.ge [sflag:s21], $0x4000  }
0xa2: {  	[sflag:s21] =	ssyncset.done $0x0  }
0xa3: {  	[sflag:s21] =	ssyncadd.s32 $0xFFFFC000  }
0xa4: {  	_ =	swait.ge [sflag:s21], $0x4000  }
0xa5: {  	[sflag:s21] =	ssyncset.done $0x0  }
0xa6: {  	[sflag:s21] =	ssyncadd.s32 $0xFFFFC000  }
0xa7: {  	_ =	swait.ge [sflag:s21], $0x4000  }
0xa8: {  	[sflag:s21] =	ssyncset.done $0x0  }
0xa9: {  	[sflag:s21] =	ssyncadd.s32 $0xFFFFC000  }
0xaa: {  	_ =	swait.ge [sflag:s21], $0x4000  }
0xab: {  	[sflag:s21] =	ssyncset.done $0x0  }
0xac: {  	[sflag:s21] =	ssyncadd.s32 $0xFFFFC000  }
0xad: {  	_ =	swait.ge [sflag:s21], $0x4000  }
0xae: {  	[sflag:s21] =	ssyncset.done $0x0  }
0xaf: {  	[sflag:s21] =	ssyncadd.s32 $0xFFFFC000  }
0xb0: {  	_ =	swait.ge [sflag:s21], $0x4000  }
0xb1: {  	[sflag:s21] =	ssyncset.done $0x0  }
0xb2: {  	[sflag:s21] =	ssyncadd.s32 $0xFFFFC000  }
0xb3: {  	_ =	swait.ge [sflag:s21], $0x4000  }
0xb4: {  	[sflag:s21] =	ssyncset.done $0x0  }
0xb5: {  	[sflag:s21] =	ssyncadd.s32 $0xFFFFC000  }
0xb6: {  	_ =	swait.ge [sflag:s21], $0x4000  }
0xb7: {  	[sflag:s21] =	ssyncset.done $0x0  }
0xb8: {  	[sflag:s21] =	ssyncadd.s32 $0xFFFFC000  }
0xb9: {  	_ =	swait.ge [sflag:s21], $0x4000  }
0xba: {  	[sflag:s21] =	ssyncset.done $0x0  }
0xbb: {  	[sflag:s21] =	ssyncadd.s32 $0xFFFFC000  }
0xbc: {  	_ =	swait.ge [sflag:s21], $0x4000  }
0xbd: {  	[sflag:s21] =	ssyncset.done $0x0  }
0xbe: {  	[sflag:s21] =	ssyncadd.s32 $0xFFFFC000  }
0xbf: {  	_ =	swait.ge [sflag:s21], $0x4000  }
0xc0: {  	s23 =	sadd.s32 $0x1, s23;
	[sflag:s21] =	ssyncset.done $0x0  }
0xc1: {  	p2 =	sne.s32 s23, s9;
	[sflag:s21] =	ssyncadd.s32 $0xFFFFC000  }
.Ltmp1:
0xc2: {  	s24 =	simm.s32 @!p1 $0x2;
	[bflag:$0x0] =	sbarrier.arrive $0xFFFF;
	(pc) =	sbr.rel @p2 .LBB2_1-.Ltmp1, $4  }
0xc3: {  	[hbm:s8], [sflag:s5] =	dma.local @!p1 [spmem:s22], $0x27100  }
0xc4: {  	_ =	swait.ge @!p1 [sflag:s24], $0x27100  }
0xc5: {  	[sflag:s24] =	ssyncset.done @!p1 $0x0  }
0xc6: {  	[sflag:s24] =	ssyncadd.s32 @!p1 $0xFFFD8F00  }
0xc7: {  	_ =	sfence.sel $0x180000  }
0xc8: {  	[bflag:$0x0] =	sbarrier.arrive $0xFFFF  }
0xc9: {  	_ =	strace $0x90000047  }
0xca: {  	s0 =	sadd.s32 @!p1 $0x100000, s0;
	[bflag:$0x2] =	sbarrier.arrive $0xFFFF  }
0xcb: {  	[sflag:s0] =	ssyncadd.tile.s32 @!p1 $0x1;
	_ =	shalt  }
.Lfunc_end2:
_tile_overlayer_lowered:
.L_overlay_start_2:
0xcc: {  	(tag) =	ssettag $0x2  }
0xcd: {  	s0 =	rddreg [dreg:$0x0];
	s2 =	stileid.u32  }
0xce: {  	s1 =	rddreg [dreg:$0x1];
	p0 =	sne.s32 s2, $0x0  }
0xcf: {  	s3 =	rddreg [dreg:$0x2];
	[bflag:$0x3] =	sbarrier.arrive $0xFFFF;
	s2 =	simm.s32 @!p0 $0x1C02  }
0xd0: {  	[timem:s3], [sflag:s2] =	dma.local @!p0 [hbm:s0], s1  }
0xd1: {  	s0 =	simm.s32 @!p0 $0x2  }
0xd2: {  	_ =	swait.ge @!p0 [sflag:s0], s1  }
0xd3: {  	s1 =	ssub.s32 @!p0 $0x0, s1;
	[sflag:s0] =	ssyncset.done @!p0 $0x0  }
0xd4: {  	[sflag:s0] =	ssyncadd.s32 @!p0 s1  }
0xd5: {  	[bflag:$0x3] =	sbarrier.arrive $0xFFFF  }
0xd6: {  	_ =	shalt  }

</sc_bundles>
